<compile_context>
chip_gen: v7x
topology: tpu7x:2x2x1
jax: 0.10.2.dev20260603
libtpu: 0.0.44.dev20260713+nightly
codegen_flags: <defaults>
</compile_context>

<pallas_src>
import functools

import jax
import jax.numpy as jnp
from jax import lax
from jax.experimental import pallas as pl
from jax.experimental.pallas import tpu as pltpu
from jax.experimental.pallas import tpu_sc as plsc

_NC = 2
_NS = 16
_L = 16


def _sc_segment_sums(src_feat, edge_feat, src_idx, dst_idx):
    n, d = src_feat.shape
    e = src_idx.shape[0]
    assert d == 128 and n % _NS == 0 and n % 8 == 0
    ept = e // _NS
    K = 128
    n_main = ept // K
    tail = ept - n_main * K
    assert tail % 8 == 0 and e % _NS == 0
    G = 6
    assert n_main % G == 0 and n_main % 2 == 0
    n_blocks = n_main // G
    rpt = (n // (8 * _NS)) * 8
    rem = n - _NS * rpt

    mesh = plsc.VectorSubcoreMesh(
        core_axis_name="c", subcore_axis_name="s",
        num_cores=_NC, num_subcores=_NS)

    @functools.partial(
        pl.kernel,
        out_type=[
            jax.ShapeDtypeStruct((n, d), jnp.float32),
            jax.ShapeDtypeStruct((n, d), jnp.float32),
            jax.ShapeDtypeStruct((n,), jnp.float32),
        ],
        mesh=mesh,
    scratch_types=[
            pltpu.VMEM_SHARED((n, d), jnp.float32),
            pltpu.VMEM_SHARED((n,), jnp.float32),
            pltpu.VMEM((K,), jnp.int32),
            pltpu.VMEM((K,), jnp.int32),
            pltpu.VMEM((K,), jnp.int32),
            pltpu.VMEM((K,), jnp.int32),
            pltpu.VMEM((K, d), jnp.float32),
            pltpu.VMEM((K, d), jnp.float32),
            pltpu.VMEM((K,), jnp.float32),
            pltpu.VMEM((K,), jnp.float32),
            pltpu.VMEM((G * K,), jnp.int32),
            pltpu.VMEM((G * K,), jnp.int32),
            pltpu.VMEM((tail,), jnp.int32),
            pltpu.VMEM((tail,), jnp.int32),
            pltpu.SemaphoreType.DMA,
            pltpu.SemaphoreType.DMA,
            pltpu.SemaphoreType.DMA,
            pltpu.SemaphoreType.DMA,
            pltpu.SemaphoreType.DMA,
            pltpu.SemaphoreType.DMA,
        ],
    )
    def sc_kernel(src_hbm, edge_hbm, sidx_hbm, didx_hbm,
                  out_a, out_b, out_deg,
                  acc, deg_acc, idx_s0, idx_s1, idx_d0, idx_d1,
                  rows0, rows1, ones, zvec, big_s, big_d,
                  idx_s2, idx_d2,
                  sem_g0, sem_g1, sem_s0, sem_s1, sem_h0, sem_h1):
        c = lax.axis_index("c")
        s = lax.axis_index("s")
        zeros16 = jnp.zeros((_L,), jnp.float32)
        ones16 = jnp.full((_L,), 1.0, jnp.float32)
        base_rows = s * rpt
        idx_s = [idx_s0, idx_s1]
        idx_d = [idx_d0, idx_d1]
        rows = [rows0, rows1]
        sem_g = [sem_g0, sem_g1]
        sem_s = [sem_s0, sem_s1]
        sem_h = [sem_h0, sem_h1]

        def zrow(r, _):
            for j in range(d // _L):
                rows0[r, pl.ds(j * _L, _L)] = zeros16
            return _
        lax.fori_loop(0, K, zrow, None)

        def vec_init(j, _):
            ones[pl.ds(j * _L, _L)] = ones16
            zvec[pl.ds(j * _L, _L)] = zeros16
            return _
        lax.fori_loop(0, K // _L, vec_init, None)

        def zero_slices(row0, cnt):
            off = 0
            while off < cnt:
                step = min(K, cnt - off)
                pltpu.sync_copy(rows0.at[pl.ds(0, step)],
                                acc.at[pl.ds(row0 + off, step)])
                pltpu.sync_copy(zvec.at[pl.ds(0, step)],
                                deg_acc.at[pl.ds(row0 + off, step)])
                off += step

        zero_slices(base_rows, rpt)
        if rem:
            @pl.when(s == _NS - 1)
            def _():
                zero_slices(_NS * rpt, rem)

        plsc.subcore_barrier()

        tile_base = s * ept

        def copy_idx(dst_ref, src_big, off):
            for j in range(K // _L):
                dst_ref[pl.ds(j * _L, _L)] = src_big[pl.ds(off + j * _L, _L)]

        def load_big(b):
            base = tile_base + b * G * K
            pltpu.sync_copy(didx_hbm.at[pl.ds(base, G * K)], big_d)

            @pl.when(c == 0)
            def _():
                pltpu.sync_copy(sidx_hbm.at[pl.ds(base, G * K)], big_s)

        def start_fetch(g, p):
            @pl.when(c == 0)
            def _():
                pltpu.async_copy(src_hbm.at[idx_s[p]], rows[p], sem_g[p])

            @pl.when(c == 1)
            def _():
                base = tile_base + g * K
                pltpu.async_copy(edge_hbm.at[pl.ds(base, K)], rows[p],
                                 sem_g[p])

        def wait_fetch(g, p):
            @pl.when(c == 0)
            def _():
                pltpu.make_async_copy(src_hbm.at[idx_s[p]], rows[p],
                                      sem_g[p]).wait()

            @pl.when(c == 1)
            def _():
                base = tile_base + g * K
                pltpu.make_async_copy(edge_hbm.at[pl.ds(base, K)], rows[p],
                                      sem_g[p]).wait()

        def start_scatter(p):
            pltpu.async_copy(rows[p], acc.at[idx_d[p]], sem_s[p], add=True)

            @pl.when(c == 1)
            def _():
                pltpu.async_copy(ones, deg_acc.at[idx_d[p]], sem_h[p],
                                 add=True)

        def wait_scatter(p):
            pltpu.make_async_copy(rows[p], acc.at[idx_d[p]], sem_s[p]).wait()

            @pl.when(c == 1)
            def _():
                pltpu.make_async_copy(ones, deg_acc.at[idx_d[p]],
                                      sem_h[p]).wait()

        def stage_idx(p, off):
            copy_idx(idx_d[p], big_d, off)

            @pl.when(c == 0)
            def _():
                copy_idx(idx_s[p], big_s, off)

        load_big(0)
        stage_idx(0, 0)
        start_fetch(0, 0)

        def block_body(b, _):
            for jj in range(G):
                g = b * G + jj
                p = jj % 2
                q = 1 - p
                wait_fetch(g, p)
                start_scatter(p)

                @pl.when(g > 0)
                def _():
                    wait_scatter(q)

                if jj < G - 1:
                    stage_idx(q, (jj + 1) * K)
                    start_fetch(g + 1, q)
                else:
                    @pl.when(b < n_blocks - 1)
                    def _():
                        load_big(b + 1)
                        stage_idx(q, 0)
                        start_fetch(g + 1, q)
            return _
        lax.fori_loop(0, n_blocks, block_body, None)
        wait_scatter((G - 1) % 2)

        if tail:
            base = tile_base + n_main * K
            tail_rows = rows0.at[pl.ds(0, tail)]
            pltpu.sync_copy(didx_hbm.at[pl.ds(base, tail)], idx_d2)

            @pl.when(c == 0)
            def _():
                pltpu.sync_copy(sidx_hbm.at[pl.ds(base, tail)], idx_s2)
                pltpu.async_copy(src_hbm.at[idx_s2], tail_rows,
                                 sem_g0).wait()
                pltpu.sync_copy(tail_rows, acc.at[idx_d2], add=True)

            @pl.when(c == 1)
            def _():
                pltpu.sync_copy(edge_hbm.at[pl.ds(base, tail)], tail_rows)
                pltpu.sync_copy(tail_rows, acc.at[idx_d2], add=True)
                pltpu.sync_copy(ones.at[pl.ds(0, tail)],
                                deg_acc.at[idx_d2], add=True)

        plsc.subcore_barrier()

        def drain_acc(dst_hbm, row0, cnt):
            sl = pl.ds(row0, cnt)
            pltpu.sync_copy(acc.at[sl], dst_hbm.at[sl])

        def drain_deg(row0, cnt):
            off = 0
            while off < cnt:
                step = min(K, cnt - off)
                sl = pl.ds(row0 + off, step)
                pltpu.sync_copy(deg_acc.at[sl], zvec.at[pl.ds(0, step)])
                pltpu.sync_copy(zvec.at[pl.ds(0, step)], out_deg.at[sl])
                off += step

        @pl.when(c == 0)
        def _():
            drain_acc(out_a, base_rows, rpt)
            if rem:
                @pl.when(s == _NS - 1)
                def _():
                    drain_acc(out_a, _NS * rpt, rem)

        @pl.when(c == 1)
        def _():
            drain_acc(out_b, base_rows, rpt)
            drain_deg(base_rows, rpt)
            if rem:
                @pl.when(s == _NS - 1)
                def _():
                    drain_acc(out_b, _NS * rpt, rem)
                    drain_deg(_NS * rpt, rem)

    return sc_kernel(src_feat, edge_feat, src_idx, dst_idx)


def _tc_finish(sa, sb, deg, w1, w2, bias):
    n, d = sa.shape
    bn = 1000
    assert n % bn == 0

    def body(a_ref, b_ref, deg_ref, w1_ref, w2_ref, bias_ref, out_ref):
        acc = jnp.dot(a_ref[...], w1_ref[...], preferred_element_type=jnp.float32)
        acc = acc + jnp.dot(b_ref[...], w2_ref[...], preferred_element_type=jnp.float32)
        dv = deg_ref[...]
        norm = jnp.where(dv > 0.0, lax.rsqrt(dv), 0.0)
        out_ref[...] = acc * norm + bias_ref[...]

    return pl.pallas_call(
        body,
        grid=(n // bn,),
        in_specs=[
            pl.BlockSpec((bn, d), lambda i: (i, 0)),
            pl.BlockSpec((bn, d), lambda i: (i, 0)),
            pl.BlockSpec((bn, 1), lambda i: (i, 0)),
            pl.BlockSpec((d, d), lambda i: (0, 0)),
            pl.BlockSpec((d, d), lambda i: (0, 0)),
            pl.BlockSpec((1, d), lambda i: (0, 0)),
        ],
        out_specs=pl.BlockSpec((bn, d), lambda i: (i, 0)),
        out_shape=jax.ShapeDtypeStruct((n, d), jnp.float32),
    )(sa, sb, deg, w1, w2, bias)


def kernel(src_feat, dst_feat, edge_feat, edge_index, W, b):
    del dst_feat
    n, d = src_feat.shape
    src_idx = edge_index[0]
    dst_idx = edge_index[1]
    sa, sb, deg = _sc_segment_sums(src_feat, edge_feat, src_idx, dst_idx)
    return _tc_finish(sa, sb, deg.reshape(n, 1), W[:d], W[d:], b.reshape(1, d))

# --- scband reference (transcript-rebuilt; emitter-appended) ---
"""Pipeline reference for scband-rel-graph-conv-layer-31688268709949 (READ-ONLY COPY).

The authoritative reference and input builder live on the scoring server;
editing this copy changes nothing except your own understanding.
"""

import jax, jax.numpy as jnp
import numpy as np

N = 10000
E = 320000
D = 128

def setup_inputs(seed: int = 0) -> dict:
    key = jax.random.key(seed)
    k1, k2, k3, k4, k5 = jax.random.split(key, 5)
    src_feat = jax.random.normal(k1, (N, D), dtype=jnp.float32)
    dst_feat = jax.random.normal(k2, (N, D), dtype=jnp.float32)
    edge_feat = jax.random.normal(k3, (E, D), dtype=jnp.float32)
    edge_index = jax.random.randint(k4, (2, E), 0, N)
    # xavier_uniform on W.T (shape [D, 2D]): bound = sqrt(6/(D + 2D))
    bound = float(np.sqrt(6.0 / (D + 2 * D)))
    W = jax.random.uniform(k5, (2 * D, D), minval=-bound, maxval=bound, dtype=jnp.float32)
    b = jnp.zeros((D,), dtype=jnp.float32)
    return {"src_feat": src_feat, "dst_feat": dst_feat, "edge_feat": edge_feat,
            "edge_index": edge_index, "W": W, "b": b}

def reference(src_feat, dst_feat, edge_feat, edge_index, W, b):
    # GraphConvwithEdgeFeat forward, edge_feat_mp_op='concat', num_edges > 0 path.
    src = edge_index[0]
    dst = edge_index[1]
    # apply_edges: m = concat(src_h, e_h) @ W  (per-edge message)
    m = jnp.concatenate([src_feat[src], edge_feat], axis=1) @ W  # [E, D]
    # in_degrees and symmetric-ish norm: deg^-0.5 on dst nodes
    deg = jnp.zeros((N,), dtype=jnp.float32).at[dst].add(1.0)
    norm = jnp.power(deg, -0.5)  # inf for isolated nodes, never gathered below
    # update_all(e_mul_v(m, norm), sum): h[v] = sum_{e->v} m_e * norm[v]
    h = jax.ops.segment_sum(m * norm[dst][:, None], dst, num_segments=N)  # [N, D]
    h = h + b
    return h

if __name__ == "__main__":
    import jax
    _d = setup_inputs()
    print(jax.jit(kernel)(*tuple(_d.values())))

</pallas_src>

<mosaic_0001>
#map = affine_map<(d0, d1) -> (0, 0)>
#map1 = affine_map<(d0, d1) -> (0)>
module attributes {stable_mosaic.version = 14 : i64} {
  func.func @sc_kernel(%arg0: i32, %arg1: i32, %arg2: memref<10000x128xf32, #tpu.memory_space<hbm>>, %arg3: memref<320000x128xf32, #tpu.memory_space<hbm>>, %arg4: memref<320000xi32, #tpu.memory_space<hbm>>, %arg5: memref<320000xi32, #tpu.memory_space<hbm>>, %arg6: memref<10000x128xf32, #tpu.memory_space<hbm>>, %arg7: memref<10000x128xf32, #tpu.memory_space<hbm>>, %arg8: memref<10000xf32, #tpu.memory_space<hbm>>, %arg9: memref<10000x128xf32, #tpu.memory_space<vmem_shared>>, %arg10: memref<10000xf32, #tpu.memory_space<vmem_shared>>, %arg11: memref<128xi32, #tpu.memory_space<vmem>>, %arg12: memref<128xi32, #tpu.memory_space<vmem>>, %arg13: memref<128xi32, #tpu.memory_space<vmem>>, %arg14: memref<128xi32, #tpu.memory_space<vmem>>, %arg15: memref<128x128xf32, #tpu.memory_space<vmem>>, %arg16: memref<128x128xf32, #tpu.memory_space<vmem>>, %arg17: memref<128xf32, #tpu.memory_space<vmem>>, %arg18: memref<128xf32, #tpu.memory_space<vmem>>, %arg19: memref<768xi32, #tpu.memory_space<vmem>>, %arg20: memref<768xi32, #tpu.memory_space<vmem>>, %arg21: memref<32xi32, #tpu.memory_space<vmem>>, %arg22: memref<32xi32, #tpu.memory_space<vmem>>, %arg23: memref<!tpu.dma_semaphore, #tpu.memory_space<semaphore_mem>>, %arg24: memref<!tpu.dma_semaphore, #tpu.memory_space<semaphore_mem>>, %arg25: memref<!tpu.dma_semaphore, #tpu.memory_space<semaphore_mem>>, %arg26: memref<!tpu.dma_semaphore, #tpu.memory_space<semaphore_mem>>, %arg27: memref<!tpu.dma_semaphore, #tpu.memory_space<semaphore_mem>>, %arg28: memref<!tpu.dma_semaphore, #tpu.memory_space<semaphore_mem>>) attributes {dimension_semantics = [#tpu.dimension_semantics<core_parallel>, #tpu.dimension_semantics<subcore_parallel>], iteration_bounds = array<i64: 2, 16>, scalar_prefetch = 0 : i64, scratch_operands = 20 : i64, tpu.core_type = #tpu.core_type<sc_vector_subcore>, window_params = [{transform_indices = #map}, {transform_indices = #map}, {transform_indices = #map1}, {transform_indices = #map1}, {transform_indices = #map}, {transform_indices = #map}, {transform_indices = #map1}]} {
    %broadcast_in_dim3A = arith.constant 0.000000e+00 : f32
    %broadcast_in_dim3A_0 = vector.broadcast %broadcast_in_dim3A : f32 to vector<16xf32>
    %broadcast_in_dim3A_1 = arith.constant 1.000000e+00 : f32
    %broadcast_in_dim3A_2 = vector.broadcast %broadcast_in_dim3A_1 : f32 to vector<16xf32>
    %mul3A = arith.constant 624 : i32
    %mul3A_3 = arith.muli %arg1, %mul3A : i32
    %scan3A = arith.constant 0 : i32
    %scan3A_4 = arith.constant 128 : i32
    %scan3A_5 = arith.addi %scan3A, %scan3A_4 : i32
    %scan3A_6 = arith.constant 1 : i32
    scf.for %scan3A_147 = %scan3A to %scan3A_5 step %scan3A_6  : i32 {
      %swap3A_148 = arith.index_cast %scan3A_147 : i32 to index
      %swap3A_149 = arith.constant 0 : index
      %swap3A_150 = tpu.vector_load %arg15[%swap3A_148, %swap3A_149] {strides = array<i32>} : memref<128x128xf32, #tpu.memory_space<vmem>>, vector<1x16xf32>,
      %swap3A_151 = vector.shape_cast %swap3A_150 : vector<1x16xf32> to vector<16xf32>
      %swap3A_152 = vector.shape_cast %broadcast_in_dim3A_0 : vector<16xf32> to vector<1x16xf32>
      tpu.vector_store %arg15[%swap3A_148, %swap3A_149], %swap3A_152 {strides = array<i32>} : memref<128x128xf32, #tpu.memory_space<vmem>>, vector<1x16xf32>,
      %swap3A_153 = arith.index_cast %scan3A_147 : i32 to index
      %swap3A_154 = arith.constant 16 : index
      %swap3A_155 = tpu.vector_load %arg15[%swap3A_153, %swap3A_154] {strides = array<i32>} : memref<128x128xf32, #tpu.memory_space<vmem>>, vector<1x16xf32>,
      %swap3A_156 = vector.shape_cast %swap3A_155 : vector<1x16xf32> to vector<16xf32>
      %swap3A_157 = vector.shape_cast %broadcast_in_dim3A_0 : vector<16xf32> to vector<1x16xf32>
      tpu.vector_store %arg15[%swap3A_153, %swap3A_154], %swap3A_157 {strides = array<i32>} : memref<128x128xf32, #tpu.memory_space<vmem>>, vector<1x16xf32>,
      %swap3A_158 = arith.index_cast %scan3A_147 : i32 to index
      %swap3A_159 = arith.constant 32 : index
      %swap3A_160 = tpu.vector_load %arg15[%swap3A_158, %swap3A_159] {strides = array<i32>} : memref<128x128xf32, #tpu.memory_space<vmem>>, vector<1x16xf32>,
      %swap3A_161 = vector.shape_cast %swap3A_160 : vector<1x16xf32> to vector<16xf32>
      %swap3A_162 = vector.shape_cast %broadcast_in_dim3A_0 : vector<16xf32> to vector<1x16xf32>
      tpu.vector_store %arg15[%swap3A_158, %swap3A_159], %swap3A_162 {strides = array<i32>} : memref<128x128xf32, #tpu.memory_space<vmem>>, vector<1x16xf32>,
      %swap3A_163 = arith.index_cast %scan3A_147 : i32 to index
      %swap3A_164 = arith.constant 48 : index
      %swap3A_165 = tpu.vector_load %arg15[%swap3A_163, %swap3A_164] {strides = array<i32>} : memref<128x128xf32, #tpu.memory_space<vmem>>, vector<1x16xf32>,
      %swap3A_166 = vector.shape_cast %swap3A_165 : vector<1x16xf32> to vector<16xf32>
      %swap3A_167 = vector.shape_cast %broadcast_in_dim3A_0 : vector<16xf32> to vector<1x16xf32>
      tpu.vector_store %arg15[%swap3A_163, %swap3A_164], %swap3A_167 {strides = array<i32>} : memref<128x128xf32, #tpu.memory_space<vmem>>, vector<1x16xf32>,
      %swap3A_168 = arith.index_cast %scan3A_147 : i32 to index
      %swap3A_169 = arith.constant 64 : index
      %swap3A_170 = tpu.vector_load %arg15[%swap3A_168, %swap3A_169] {strides = array<i32>} : memref<128x128xf32, #tpu.memory_space<vmem>>, vector<1x16xf32>,
      %swap3A_171 = vector.shape_cast %swap3A_170 : vector<1x16xf32> to vector<16xf32>
      %swap3A_172 = vector.shape_cast %broadcast_in_dim3A_0 : vector<16xf32> to vector<1x16xf32>
      tpu.vector_store %arg15[%swap3A_168, %swap3A_169], %swap3A_172 {strides = array<i32>} : memref<128x128xf32, #tpu.memory_space<vmem>>, vector<1x16xf32>,
      %swap3A_173 = arith.index_cast %scan3A_147 : i32 to index
      %swap3A_174 = arith.constant 80 : index
      %swap3A_175 = tpu.vector_load %arg15[%swap3A_173, %swap3A_174] {strides = array<i32>} : memref<128x128xf32, #tpu.memory_space<vmem>>, vector<1x16xf32>,
      %swap3A_176 = vector.shape_cast %swap3A_175 : vector<1x16xf32> to vector<16xf32>
      %swap3A_177 = vector.shape_cast %broadcast_in_dim3A_0 : vector<16xf32> to vector<1x16xf32>
      tpu.vector_store %arg15[%swap3A_173, %swap3A_174], %swap3A_177 {strides = array<i32>} : memref<128x128xf32, #tpu.memory_space<vmem>>, vector<1x16xf32>,
      %swap3A_178 = arith.index_cast %scan3A_147 : i32 to index
      %swap3A_179 = arith.constant 96 : index
      %swap3A_180 = tpu.vector_load %arg15[%swap3A_178, %swap3A_179] {strides = array<i32>} : memref<128x128xf32, #tpu.memory_space<vmem>>, vector<1x16xf32>,
      %swap3A_181 = vector.shape_cast %swap3A_180 : vector<1x16xf32> to vector<16xf32>
      %swap3A_182 = vector.shape_cast %broadcast_in_dim3A_0 : vector<16xf32> to vector<1x16xf32>
      tpu.vector_store %arg15[%swap3A_178, %swap3A_179], %swap3A_182 {strides = array<i32>} : memref<128x128xf32, #tpu.memory_space<vmem>>, vector<1x16xf32>,
      %swap3A_183 = arith.index_cast %scan3A_147 : i32 to index
      %swap3A_184 = arith.constant 112 : index
      %swap3A_185 = tpu.vector_load %arg15[%swap3A_183, %swap3A_184] {strides = array<i32>} : memref<128x128xf32, #tpu.memory_space<vmem>>, vector<1x16xf32>,
      %swap3A_186 = vector.shape_cast %swap3A_185 : vector<1x16xf32> to vector<16xf32>
      %swap3A_187 = vector.shape_cast %broadcast_in_dim3A_0 : vector<16xf32> to vector<1x16xf32>
      tpu.vector_store %arg15[%swap3A_183, %swap3A_184], %swap3A_187 {strides = array<i32>} : memref<128x128xf32, #tpu.memory_space<vmem>>, vector<1x16xf32>,
    }
    %scan3A_7 = arith.constant 128 : i32
    %scan3A_8 = arith.constant 0 : i32
    %scan3A_9 = arith.constant 8 : i32
    %scan3A_10 = arith.addi %scan3A_8, %scan3A_9 : i32
    %scan3A_11 = arith.constant 1 : i32
    scf.for %scan3A_147 = %scan3A_8 to %scan3A_10 step %scan3A_11  : i32 {
      %mul3A_148 = arith.constant 16 : i32
      %mul3A_149 = arith.muli %scan3A_147, %mul3A_148 : i32
      %swap3A_150 = arith.index_cast %mul3A_149 : i32 to index
      %swap3A_151 = tpu.vector_load %arg17[%swap3A_150] {strides = array<i32>} : memref<128xf32, #tpu.memory_space<vmem>>, vector<16xf32>,
      %swap3A_152 = vector.shape_cast %swap3A_151 : vector<16xf32> to vector<16xf32>
      %swap3A_153 = vector.shape_cast %broadcast_in_dim3A_2 : vector<16xf32> to vector<16xf32>
      tpu.vector_store %arg17[%swap3A_150], %swap3A_153 {strides = array<i32>} : memref<128xf32, #tpu.memory_space<vmem>>, vector<16xf32>,
      %mul3A_154 = arith.constant 16 : i32
      %mul3A_155 = arith.muli %scan3A_147, %mul3A_154 : i32
      %swap3A_156 = arith.index_cast %mul3A_155 : i32 to index
      %swap3A_157 = tpu.vector_load %arg18[%swap3A_156] {strides = array<i32>} : memref<128xf32, #tpu.memory_space<vmem>>, vector<16xf32>,
      %swap3A_158 = vector.shape_cast %swap3A_157 : vector<16xf32> to vector<16xf32>
      %swap3A_159 = vector.shape_cast %broadcast_in_dim3A_0 : vector<16xf32> to vector<16xf32>
      tpu.vector_store %arg18[%swap3A_156], %swap3A_159 {strides = array<i32>} : memref<128xf32, #tpu.memory_space<vmem>>, vector<16xf32>,
    }
    %scan3A_12 = arith.constant 8 : i32
    %add3A = arith.constant 0 : i32
    %add3A_13 = arith.addi %mul3A_3, %add3A : i32
    "tpu.region"() ({
      %run_scoped3A = tpu.sem_alloc : memref<!tpu.dma_semaphore, #tpu.memory_space<semaphore_mem>>
      %dma_start3A = arith.constant 0 : i32
      %dma_start3A_147 = arith.constant 0 : i32
      %dma_start3A_148 = tpu.memref_slice %arg15[%dma_start3A, %dma_start3A_147] : memref<128x128xf32, #tpu.memory_space<vmem>> -> memref<128x128xf32, #tpu.memory_space<vmem>>
      %dma_start3A_149 = arith.constant 0 : i32
      %dma_start3A_150 = tpu.memref_slice %arg9[%add3A_13, %dma_start3A_149] : memref<10000x128xf32, #tpu.memory_space<vmem_shared>> -> memref<128x128xf32, #tpu.memory_space<vmem_shared>>
      %dma_start3A_151 = arith.constant 0 : i32
      %dma_start3A_152 = tpu.memref_slice %arg9[%add3A_13, %dma_start3A_151] : memref<10000x128xf32, #tpu.memory_space<vmem_shared>> -> memref<128x128xf32, #tpu.memory_space<vmem_shared>>
      %dma_start3A_153 = arith.constant 0 : i32
      %dma_start3A_154 = arith.constant 0 : i32
      %dma_start3A_155 = tpu.memref_slice %arg15[%dma_start3A_153, %dma_start3A_154] : memref<128x128xf32, #tpu.memory_space<vmem>> -> memref<128x128xf32, #tpu.memory_space<vmem>>
      tpu.enqueue_dma source(%dma_start3A_155 : memref<128x128xf32, #tpu.memory_space<vmem>>) target(%dma_start3A_152 : memref<128x128xf32, #tpu.memory_space<vmem_shared>>) target_semaphore(%run_scoped3A : memref<!tpu.dma_semaphore, #tpu.memory_space<semaphore_mem>>)
      %dma_wait3A_156 = arith.constant 0 : i32
      %dma_wait3A_157 = arith.constant 0 : i32
      %dma_wait3A_158 = tpu.memref_slice %arg15[%dma_wait3A_156, %dma_wait3A_157] : memref<128x128xf32, #tpu.memory_space<vmem>> -> memref<128x128xf32, #tpu.memory_space<vmem>>
      %dma_wait3A_159 = arith.constant 0 : i32
      %dma_wait3A_160 = tpu.memref_slice %arg9[%add3A_13, %dma_wait3A_159] : memref<10000x128xf32, #tpu.memory_space<vmem_shared>> -> memref<128x128xf32, #tpu.memory_space<vmem_shared>>
      %dma_wait3A_161 = arith.constant 0 : i32
      %dma_wait3A_162 = tpu.memref_slice %arg9[%add3A_13, %dma_wait3A_161] : memref<10000x128xf32, #tpu.memory_space<vmem_shared>> -> memref<128x128xf32, #tpu.memory_space<vmem_shared>>
      %dma_wait3A_163 = arith.constant 0 : i32
      %dma_wait3A_164 = arith.constant 0 : i32
      %dma_wait3A_165 = tpu.memref_slice %arg15[%dma_wait3A_163, %dma_wait3A_164] : memref<128x128xf32, #tpu.memory_space<vmem>> -> memref<128x128xf32, #tpu.memory_space<vmem>>
      tpu.wait_dma2 semaphore(%run_scoped3A : memref<!tpu.dma_semaphore, #tpu.memory_space<semaphore_mem>>) src(%dma_wait3A_165 : memref<128x128xf32, #tpu.memory_space<vmem>>) dst(%dma_wait3A_162 : memref<128x128xf32, #tpu.memory_space<vmem_shared>>)
      tpu.yield
    }) : () -> ()
    %add3A_14 = arith.constant 0 : i32
    %add3A_15 = arith.addi %mul3A_3, %add3A_14 : i32
    "tpu.region"() ({
      %run_scoped3A = tpu.sem_alloc : memref<!tpu.dma_semaphore, #tpu.memory_space<semaphore_mem>>
      %dma_start3A = arith.constant 0 : i32
      %dma_start3A_147 = tpu.memref_slice %arg18[%dma_start3A] : memref<128xf32, #tpu.memory_space<vmem>> -> memref<128xf32, #tpu.memory_space<vmem>>
      %dma_start3A_148 = tpu.memref_slice %arg10[%add3A_15] : memref<10000xf32, #tpu.memory_space<vmem_shared>> -> memref<128xf32, #tpu.memory_space<vmem_shared>>
      %dma_start3A_149 = tpu.memref_slice %arg10[%add3A_15] : memref<10000xf32, #tpu.memory_space<vmem_shared>> -> memref<128xf32, #tpu.memory_space<vmem_shared>>
      %dma_start3A_150 = arith.constant 0 : i32
      %dma_start3A_151 = tpu.memref_slice %arg18[%dma_start3A_150] : memref<128xf32, #tpu.memory_space<vmem>> -> memref<128xf32, #tpu.memory_space<vmem>>
      tpu.enqueue_dma source(%dma_start3A_151 : memref<128xf32, #tpu.memory_space<vmem>>) target(%dma_start3A_149 : memref<128xf32, #tpu.memory_space<vmem_shared>>) target_semaphore(%run_scoped3A : memref<!tpu.dma_semaphore, #tpu.memory_space<semaphore_mem>>)
      %dma_wait3A_152 = arith.constant 0 : i32
      %dma_wait3A_153 = tpu.memref_slice %arg18[%dma_wait3A_152] : memref<128xf32, #tpu.memory_space<vmem>> -> memref<128xf32, #tpu.memory_space<vmem>>
      %dma_wait3A_154 = tpu.memref_slice %arg10[%add3A_15] : memref<10000xf32, #tpu.memory_space<vmem_shared>> -> memref<128xf32, #tpu.memory_space<vmem_shared>>
      %dma_wait3A_155 = tpu.memref_slice %arg10[%add3A_15] : memref<10000xf32, #tpu.memory_space<vmem_shared>> -> memref<128xf32, #tpu.memory_space<vmem_shared>>
      %dma_wait3A_156 = arith.constant 0 : i32
      %dma_wait3A_157 = tpu.memref_slice %arg18[%dma_wait3A_156] : memref<128xf32, #tpu.memory_space<vmem>> -> memref<128xf32, #tpu.memory_space<vmem>>
      tpu.wait_dma2 semaphore(%run_scoped3A : memref<!tpu.dma_semaphore, #tpu.memory_space<semaphore_mem>>) src(%dma_wait3A_157 : memref<128xf32, #tpu.memory_space<vmem>>) dst(%dma_wait3A_155 : memref<128xf32, #tpu.memory_space<vmem_shared>>)
      tpu.yield
    }) : () -> ()
    %add3A_16 = arith.constant 128 : i32
    %add3A_17 = arith.addi %mul3A_3, %add3A_16 : i32
    "tpu.region"() ({
      %run_scoped3A = tpu.sem_alloc : memref<!tpu.dma_semaphore, #tpu.memory_space<semaphore_mem>>
      %dma_start3A = arith.constant 0 : i32
      %dma_start3A_147 = arith.constant 0 : i32
      %dma_start3A_148 = tpu.memref_slice %arg15[%dma_start3A, %dma_start3A_147] : memref<128x128xf32, #tpu.memory_space<vmem>> -> memref<128x128xf32, #tpu.memory_space<vmem>>
      %dma_start3A_149 = arith.constant 0 : i32
      %dma_start3A_150 = tpu.memref_slice %arg9[%add3A_17, %dma_start3A_149] : memref<10000x128xf32, #tpu.memory_space<vmem_shared>> -> memref<128x128xf32, #tpu.memory_space<vmem_shared>>
      %dma_start3A_151 = arith.constant 0 : i32
      %dma_start3A_152 = tpu.memref_slice %arg9[%add3A_17, %dma_start3A_151] : memref<10000x128xf32, #tpu.memory_space<vmem_shared>> -> memref<128x128xf32, #tpu.memory_space<vmem_shared>>
      %dma_start3A_153 = arith.constant 0 : i32
      %dma_start3A_154 = arith.constant 0 : i32
      %dma_start3A_155 = tpu.memref_slice %arg15[%dma_start3A_153, %dma_start3A_154] : memref<128x128xf32, #tpu.memory_space<vmem>> -> memref<128x128xf32, #tpu.memory_space<vmem>>
      tpu.enqueue_dma source(%dma_start3A_155 : memref<128x128xf32, #tpu.memory_space<vmem>>) target(%dma_start3A_152 : memref<128x128xf32, #tpu.memory_space<vmem_shared>>) target_semaphore(%run_scoped3A : memref<!tpu.dma_semaphore, #tpu.memory_space<semaphore_mem>>)
      %dma_wait3A_156 = arith.constant 0 : i32
      %dma_wait3A_157 = arith.constant 0 : i32
      %dma_wait3A_158 = tpu.memref_slice %arg15[%dma_wait3A_156, %dma_wait3A_157] : memref<128x128xf32, #tpu.memory_space<vmem>> -> memref<128x128xf32, #tpu.memory_space<vmem>>
      %dma_wait3A_159 = arith.constant 0 : i32
      %dma_wait3A_160 = tpu.memref_slice %arg9[%add3A_17, %dma_wait3A_159] : memref<10000x128xf32, #tpu.memory_space<vmem_shared>> -> memref<128x128xf32, #tpu.memory_space<vmem_shared>>
      %dma_wait3A_161 = arith.constant 0 : i32
      %dma_wait3A_162 = tpu.memref_slice %arg9[%add3A_17, %dma_wait3A_161] : memref<10000x128xf32, #tpu.memory_space<vmem_shared>> -> memref<128x128xf32, #tpu.memory_space<vmem_shared>>
      %dma_wait3A_163 = arith.constant 0 : i32
      %dma_wait3A_164 = arith.constant 0 : i32
      %dma_wait3A_165 = tpu.memref_slice %arg15[%dma_wait3A_163, %dma_wait3A_164] : memref<128x128xf32, #tpu.memory_space<vmem>> -> memref<128x128xf32, #tpu.memory_space<vmem>>
      tpu.wait_dma2 semaphore(%run_scoped3A : memref<!tpu.dma_semaphore, #tpu.memory_space<semaphore_mem>>) src(%dma_wait3A_165 : memref<128x128xf32, #tpu.memory_space<vmem>>) dst(%dma_wait3A_162 : memref<128x128xf32, #tpu.memory_space<vmem_shared>>)
      tpu.yield
    }) : () -> ()
    %add3A_18 = arith.constant 128 : i32
    %add3A_19 = arith.addi %mul3A_3, %add3A_18 : i32
    "tpu.region"() ({
      %run_scoped3A = tpu.sem_alloc : memref<!tpu.dma_semaphore, #tpu.memory_space<semaphore_mem>>
      %dma_start3A = arith.constant 0 : i32
      %dma_start3A_147 = tpu.memref_slice %arg18[%dma_start3A] : memref<128xf32, #tpu.memory_space<vmem>> -> memref<128xf32, #tpu.memory_space<vmem>>
      %dma_start3A_148 = tpu.memref_slice %arg10[%add3A_19] : memref<10000xf32, #tpu.memory_space<vmem_shared>> -> memref<128xf32, #tpu.memory_space<vmem_shared>>
      %dma_start3A_149 = tpu.memref_slice %arg10[%add3A_19] : memref<10000xf32, #tpu.memory_space<vmem_shared>> -> memref<128xf32, #tpu.memory_space<vmem_shared>>
      %dma_start3A_150 = arith.constant 0 : i32
      %dma_start3A_151 = tpu.memref_slice %arg18[%dma_start3A_150] : memref<128xf32, #tpu.memory_space<vmem>> -> memref<128xf32, #tpu.memory_space<vmem>>
      tpu.enqueue_dma source(%dma_start3A_151 : memref<128xf32, #tpu.memory_space<vmem>>) target(%dma_start3A_149 : memref<128xf32, #tpu.memory_space<vmem_shared>>) target_semaphore(%run_scoped3A : memref<!tpu.dma_semaphore, #tpu.memory_space<semaphore_mem>>)
      %dma_wait3A_152 = arith.constant 0 : i32
      %dma_wait3A_153 = tpu.memref_slice %arg18[%dma_wait3A_152] : memref<128xf32, #tpu.memory_space<vmem>> -> memref<128xf32, #tpu.memory_space<vmem>>
      %dma_wait3A_154 = tpu.memref_slice %arg10[%add3A_19] : memref<10000xf32, #tpu.memory_space<vmem_shared>> -> memref<128xf32, #tpu.memory_space<vmem_shared>>
      %dma_wait3A_155 = tpu.memref_slice %arg10[%add3A_19] : memref<10000xf32, #tpu.memory_space<vmem_shared>> -> memref<128xf32, #tpu.memory_space<vmem_shared>>
      %dma_wait3A_156 = arith.constant 0 : i32
      %dma_wait3A_157 = tpu.memref_slice %arg18[%dma_wait3A_156] : memref<128xf32, #tpu.memory_space<vmem>> -> memref<128xf32, #tpu.memory_space<vmem>>
      tpu.wait_dma2 semaphore(%run_scoped3A : memref<!tpu.dma_semaphore, #tpu.memory_space<semaphore_mem>>) src(%dma_wait3A_157 : memref<128xf32, #tpu.memory_space<vmem>>) dst(%dma_wait3A_155 : memref<128xf32, #tpu.memory_space<vmem_shared>>)
      tpu.yield
    }) : () -> ()
    %add3A_20 = arith.constant 256 : i32
    %add3A_21 = arith.addi %mul3A_3, %add3A_20 : i32
    "tpu.region"() ({
      %run_scoped3A = tpu.sem_alloc : memref<!tpu.dma_semaphore, #tpu.memory_space<semaphore_mem>>
      %dma_start3A = arith.constant 0 : i32
      %dma_start3A_147 = arith.constant 0 : i32
      %dma_start3A_148 = tpu.memref_slice %arg15[%dma_start3A, %dma_start3A_147] : memref<128x128xf32, #tpu.memory_space<vmem>> -> memref<128x128xf32, #tpu.memory_space<vmem>>
      %dma_start3A_149 = arith.constant 0 : i32
      %dma_start3A_150 = tpu.memref_slice %arg9[%add3A_21, %dma_start3A_149] : memref<10000x128xf32, #tpu.memory_space<vmem_shared>> -> memref<128x128xf32, #tpu.memory_space<vmem_shared>>
      %dma_start3A_151 = arith.constant 0 : i32
      %dma_start3A_152 = tpu.memref_slice %arg9[%add3A_21, %dma_start3A_151] : memref<10000x128xf32, #tpu.memory_space<vmem_shared>> -> memref<128x128xf32, #tpu.memory_space<vmem_shared>>
      %dma_start3A_153 = arith.constant 0 : i32
      %dma_start3A_154 = arith.constant 0 : i32
      %dma_start3A_155 = tpu.memref_slice %arg15[%dma_start3A_153, %dma_start3A_154] : memref<128x128xf32, #tpu.memory_space<vmem>> -> memref<128x128xf32, #tpu.memory_space<vmem>>
      tpu.enqueue_dma source(%dma_start3A_155 : memref<128x128xf32, #tpu.memory_space<vmem>>) target(%dma_start3A_152 : memref<128x128xf32, #tpu.memory_space<vmem_shared>>) target_semaphore(%run_scoped3A : memref<!tpu.dma_semaphore, #tpu.memory_space<semaphore_mem>>)
      %dma_wait3A_156 = arith.constant 0 : i32
      %dma_wait3A_157 = arith.constant 0 : i32
      %dma_wait3A_158 = tpu.memref_slice %arg15[%dma_wait3A_156, %dma_wait3A_157] : memref<128x128xf32, #tpu.memory_space<vmem>> -> memref<128x128xf32, #tpu.memory_space<vmem>>
      %dma_wait3A_159 = arith.constant 0 : i32
      %dma_wait3A_160 = tpu.memref_slice %arg9[%add3A_21, %dma_wait3A_159] : memref<10000x128xf32, #tpu.memory_space<vmem_shared>> -> memref<128x128xf32, #tpu.memory_space<vmem_shared>>
      %dma_wait3A_161 = arith.constant 0 : i32
      %dma_wait3A_162 = tpu.memref_slice %arg9[%add3A_21, %dma_wait3A_161] : memref<10000x128xf32, #tpu.memory_space<vmem_shared>> -> memref<128x128xf32, #tpu.memory_space<vmem_shared>>
      %dma_wait3A_163 = arith.constant 0 : i32
      %dma_wait3A_164 = arith.constant 0 : i32
      %dma_wait3A_165 = tpu.memref_slice %arg15[%dma_wait3A_163, %dma_wait3A_164] : memref<128x128xf32, #tpu.memory_space<vmem>> -> memref<128x128xf32, #tpu.memory_space<vmem>>
      tpu.wait_dma2 semaphore(%run_scoped3A : memref<!tpu.dma_semaphore, #tpu.memory_space<semaphore_mem>>) src(%dma_wait3A_165 : memref<128x128xf32, #tpu.memory_space<vmem>>) dst(%dma_wait3A_162 : memref<128x128xf32, #tpu.memory_space<vmem_shared>>)
      tpu.yield
    }) : () -> ()
    %add3A_22 = arith.constant 256 : i32
    %add3A_23 = arith.addi %mul3A_3, %add3A_22 : i32
    "tpu.region"() ({
      %run_scoped3A = tpu.sem_alloc : memref<!tpu.dma_semaphore, #tpu.memory_space<semaphore_mem>>
      %dma_start3A = arith.constant 0 : i32
      %dma_start3A_147 = tpu.memref_slice %arg18[%dma_start3A] : memref<128xf32, #tpu.memory_space<vmem>> -> memref<128xf32, #tpu.memory_space<vmem>>
      %dma_start3A_148 = tpu.memref_slice %arg10[%add3A_23] : memref<10000xf32, #tpu.memory_space<vmem_shared>> -> memref<128xf32, #tpu.memory_space<vmem_shared>>
      %dma_start3A_149 = tpu.memref_slice %arg10[%add3A_23] : memref<10000xf32, #tpu.memory_space<vmem_shared>> -> memref<128xf32, #tpu.memory_space<vmem_shared>>
      %dma_start3A_150 = arith.constant 0 : i32
      %dma_start3A_151 = tpu.memref_slice %arg18[%dma_start3A_150] : memref<128xf32, #tpu.memory_space<vmem>> -> memref<128xf32, #tpu.memory_space<vmem>>
      tpu.enqueue_dma source(%dma_start3A_151 : memref<128xf32, #tpu.memory_space<vmem>>) target(%dma_start3A_149 : memref<128xf32, #tpu.memory_space<vmem_shared>>) target_semaphore(%run_scoped3A : memref<!tpu.dma_semaphore, #tpu.memory_space<semaphore_mem>>)
      %dma_wait3A_152 = arith.constant 0 : i32
      %dma_wait3A_153 = tpu.memref_slice %arg18[%dma_wait3A_152] : memref<128xf32, #tpu.memory_space<vmem>> -> memref<128xf32, #tpu.memory_space<vmem>>
      %dma_wait3A_154 = tpu.memref_slice %arg10[%add3A_23] : memref<10000xf32, #tpu.memory_space<vmem_shared>> -> memref<128xf32, #tpu.memory_space<vmem_shared>>
      %dma_wait3A_155 = tpu.memref_slice %arg10[%add3A_23] : memref<10000xf32, #tpu.memory_space<vmem_shared>> -> memref<128xf32, #tpu.memory_space<vmem_shared>>
      %dma_wait3A_156 = arith.constant 0 : i32
      %dma_wait3A_157 = tpu.memref_slice %arg18[%dma_wait3A_156] : memref<128xf32, #tpu.memory_space<vmem>> -> memref<128xf32, #tpu.memory_space<vmem>>
      tpu.wait_dma2 semaphore(%run_scoped3A : memref<!tpu.dma_semaphore, #tpu.memory_space<semaphore_mem>>) src(%dma_wait3A_157 : memref<128xf32, #tpu.memory_space<vmem>>) dst(%dma_wait3A_155 : memref<128xf32, #tpu.memory_space<vmem_shared>>)
      tpu.yield
    }) : () -> ()
    %add3A_24 = arith.constant 384 : i32
    %add3A_25 = arith.addi %mul3A_3, %add3A_24 : i32
    "tpu.region"() ({
      %run_scoped3A = tpu.sem_alloc : memref<!tpu.dma_semaphore, #tpu.memory_space<semaphore_mem>>
      %dma_start3A = arith.constant 0 : i32
      %dma_start3A_147 = arith.constant 0 : i32
      %dma_start3A_148 = tpu.memref_slice %arg15[%dma_start3A, %dma_start3A_147] : memref<128x128xf32, #tpu.memory_space<vmem>> -> memref<128x128xf32, #tpu.memory_space<vmem>>
      %dma_start3A_149 = arith.constant 0 : i32
      %dma_start3A_150 = tpu.memref_slice %arg9[%add3A_25, %dma_start3A_149] : memref<10000x128xf32, #tpu.memory_space<vmem_shared>> -> memref<128x128xf32, #tpu.memory_space<vmem_shared>>
      %dma_start3A_151 = arith.constant 0 : i32
      %dma_start3A_152 = tpu.memref_slice %arg9[%add3A_25, %dma_start3A_151] : memref<10000x128xf32, #tpu.memory_space<vmem_shared>> -> memref<128x128xf32, #tpu.memory_space<vmem_shared>>
      %dma_start3A_153 = arith.constant 0 : i32
      %dma_start3A_154 = arith.constant 0 : i32
      %dma_start3A_155 = tpu.memref_slice %arg15[%dma_start3A_153, %dma_start3A_154] : memref<128x128xf32, #tpu.memory_space<vmem>> -> memref<128x128xf32, #tpu.memory_space<vmem>>
      tpu.enqueue_dma source(%dma_start3A_155 : memref<128x128xf32, #tpu.memory_space<vmem>>) target(%dma_start3A_152 : memref<128x128xf32, #tpu.memory_space<vmem_shared>>) target_semaphore(%run_scoped3A : memref<!tpu.dma_semaphore, #tpu.memory_space<semaphore_mem>>)
      %dma_wait3A_156 = arith.constant 0 : i32
      %dma_wait3A_157 = arith.constant 0 : i32
      %dma_wait3A_158 = tpu.memref_slice %arg15[%dma_wait3A_156, %dma_wait3A_157] : memref<128x128xf32, #tpu.memory_space<vmem>> -> memref<128x128xf32, #tpu.memory_space<vmem>>
      %dma_wait3A_159 = arith.constant 0 : i32
      %dma_wait3A_160 = tpu.memref_slice %arg9[%add3A_25, %dma_wait3A_159] : memref<10000x128xf32, #tpu.memory_space<vmem_shared>> -> memref<128x128xf32, #tpu.memory_space<vmem_shared>>
      %dma_wait3A_161 = arith.constant 0 : i32
      %dma_wait3A_162 = tpu.memref_slice %arg9[%add3A_25, %dma_wait3A_161] : memref<10000x128xf32, #tpu.memory_space<vmem_shared>> -> memref<128x128xf32, #tpu.memory_space<vmem_shared>>
      %dma_wait3A_163 = arith.constant 0 : i32
      %dma_wait3A_164 = arith.constant 0 : i32
      %dma_wait3A_165 = tpu.memref_slice %arg15[%dma_wait3A_163, %dma_wait3A_164] : memref<128x128xf32, #tpu.memory_space<vmem>> -> memref<128x128xf32, #tpu.memory_space<vmem>>
      tpu.wait_dma2 semaphore(%run_scoped3A : memref<!tpu.dma_semaphore, #tpu.memory_space<semaphore_mem>>) src(%dma_wait3A_165 : memref<128x128xf32, #tpu.memory_space<vmem>>) dst(%dma_wait3A_162 : memref<128x128xf32, #tpu.memory_space<vmem_shared>>)
      tpu.yield
    }) : () -> ()
    %add3A_26 = arith.constant 384 : i32
    %add3A_27 = arith.addi %mul3A_3, %add3A_26 : i32
    "tpu.region"() ({
      %run_scoped3A = tpu.sem_alloc : memref<!tpu.dma_semaphore, #tpu.memory_space<semaphore_mem>>
      %dma_start3A = arith.constant 0 : i32
      %dma_start3A_147 = tpu.memref_slice %arg18[%dma_start3A] : memref<128xf32, #tpu.memory_space<vmem>> -> memref<128xf32, #tpu.memory_space<vmem>>
      %dma_start3A_148 = tpu.memref_slice %arg10[%add3A_27] : memref<10000xf32, #tpu.memory_space<vmem_shared>> -> memref<128xf32, #tpu.memory_space<vmem_shared>>
      %dma_start3A_149 = tpu.memref_slice %arg10[%add3A_27] : memref<10000xf32, #tpu.memory_space<vmem_shared>> -> memref<128xf32, #tpu.memory_space<vmem_shared>>
      %dma_start3A_150 = arith.constant 0 : i32
      %dma_start3A_151 = tpu.memref_slice %arg18[%dma_start3A_150] : memref<128xf32, #tpu.memory_space<vmem>> -> memref<128xf32, #tpu.memory_space<vmem>>
      tpu.enqueue_dma source(%dma_start3A_151 : memref<128xf32, #tpu.memory_space<vmem>>) target(%dma_start3A_149 : memref<128xf32, #tpu.memory_space<vmem_shared>>) target_semaphore(%run_scoped3A : memref<!tpu.dma_semaphore, #tpu.memory_space<semaphore_mem>>)
      %dma_wait3A_152 = arith.constant 0 : i32
      %dma_wait3A_153 = tpu.memref_slice %arg18[%dma_wait3A_152] : memref<128xf32, #tpu.memory_space<vmem>> -> memref<128xf32, #tpu.memory_space<vmem>>
      %dma_wait3A_154 = tpu.memref_slice %arg10[%add3A_27] : memref<10000xf32, #tpu.memory_space<vmem_shared>> -> memref<128xf32, #tpu.memory_space<vmem_shared>>
      %dma_wait3A_155 = tpu.memref_slice %arg10[%add3A_27] : memref<10000xf32, #tpu.memory_space<vmem_shared>> -> memref<128xf32, #tpu.memory_space<vmem_shared>>
      %dma_wait3A_156 = arith.constant 0 : i32
      %dma_wait3A_157 = tpu.memref_slice %arg18[%dma_wait3A_156] : memref<128xf32, #tpu.memory_space<vmem>> -> memref<128xf32, #tpu.memory_space<vmem>>
      tpu.wait_dma2 semaphore(%run_scoped3A : memref<!tpu.dma_semaphore, #tpu.memory_space<semaphore_mem>>) src(%dma_wait3A_157 : memref<128xf32, #tpu.memory_space<vmem>>) dst(%dma_wait3A_155 : memref<128xf32, #tpu.memory_space<vmem_shared>>)
      tpu.yield
    }) : () -> ()
    %add3A_28 = arith.constant 512 : i32
    %add3A_29 = arith.addi %mul3A_3, %add3A_28 : i32
    "tpu.region"() ({
      %run_scoped3A = tpu.sem_alloc : memref<!tpu.dma_semaphore, #tpu.memory_space<semaphore_mem>>
      %dma_start3A = arith.constant 0 : i32
      %dma_start3A_147 = arith.constant 0 : i32
      %dma_start3A_148 = tpu.memref_slice %arg15[%dma_start3A, %dma_start3A_147] : memref<128x128xf32, #tpu.memory_space<vmem>> -> memref<112x128xf32, #tpu.memory_space<vmem>>
      %dma_start3A_149 = arith.constant 0 : i32
      %dma_start3A_150 = tpu.memref_slice %arg9[%add3A_29, %dma_start3A_149] : memref<10000x128xf32, #tpu.memory_space<vmem_shared>> -> memref<112x128xf32, #tpu.memory_space<vmem_shared>>
      %dma_start3A_151 = arith.constant 0 : i32
      %dma_start3A_152 = tpu.memref_slice %arg9[%add3A_29, %dma_start3A_151] : memref<10000x128xf32, #tpu.memory_space<vmem_shared>> -> memref<112x128xf32, #tpu.memory_space<vmem_shared>>
      %dma_start3A_153 = arith.constant 0 : i32
      %dma_start3A_154 = arith.constant 0 : i32
      %dma_start3A_155 = tpu.memref_slice %arg15[%dma_start3A_153, %dma_start3A_154] : memref<128x128xf32, #tpu.memory_space<vmem>> -> memref<112x128xf32, #tpu.memory_space<vmem>>
      tpu.enqueue_dma source(%dma_start3A_155 : memref<112x128xf32, #tpu.memory_space<vmem>>) target(%dma_start3A_152 : memref<112x128xf32, #tpu.memory_space<vmem_shared>>) target_semaphore(%run_scoped3A : memref<!tpu.dma_semaphore, #tpu.memory_space<semaphore_mem>>)
      %dma_wait3A_156 = arith.constant 0 : i32
      %dma_wait3A_157 = arith.constant 0 : i32
      %dma_wait3A_158 = tpu.memref_slice %arg15[%dma_wait3A_156, %dma_wait3A_157] : memref<128x128xf32, #tpu.memory_space<vmem>> -> memref<112x128xf32, #tpu.memory_space<vmem>>
      %dma_wait3A_159 = arith.constant 0 : i32
      %dma_wait3A_160 = tpu.memref_slice %arg9[%add3A_29, %dma_wait3A_159] : memref<10000x128xf32, #tpu.memory_space<vmem_shared>> -> memref<112x128xf32, #tpu.memory_space<vmem_shared>>
      %dma_wait3A_161 = arith.constant 0 : i32
      %dma_wait3A_162 = tpu.memref_slice %arg9[%add3A_29, %dma_wait3A_161] : memref<10000x128xf32, #tpu.memory_space<vmem_shared>> -> memref<112x128xf32, #tpu.memory_space<vmem_shared>>
      %dma_wait3A_163 = arith.constant 0 : i32
      %dma_wait3A_164 = arith.constant 0 : i32
      %dma_wait3A_165 = tpu.memref_slice %arg15[%dma_wait3A_163, %dma_wait3A_164] : memref<128x128xf32, #tpu.memory_space<vmem>> -> memref<112x128xf32, #tpu.memory_space<vmem>>
      tpu.wait_dma2 semaphore(%run_scoped3A : memref<!tpu.dma_semaphore, #tpu.memory_space<semaphore_mem>>) src(%dma_wait3A_165 : memref<112x128xf32, #tpu.memory_space<vmem>>) dst(%dma_wait3A_162 : memref<112x128xf32, #tpu.memory_space<vmem_shared>>)
      tpu.yield
    }) : () -> ()
    %add3A_30 = arith.constant 512 : i32
    %add3A_31 = arith.addi %mul3A_3, %add3A_30 : i32
    "tpu.region"() ({
      %run_scoped3A = tpu.sem_alloc : memref<!tpu.dma_semaphore, #tpu.memory_space<semaphore_mem>>
      %dma_start3A = arith.constant 0 : i32
      %dma_start3A_147 = tpu.memref_slice %arg18[%dma_start3A] : memref<128xf32, #tpu.memory_space<vmem>> -> memref<112xf32, #tpu.memory_space<vmem>>
      %dma_start3A_148 = tpu.memref_slice %arg10[%add3A_31] : memref<10000xf32, #tpu.memory_space<vmem_shared>> -> memref<112xf32, #tpu.memory_space<vmem_shared>>
      %dma_start3A_149 = tpu.memref_slice %arg10[%add3A_31] : memref<10000xf32, #tpu.memory_space<vmem_shared>> -> memref<112xf32, #tpu.memory_space<vmem_shared>>
      %dma_start3A_150 = arith.constant 0 : i32
      %dma_start3A_151 = tpu.memref_slice %arg18[%dma_start3A_150] : memref<128xf32, #tpu.memory_space<vmem>> -> memref<112xf32, #tpu.memory_space<vmem>>
      tpu.enqueue_dma source(%dma_start3A_151 : memref<112xf32, #tpu.memory_space<vmem>>) target(%dma_start3A_149 : memref<112xf32, #tpu.memory_space<vmem_shared>>) target_semaphore(%run_scoped3A : memref<!tpu.dma_semaphore, #tpu.memory_space<semaphore_mem>>)
      %dma_wait3A_152 = arith.constant 0 : i32
      %dma_wait3A_153 = tpu.memref_slice %arg18[%dma_wait3A_152] : memref<128xf32, #tpu.memory_space<vmem>> -> memref<112xf32, #tpu.memory_space<vmem>>
      %dma_wait3A_154 = tpu.memref_slice %arg10[%add3A_31] : memref<10000xf32, #tpu.memory_space<vmem_shared>> -> memref<112xf32, #tpu.memory_space<vmem_shared>>
      %dma_wait3A_155 = tpu.memref_slice %arg10[%add3A_31] : memref<10000xf32, #tpu.memory_space<vmem_shared>> -> memref<112xf32, #tpu.memory_space<vmem_shared>>
      %dma_wait3A_156 = arith.constant 0 : i32
      %dma_wait3A_157 = tpu.memref_slice %arg18[%dma_wait3A_156] : memref<128xf32, #tpu.memory_space<vmem>> -> memref<112xf32, #tpu.memory_space<vmem>>
      tpu.wait_dma2 semaphore(%run_scoped3A : memref<!tpu.dma_semaphore, #tpu.memory_space<semaphore_mem>>) src(%dma_wait3A_157 : memref<112xf32, #tpu.memory_space<vmem>>) dst(%dma_wait3A_155 : memref<112xf32, #tpu.memory_space<vmem_shared>>)
      tpu.yield
    }) : () -> ()
    %eq3A = arith.constant 15 : i32
    %eq3A_32 = arith.cmpi eq, %arg1, %eq3A : i32
    %convert_element_type3A = arith.extui %eq3A_32 : i1 to i32
    %cond3A = arith.constant 0 : i32
    %cond3A_33 = arith.cmpi ne, %convert_element_type3A, %cond3A : i32
    scf.if %cond3A_33 {
      "tpu.region"() ({
        %run_scoped3A = tpu.sem_alloc : memref<!tpu.dma_semaphore, #tpu.memory_space<semaphore_mem>>
        %dma_start3A = arith.constant 0 : i32
        %dma_start3A_147 = arith.constant 0 : i32
        %dma_start3A_148 = tpu.memref_slice %arg15[%dma_start3A, %dma_start3A_147] : memref<128x128xf32, #tpu.memory_space<vmem>> -> memref<16x128xf32, #tpu.memory_space<vmem>>
        %dma_start3A_149 = arith.constant 9984 : i32
        %dma_start3A_150 = arith.constant 0 : i32
        %dma_start3A_151 = tpu.memref_slice %arg9[%dma_start3A_149, %dma_start3A_150] : memref<10000x128xf32, #tpu.memory_space<vmem_shared>> -> memref<16x128xf32, #tpu.memory_space<vmem_shared>>
        %dma_start3A_152 = arith.constant 9984 : i32
        %dma_start3A_153 = arith.constant 0 : i32
        %dma_start3A_154 = tpu.memref_slice %arg9[%dma_start3A_152, %dma_start3A_153] : memref<10000x128xf32, #tpu.memory_space<vmem_shared>> -> memref<16x128xf32, #tpu.memory_space<vmem_shared>>
        %dma_start3A_155 = arith.constant 0 : i32
        %dma_start3A_156 = arith.constant 0 : i32
        %dma_start3A_157 = tpu.memref_slice %arg15[%dma_start3A_155, %dma_start3A_156] : memref<128x128xf32, #tpu.memory_space<vmem>> -> memref<16x128xf32, #tpu.memory_space<vmem>>
        tpu.enqueue_dma source(%dma_start3A_157 : memref<16x128xf32, #tpu.memory_space<vmem>>) target(%dma_start3A_154 : memref<16x128xf32, #tpu.memory_space<vmem_shared>>) target_semaphore(%run_scoped3A : memref<!tpu.dma_semaphore, #tpu.memory_space<semaphore_mem>>)
        %dma_wait3A_158 = arith.constant 0 : i32
        %dma_wait3A_159 = arith.constant 0 : i32
        %dma_wait3A_160 = tpu.memref_slice %arg15[%dma_wait3A_158, %dma_wait3A_159] : memref<128x128xf32, #tpu.memory_space<vmem>> -> memref<16x128xf32, #tpu.memory_space<vmem>>
        %dma_wait3A_161 = arith.constant 9984 : i32
        %dma_wait3A_162 = arith.constant 0 : i32
        %dma_wait3A_163 = tpu.memref_slice %arg9[%dma_wait3A_161, %dma_wait3A_162] : memref<10000x128xf32, #tpu.memory_space<vmem_shared>> -> memref<16x128xf32, #tpu.memory_space<vmem_shared>>
        %dma_wait3A_164 = arith.constant 9984 : i32
        %dma_wait3A_165 = arith.constant 0 : i32
        %dma_wait3A_166 = tpu.memref_slice %arg9[%dma_wait3A_164, %dma_wait3A_165] : memref<10000x128xf32, #tpu.memory_space<vmem_shared>> -> memref<16x128xf32, #tpu.memory_space<vmem_shared>>
        %dma_wait3A_167 = arith.constant 0 : i32
        %dma_wait3A_168 = arith.constant 0 : i32
        %dma_wait3A_169 = tpu.memref_slice %arg15[%dma_wait3A_167, %dma_wait3A_168] : memref<128x128xf32, #tpu.memory_space<vmem>> -> memref<16x128xf32, #tpu.memory_space<vmem>>
        tpu.wait_dma2 semaphore(%run_scoped3A : memref<!tpu.dma_semaphore, #tpu.memory_space<semaphore_mem>>) src(%dma_wait3A_169 : memref<16x128xf32, #tpu.memory_space<vmem>>) dst(%dma_wait3A_166 : memref<16x128xf32, #tpu.memory_space<vmem_shared>>)
        tpu.yield
      }) : () -> ()
      "tpu.region"() ({
        %run_scoped3A = tpu.sem_alloc : memref<!tpu.dma_semaphore, #tpu.memory_space<semaphore_mem>>
        %dma_start3A = arith.constant 0 : i32
        %dma_start3A_147 = tpu.memref_slice %arg18[%dma_start3A] : memref<128xf32, #tpu.memory_space<vmem>> -> memref<16xf32, #tpu.memory_space<vmem>>
        %dma_start3A_148 = arith.constant 9984 : i32
        %dma_start3A_149 = tpu.memref_slice %arg10[%dma_start3A_148] : memref<10000xf32, #tpu.memory_space<vmem_shared>> -> memref<16xf32, #tpu.memory_space<vmem_shared>>
        %dma_start3A_150 = arith.constant 9984 : i32
        %dma_start3A_151 = tpu.memref_slice %arg10[%dma_start3A_150] : memref<10000xf32, #tpu.memory_space<vmem_shared>> -> memref<16xf32, #tpu.memory_space<vmem_shared>>
        %dma_start3A_152 = arith.constant 0 : i32
        %dma_start3A_153 = tpu.memref_slice %arg18[%dma_start3A_152] : memref<128xf32, #tpu.memory_space<vmem>> -> memref<16xf32, #tpu.memory_space<vmem>>
        tpu.enqueue_dma source(%dma_start3A_153 : memref<16xf32, #tpu.memory_space<vmem>>) target(%dma_start3A_151 : memref<16xf32, #tpu.memory_space<vmem_shared>>) target_semaphore(%run_scoped3A : memref<!tpu.dma_semaphore, #tpu.memory_space<semaphore_mem>>)
        %dma_wait3A_154 = arith.constant 0 : i32
        %dma_wait3A_155 = tpu.memref_slice %arg18[%dma_wait3A_154] : memref<128xf32, #tpu.memory_space<vmem>> -> memref<16xf32, #tpu.memory_space<vmem>>
        %dma_wait3A_156 = arith.constant 9984 : i32
        %dma_wait3A_157 = tpu.memref_slice %arg10[%dma_wait3A_156] : memref<10000xf32, #tpu.memory_space<vmem_shared>> -> memref<16xf32, #tpu.memory_space<vmem_shared>>
        %dma_wait3A_158 = arith.constant 9984 : i32
        %dma_wait3A_159 = tpu.memref_slice %arg10[%dma_wait3A_158] : memref<10000xf32, #tpu.memory_space<vmem_shared>> -> memref<16xf32, #tpu.memory_space<vmem_shared>>
        %dma_wait3A_160 = arith.constant 0 : i32
        %dma_wait3A_161 = tpu.memref_slice %arg18[%dma_wait3A_160] : memref<128xf32, #tpu.memory_space<vmem>> -> memref<16xf32, #tpu.memory_space<vmem>>
        tpu.wait_dma2 semaphore(%run_scoped3A : memref<!tpu.dma_semaphore, #tpu.memory_space<semaphore_mem>>) src(%dma_wait3A_161 : memref<16xf32, #tpu.memory_space<vmem>>) dst(%dma_wait3A_159 : memref<16xf32, #tpu.memory_space<vmem_shared>>)
        tpu.yield
      }) : () -> ()
    } else {
    }
    %barrier3A = arith.constant 0 : index
    tpu.barrier barrier_id(%barrier3A)
    %mul3A_34 = arith.constant 20000 : i32
    %mul3A_35 = arith.muli %arg1, %mul3A_34 : i32
    %add3A_36 = arith.constant 0 : i32
    %add3A_37 = arith.addi %mul3A_35, %add3A_36 : i32
    "tpu.region"() ({
      %run_scoped3A = tpu.sem_alloc : memref<!tpu.dma_semaphore, #tpu.memory_space<semaphore_mem>>
      %dma_start3A = tpu.memref_slice %arg5[%add3A_37] : memref<320000xi32, #tpu.memory_space<hbm>> -> memref<768xi32, #tpu.memory_space<hbm>>
      %dma_start3A_147 = tpu.memref_slice %arg5[%add3A_37] : memref<320000xi32, #tpu.memory_space<hbm>> -> memref<768xi32, #tpu.memory_space<hbm>>
      tpu.enqueue_dma source(%dma_start3A_147 : memref<768xi32, #tpu.memory_space<hbm>>) target(%arg20 : memref<768xi32, #tpu.memory_space<vmem>>) target_semaphore(%run_scoped3A : memref<!tpu.dma_semaphore, #tpu.memory_space<semaphore_mem>>)
      %dma_wait3A_148 = tpu.memref_slice %arg5[%add3A_37] : memref<320000xi32, #tpu.memory_space<hbm>> -> memref<768xi32, #tpu.memory_space<hbm>>
      %dma_wait3A_149 = tpu.memref_slice %arg5[%add3A_37] : memref<320000xi32, #tpu.memory_space<hbm>> -> memref<768xi32, #tpu.memory_space<hbm>>
      tpu.wait_dma2 semaphore(%run_scoped3A : memref<!tpu.dma_semaphore, #tpu.memory_space<semaphore_mem>>) src(%dma_wait3A_149 : memref<768xi32, #tpu.memory_space<hbm>>) dst(%arg20 : memref<768xi32, #tpu.memory_space<vmem>>)
      tpu.yield
    }) : () -> ()
    %eq3A_38 = arith.constant 0 : i32
    %eq3A_39 = arith.cmpi eq, %arg0, %eq3A_38 : i32
    %convert_element_type3A_40 = arith.extui %eq3A_39 : i1 to i32
    %cond3A_41 = arith.constant 0 : i32
    %cond3A_42 = arith.cmpi ne, %convert_element_type3A_40, %cond3A_41 : i32
    scf.if %cond3A_42 {
      "tpu.region"() ({
        %run_scoped3A = tpu.sem_alloc : memref<!tpu.dma_semaphore, #tpu.memory_space<semaphore_mem>>
        %dma_start3A = tpu.memref_slice %arg4[%add3A_37] : memref<320000xi32, #tpu.memory_space<hbm>> -> memref<768xi32, #tpu.memory_space<hbm>>
        %dma_start3A_147 = tpu.memref_slice %arg4[%add3A_37] : memref<320000xi32, #tpu.memory_space<hbm>> -> memref<768xi32, #tpu.memory_space<hbm>>
        tpu.enqueue_dma source(%dma_start3A_147 : memref<768xi32, #tpu.memory_space<hbm>>) target(%arg19 : memref<768xi32, #tpu.memory_space<vmem>>) target_semaphore(%run_scoped3A : memref<!tpu.dma_semaphore, #tpu.memory_space<semaphore_mem>>)
        %dma_wait3A_148 = tpu.memref_slice %arg4[%add3A_37] : memref<320000xi32, #tpu.memory_space<hbm>> -> memref<768xi32, #tpu.memory_space<hbm>>
        %dma_wait3A_149 = tpu.memref_slice %arg4[%add3A_37] : memref<320000xi32, #tpu.memory_space<hbm>> -> memref<768xi32, #tpu.memory_space<hbm>>
        tpu.wait_dma2 semaphore(%run_scoped3A : memref<!tpu.dma_semaphore, #tpu.memory_space<semaphore_mem>>) src(%dma_wait3A_149 : memref<768xi32, #tpu.memory_space<hbm>>) dst(%arg19 : memref<768xi32, #tpu.memory_space<vmem>>)
        tpu.yield
      }) : () -> ()
    } else {
    }
    %get3A = arith.constant 0 : index
    %get3A_43 = tpu.vector_load %arg20[%get3A] {strides = array<i32>} : memref<768xi32, #tpu.memory_space<vmem>>, vector<16xi32>,
    %get3A_44 = vector.shape_cast %get3A_43 : vector<16xi32> to vector<16xi32>
    %swap3A = arith.constant 0 : index
    %swap3A_45 = tpu.vector_load %arg13[%swap3A] {strides = array<i32>} : memref<128xi32, #tpu.memory_space<vmem>>, vector<16xi32>,
    %swap3A_46 = vector.shape_cast %swap3A_45 : vector<16xi32> to vector<16xi32>
    %swap3A_47 = vector.shape_cast %get3A_44 : vector<16xi32> to vector<16xi32>
    tpu.vector_store %arg13[%swap3A], %swap3A_47 {strides = array<i32>} : memref<128xi32, #tpu.memory_space<vmem>>, vector<16xi32>,
    %get3A_48 = arith.constant 16 : index
    %get3A_49 = tpu.vector_load %arg20[%get3A_48] {strides = array<i32>} : memref<768xi32, #tpu.memory_space<vmem>>, vector<16xi32>,
    %get3A_50 = vector.shape_cast %get3A_49 : vector<16xi32> to vector<16xi32>
    %swap3A_51 = arith.constant 16 : index
    %swap3A_52 = tpu.vector_load %arg13[%swap3A_51] {strides = array<i32>} : memref<128xi32, #tpu.memory_space<vmem>>, vector<16xi32>,
    %swap3A_53 = vector.shape_cast %swap3A_52 : vector<16xi32> to vector<16xi32>
    %swap3A_54 = vector.shape_cast %get3A_50 : vector<16xi32> to vector<16xi32>
    tpu.vector_store %arg13[%swap3A_51], %swap3A_54 {strides = array<i32>} : memref<128xi32, #tpu.memory_space<vmem>>, vector<16xi32>,
    %get3A_55 = arith.constant 32 : index
    %get3A_56 = tpu.vector_load %arg20[%get3A_55] {strides = array<i32>} : memref<768xi32, #tpu.memory_space<vmem>>, vector<16xi32>,
    %get3A_57 = vector.shape_cast %get3A_56 : vector<16xi32> to vector<16xi32>
    %swap3A_58 = arith.constant 32 : index
    %swap3A_59 = tpu.vector_load %arg13[%swap3A_58] {strides = array<i32>} : memref<128xi32, #tpu.memory_space<vmem>>, vector<16xi32>,
    %swap3A_60 = vector.shape_cast %swap3A_59 : vector<16xi32> to vector<16xi32>
    %swap3A_61 = vector.shape_cast %get3A_57 : vector<16xi32> to vector<16xi32>
    tpu.vector_store %arg13[%swap3A_58], %swap3A_61 {strides = array<i32>} : memref<128xi32, #tpu.memory_space<vmem>>, vector<16xi32>,
    %get3A_62 = arith.constant 48 : index
    %get3A_63 = tpu.vector_load %arg20[%get3A_62] {strides = array<i32>} : memref<768xi32, #tpu.memory_space<vmem>>, vector<16xi32>,
    %get3A_64 = vector.shape_cast %get3A_63 : vector<16xi32> to vector<16xi32>
    %swap3A_65 = arith.constant 48 : index
    %swap3A_66 = tpu.vector_load %arg13[%swap3A_65] {strides = array<i32>} : memref<128xi32, #tpu.memory_space<vmem>>, vector<16xi32>,
    %swap3A_67 = vector.shape_cast %swap3A_66 : vector<16xi32> to vector<16xi32>
    %swap3A_68 = vector.shape_cast %get3A_64 : vector<16xi32> to vector<16xi32>
    tpu.vector_store %arg13[%swap3A_65], %swap3A_68 {strides = array<i32>} : memref<128xi32, #tpu.memory_space<vmem>>, vector<16xi32>,
    %get3A_69 = arith.constant 64 : index
    %get3A_70 = tpu.vector_load %arg20[%get3A_69] {strides = array<i32>} : memref<768xi32, #tpu.memory_space<vmem>>, vector<16xi32>,
    %get3A_71 = vector.shape_cast %get3A_70 : vector<16xi32> to vector<16xi32>
    %swap3A_72 = arith.constant 64 : index
    %swap3A_73 = tpu.vector_load %arg13[%swap3A_72] {strides = array<i32>} : memref<128xi32, #tpu.memory_space<vmem>>, vector<16xi32>,
    %swap3A_74 = vector.shape_cast %swap3A_73 : vector<16xi32> to vector<16xi32>
    %swap3A_75 = vector.shape_cast %get3A_71 : vector<16xi32> to vector<16xi32>
    tpu.vector_store %arg13[%swap3A_72], %swap3A_75 {strides = array<i32>} : memref<128xi32, #tpu.memory_space<vmem>>, vector<16xi32>,
    %get3A_76 = arith.constant 80 : index
    %get3A_77 = tpu.vector_load %arg20[%get3A_76] {strides = array<i32>} : memref<768xi32, #tpu.memory_space<vmem>>, vector<16xi32>,
    %get3A_78 = vector.shape_cast %get3A_77 : vector<16xi32> to vector<16xi32>
    %swap3A_79 = arith.constant 80 : index
    %swap3A_80 = tpu.vector_load %arg13[%swap3A_79] {strides = array<i32>} : memref<128xi32, #tpu.memory_space<vmem>>, vector<16xi32>,
    %swap3A_81 = vector.shape_cast %swap3A_80 : vector<16xi32> to vector<16xi32>
    %swap3A_82 = vector.shape_cast %get3A_78 : vector<16xi32> to vector<16xi32>
    tpu.vector_store %arg13[%swap3A_79], %swap3A_82 {strides = array<i32>} : memref<128xi32, #tpu.memory_space<vmem>>, vector<16xi32>,
    %get3A_83 = arith.constant 96 : index
    %get3A_84 = tpu.vector_load %arg20[%get3A_83] {strides = array<i32>} : memref<768xi32, #tpu.memory_space<vmem>>, vector<16xi32>,
    %get3A_85 = vector.shape_cast %get3A_84 : vector<16xi32> to vector<16xi32>
    %swap3A_86 = arith.constant 96 : index
    %swap3A_87 = tpu.vector_load %arg13[%swap3A_86] {strides = array<i32>} : memref<128xi32, #tpu.memory_space<vmem>>, vector<16xi32>,
    %swap3A_88 = vector.shape_cast %swap3A_87 : vector<16xi32> to vector<16xi32>
    %swap3A_89 = vector.shape_cast %get3A_85 : vector<16xi32> to vector<16xi32>
    tpu.vector_store %arg13[%swap3A_86], %swap3A_89 {strides = array<i32>} : memref<128xi32, #tpu.memory_space<vmem>>, vector<16xi32>,
    %get3A_90 = arith.constant 112 : index
    %get3A_91 = tpu.vector_load %arg20[%get3A_90] {strides = array<i32>} : memref<768xi32, #tpu.memory_space<vmem>>, vector<16xi32>,
    %get3A_92 = vector.shape_cast %get3A_91 : vector<16xi32> to vector<16xi32>
    %swap3A_93 = arith.constant 112 : index
    %swap3A_94 = tpu.vector_load %arg13[%swap3A_93] {strides = array<i32>} : memref<128xi32, #tpu.memory_space<vmem>>, vector<16xi32>,
    %swap3A_95 = vector.shape_cast %swap3A_94 : vector<16xi32> to vector<16xi32>
    %swap3A_96 = vector.shape_cast %get3A_92 : vector<16xi32> to vector<16xi32>
    tpu.vector_store %arg13[%swap3A_93], %swap3A_96 {strides = array<i32>} : memref<128xi32, #tpu.memory_space<vmem>>, vector<16xi32>,
    %eq3A_97 = arith.constant 0 : i32
    %eq3A_98 = arith.cmpi eq, %arg0, %eq3A_97 : i32
    %convert_element_type3A_99 = arith.extui %eq3A_98 : i1 to i32
    %cond3A_100 = arith.constant 0 : i32
    %cond3A_101 = arith.cmpi ne, %convert_element_type3A_99, %cond3A_100 : i32
    scf.if %cond3A_101 {
      %get3A_147 = arith.constant 0 : index
      %get3A_148 = tpu.vector_load %arg19[%get3A_147] {strides = array<i32>} : memref<768xi32, #tpu.memory_space<vmem>>, vector<16xi32>,
      %get3A_149 = vector.shape_cast %get3A_148 : vector<16xi32> to vector<16xi32>
      %swap3A_150 = arith.constant 0 : index
      %swap3A_151 = tpu.vector_load %arg11[%swap3A_150] {strides = array<i32>} : memref<128xi32, #tpu.memory_space<vmem>>, vector<16xi32>,
      %swap3A_152 = vector.shape_cast %swap3A_151 : vector<16xi32> to vector<16xi32>
      %swap3A_153 = vector.shape_cast %get3A_149 : vector<16xi32> to vector<16xi32>
      tpu.vector_store %arg11[%swap3A_150], %swap3A_153 {strides = array<i32>} : memref<128xi32, #tpu.memory_space<vmem>>, vector<16xi32>,
      %get3A_154 = arith.constant 16 : index
      %get3A_155 = tpu.vector_load %arg19[%get3A_154] {strides = array<i32>} : memref<768xi32, #tpu.memory_space<vmem>>, vector<16xi32>,
      %get3A_156 = vector.shape_cast %get3A_155 : vector<16xi32> to vector<16xi32>
      %swap3A_157 = arith.constant 16 : index
      %swap3A_158 = tpu.vector_load %arg11[%swap3A_157] {strides = array<i32>} : memref<128xi32, #tpu.memory_space<vmem>>, vector<16xi32>,
      %swap3A_159 = vector.shape_cast %swap3A_158 : vector<16xi32> to vector<16xi32>
      %swap3A_160 = vector.shape_cast %get3A_156 : vector<16xi32> to vector<16xi32>
      tpu.vector_store %arg11[%swap3A_157], %swap3A_160 {strides = array<i32>} : memref<128xi32, #tpu.memory_space<vmem>>, vector<16xi32>,
      %get3A_161 = arith.constant 32 : index
      %get3A_162 = tpu.vector_load %arg19[%get3A_161] {strides = array<i32>} : memref<768xi32, #tpu.memory_space<vmem>>, vector<16xi32>,
      %get3A_163 = vector.shape_cast %get3A_162 : vector<16xi32> to vector<16xi32>
      %swap3A_164 = arith.constant 32 : index
      %swap3A_165 = tpu.vector_load %arg11[%swap3A_164] {strides = array<i32>} : memref<128xi32, #tpu.memory_space<vmem>>, vector<16xi32>,
      %swap3A_166 = vector.shape_cast %swap3A_165 : vector<16xi32> to vector<16xi32>
      %swap3A_167 = vector.shape_cast %get3A_163 : vector<16xi32> to vector<16xi32>
      tpu.vector_store %arg11[%swap3A_164], %swap3A_167 {strides = array<i32>} : memref<128xi32, #tpu.memory_space<vmem>>, vector<16xi32>,
      %get3A_168 = arith.constant 48 : index
      %get3A_169 = tpu.vector_load %arg19[%get3A_168] {strides = array<i32>} : memref<768xi32, #tpu.memory_space<vmem>>, vector<16xi32>,
      %get3A_170 = vector.shape_cast %get3A_169 : vector<16xi32> to vector<16xi32>
      %swap3A_171 = arith.constant 48 : index
      %swap3A_172 = tpu.vector_load %arg11[%swap3A_171] {strides = array<i32>} : memref<128xi32, #tpu.memory_space<vmem>>, vector<16xi32>,
      %swap3A_173 = vector.shape_cast %swap3A_172 : vector<16xi32> to vector<16xi32>
      %swap3A_174 = vector.shape_cast %get3A_170 : vector<16xi32> to vector<16xi32>
      tpu.vector_store %arg11[%swap3A_171], %swap3A_174 {strides = array<i32>} : memref<128xi32, #tpu.memory_space<vmem>>, vector<16xi32>,
      %get3A_175 = arith.constant 64 : index
      %get3A_176 = tpu.vector_load %arg19[%get3A_175] {strides = array<i32>} : memref<768xi32, #tpu.memory_space<vmem>>, vector<16xi32>,
      %get3A_177 = vector.shape_cast %get3A_176 : vector<16xi32> to vector<16xi32>
      %swap3A_178 = arith.constant 64 : index
      %swap3A_179 = tpu.vector_load %arg11[%swap3A_178] {strides = array<i32>} : memref<128xi32, #tpu.memory_space<vmem>>, vector<16xi32>,
      %swap3A_180 = vector.shape_cast %swap3A_179 : vector<16xi32> to vector<16xi32>
      %swap3A_181 = vector.shape_cast %get3A_177 : vector<16xi32> to vector<16xi32>
      tpu.vector_store %arg11[%swap3A_178], %swap3A_181 {strides = array<i32>} : memref<128xi32, #tpu.memory_space<vmem>>, vector<16xi32>,
      %get3A_182 = arith.constant 80 : index
      %get3A_183 = tpu.vector_load %arg19[%get3A_182] {strides = array<i32>} : memref<768xi32, #tpu.memory_space<vmem>>, vector<16xi32>,
      %get3A_184 = vector.shape_cast %get3A_183 : vector<16xi32> to vector<16xi32>
      %swap3A_185 = arith.constant 80 : index
      %swap3A_186 = tpu.vector_load %arg11[%swap3A_185] {strides = array<i32>} : memref<128xi32, #tpu.memory_space<vmem>>, vector<16xi32>,
      %swap3A_187 = vector.shape_cast %swap3A_186 : vector<16xi32> to vector<16xi32>
      %swap3A_188 = vector.shape_cast %get3A_184 : vector<16xi32> to vector<16xi32>
      tpu.vector_store %arg11[%swap3A_185], %swap3A_188 {strides = array<i32>} : memref<128xi32, #tpu.memory_space<vmem>>, vector<16xi32>,
      %get3A_189 = arith.constant 96 : index
      %get3A_190 = tpu.vector_load %arg19[%get3A_189] {strides = array<i32>} : memref<768xi32, #tpu.memory_space<vmem>>, vector<16xi32>,
      %get3A_191 = vector.shape_cast %get3A_190 : vector<16xi32> to vector<16xi32>
      %swap3A_192 = arith.constant 96 : index
      %swap3A_193 = tpu.vector_load %arg11[%swap3A_192] {strides = array<i32>} : memref<128xi32, #tpu.memory_space<vmem>>, vector<16xi32>,
      %swap3A_194 = vector.shape_cast %swap3A_193 : vector<16xi32> to vector<16xi32>
      %swap3A_195 = vector.shape_cast %get3A_191 : vector<16xi32> to vector<16xi32>
      tpu.vector_store %arg11[%swap3A_192], %swap3A_195 {strides = array<i32>} : memref<128xi32, #tpu.memory_space<vmem>>, vector<16xi32>,
      %get3A_196 = arith.constant 112 : index
      %get3A_197 = tpu.vector_load %arg19[%get3A_196] {strides = array<i32>} : memref<768xi32, #tpu.memory_space<vmem>>, vector<16xi32>,
      %get3A_198 = vector.shape_cast %get3A_197 : vector<16xi32> to vector<16xi32>
      %swap3A_199 = arith.constant 112 : index
      %swap3A_200 = tpu.vector_load %arg11[%swap3A_199] {strides = array<i32>} : memref<128xi32, #tpu.memory_space<vmem>>, vector<16xi32>,
      %swap3A_201 = vector.shape_cast %swap3A_200 : vector<16xi32> to vector<16xi32>
      %swap3A_202 = vector.shape_cast %get3A_198 : vector<16xi32> to vector<16xi32>
      tpu.vector_store %arg11[%swap3A_199], %swap3A_202 {strides = array<i32>} : memref<128xi32, #tpu.memory_space<vmem>>, vector<16xi32>,
    } else {
    }
    %eq3A_102 = arith.constant 0 : i32
    %eq3A_103 = arith.cmpi eq, %arg0, %eq3A_102 : i32
    %convert_element_type3A_104 = arith.extui %eq3A_103 : i1 to i32
    %cond3A_105 = arith.constant 0 : i32
    %cond3A_106 = arith.cmpi ne, %convert_element_type3A_104, %cond3A_105 : i32
    scf.if %cond3A_106 {
      %dma_start3A = arith.constant 0 : i32
      %dma_start3A_147 = arith.constant 0 : i32
      %dma_start3A_148 = tpu.memref_slice %arg2[%dma_start3A, %dma_start3A_147] : memref<10000x128xf32, #tpu.memory_space<hbm>> -> memref<10000x128xf32, #tpu.memory_space<hbm>>
      tpu.enqueue_indirect_dma source(%dma_start3A_148 : memref<10000x128xf32, #tpu.memory_space<hbm>>) target(%arg15 : memref<128x128xf32, #tpu.memory_space<vmem>>) offsets(%arg11 : memref<128xi32, #tpu.memory_space<vmem>>) semaphore(%arg23 : memref<!tpu.dma_semaphore, #tpu.memory_space<semaphore_mem>>)
    } else {
    }
    %eq3A_107 = arith.constant 1 : i32
    %eq3A_108 = arith.cmpi eq, %arg0, %eq3A_107 : i32
    %convert_element_type3A_109 = arith.extui %eq3A_108 : i1 to i32
    %cond3A_110 = arith.constant 0 : i32
    %cond3A_111 = arith.cmpi ne, %convert_element_type3A_109, %cond3A_110 : i32
    scf.if %cond3A_111 {
      %add3A_147 = arith.constant 0 : i32
      %add3A_148 = arith.addi %mul3A_35, %add3A_147 : i32
      %dma_start3A = arith.constant 0 : i32
      %dma_start3A_149 = tpu.memref_slice %arg3[%add3A_148, %dma_start3A] : memref<320000x128xf32, #tpu.memory_space<hbm>> -> memref<128x128xf32, #tpu.memory_space<hbm>>
      %dma_start3A_150 = arith.constant 0 : i32
      %dma_start3A_151 = tpu.memref_slice %arg3[%add3A_148, %dma_start3A_150] : memref<320000x128xf32, #tpu.memory_space<hbm>> -> memref<128x128xf32, #tpu.memory_space<hbm>>
      tpu.enqueue_dma source(%dma_start3A_151 : memref<128x128xf32, #tpu.memory_space<hbm>>) target(%arg15 : memref<128x128xf32, #tpu.memory_space<vmem>>) target_semaphore(%arg23 : memref<!tpu.dma_semaphore, #tpu.memory_space<semaphore_mem>>)
    } else {
    }
    %scan3A_112 = arith.constant 0 : i32
    %scan3A_113 = arith.constant 26 : i32
    %scan3A_114 = arith.addi %scan3A_112, %scan3A_113 : i32
    %scan3A_115 = arith.constant 1 : i32
    scf.for %scan3A_147 = %scan3A_112 to %scan3A_114 step %scan3A_115  : i32 {
      %mul3A_148 = arith.constant 6 : i32
      %mul3A_149 = arith.muli %scan3A_147, %mul3A_148 : i32
      %add3A_150 = arith.constant 0 : i32
      %add3A_151 = arith.addi %mul3A_149, %add3A_150 : i32
      %eq3A_152 = arith.constant 0 : i32
      %eq3A_153 = arith.cmpi eq, %arg0, %eq3A_152 : i32
      %convert_element_type3A_154 = arith.extui %eq3A_153 : i1 to i32
      %cond3A_155 = arith.constant 0 : i32
      %cond3A_156 = arith.cmpi ne, %convert_element_type3A_154, %cond3A_155 : i32
      scf.if %cond3A_156 {
        %dma_wait3A_677 = arith.constant 0 : i32
        %dma_wait3A_678 = arith.constant 0 : i32
        %dma_wait3A_679 = tpu.memref_slice %arg2[%dma_wait3A_677, %dma_wait3A_678] : memref<10000x128xf32, #tpu.memory_space<hbm>> -> memref<10000x128xf32, #tpu.memory_space<hbm>>
        tpu.wait_indirect_dma semaphore(%arg23 : memref<!tpu.dma_semaphore, #tpu.memory_space<semaphore_mem>>) src(%dma_wait3A_679 : memref<10000x128xf32, #tpu.memory_space<hbm>>) dst(%arg15 : memref<128x128xf32, #tpu.memory_space<vmem>>)
      } else {
      }
      %eq3A_157 = arith.constant 1 : i32
      %eq3A_158 = arith.cmpi eq, %arg0, %eq3A_157 : i32
      %convert_element_type3A_159 = arith.extui %eq3A_158 : i1 to i32
      %cond3A_160 = arith.constant 0 : i32
      %cond3A_161 = arith.cmpi ne, %convert_element_type3A_159, %cond3A_160 : i32
      scf.if %cond3A_161 {
        %mul3A_677 = arith.constant 128 : i32
        %mul3A_678 = arith.muli %add3A_151, %mul3A_677 : i32
        %add3A_679 = arith.addi %mul3A_35, %mul3A_678 : i32
        %dma_wait3A_680 = arith.constant 0 : i32
        %dma_wait3A_681 = tpu.memref_slice %arg3[%add3A_679, %dma_wait3A_680] : memref<320000x128xf32, #tpu.memory_space<hbm>> -> memref<128x128xf32, #tpu.memory_space<hbm>>
        %dma_wait3A_682 = arith.constant 0 : i32
        %dma_wait3A_683 = tpu.memref_slice %arg3[%add3A_679, %dma_wait3A_682] : memref<320000x128xf32, #tpu.memory_space<hbm>> -> memref<128x128xf32, #tpu.memory_space<hbm>>
        tpu.wait_dma2 semaphore(%arg23 : memref<!tpu.dma_semaphore, #tpu.memory_space<semaphore_mem>>) src(%dma_wait3A_683 : memref<128x128xf32, #tpu.memory_space<hbm>>) dst(%arg15 : memref<128x128xf32, #tpu.memory_space<vmem>>)
      } else {
      }
      %dma_start3A = arith.constant 0 : i32
      %dma_start3A_162 = arith.constant 0 : i32
      %dma_start3A_163 = tpu.memref_slice %arg9[%dma_start3A, %dma_start3A_162] : memref<10000x128xf32, #tpu.memory_space<vmem_shared>> -> memref<10000x128xf32, #tpu.memory_space<vmem_shared>>
      tpu.enqueue_indirect_dma source(%arg15 : memref<128x128xf32, #tpu.memory_space<vmem>>) target(%dma_start3A_163 : memref<10000x128xf32, #tpu.memory_space<vmem_shared>>) offsets(%arg13 : memref<128xi32, #tpu.memory_space<vmem>>) semaphore(%arg25 : memref<!tpu.dma_semaphore, #tpu.memory_space<semaphore_mem>>) {add = true}
      %eq3A_164 = arith.constant 1 : i32
      %eq3A_165 = arith.cmpi eq, %arg0, %eq3A_164 : i32
      %convert_element_type3A_166 = arith.extui %eq3A_165 : i1 to i32
      %cond3A_167 = arith.constant 0 : i32
      %cond3A_168 = arith.cmpi ne, %convert_element_type3A_166, %cond3A_167 : i32
      scf.if %cond3A_168 {
        %dma_start3A_677 = arith.constant 0 : i32
        %dma_start3A_678 = tpu.memref_slice %arg10[%dma_start3A_677] : memref<10000xf32, #tpu.memory_space<vmem_shared>> -> memref<10000xf32, #tpu.memory_space<vmem_shared>>
        tpu.enqueue_indirect_dma source(%arg17 : memref<128xf32, #tpu.memory_space<vmem>>) target(%dma_start3A_678 : memref<10000xf32, #tpu.memory_space<vmem_shared>>) offsets(%arg13 : memref<128xi32, #tpu.memory_space<vmem>>) semaphore(%arg27 : memref<!tpu.dma_semaphore, #tpu.memory_space<semaphore_mem>>) {add = true}
      } else {
      }
      %gt3A = arith.constant 0 : i32
      %gt3A_169 = arith.cmpi sgt, %add3A_151, %gt3A : i32
      %convert_element_type3A_170 = arith.extui %gt3A_169 : i1 to i32
      %cond3A_171 = arith.constant 0 : i32
      %cond3A_172 = arith.cmpi ne, %convert_element_type3A_170, %cond3A_171 : i32
      scf.if %cond3A_172 {
        %dma_wait3A_677 = arith.constant 0 : i32
        %dma_wait3A_678 = arith.constant 0 : i32
        %dma_wait3A_679 = tpu.memref_slice %arg9[%dma_wait3A_677, %dma_wait3A_678] : memref<10000x128xf32, #tpu.memory_space<vmem_shared>> -> memref<10000x128xf32, #tpu.memory_space<vmem_shared>>
        tpu.wait_indirect_dma semaphore(%arg26 : memref<!tpu.dma_semaphore, #tpu.memory_space<semaphore_mem>>) src(%arg16 : memref<128x128xf32, #tpu.memory_space<vmem>>) dst(%dma_wait3A_679 : memref<10000x128xf32, #tpu.memory_space<vmem_shared>>)
        %eq3A_680 = arith.constant 1 : i32
        %eq3A_681 = arith.cmpi eq, %arg0, %eq3A_680 : i32
        %convert_element_type3A_682 = arith.extui %eq3A_681 : i1 to i32
        %cond3A_683 = arith.constant 0 : i32
        %cond3A_684 = arith.cmpi ne, %convert_element_type3A_682, %cond3A_683 : i32
        scf.if %cond3A_684 {
          %dma_wait3A_685 = arith.constant 0 : i32
          %dma_wait3A_686 = tpu.memref_slice %arg10[%dma_wait3A_685] : memref<10000xf32, #tpu.memory_space<vmem_shared>> -> memref<10000xf32, #tpu.memory_space<vmem_shared>>
          tpu.wait_indirect_dma semaphore(%arg28 : memref<!tpu.dma_semaphore, #tpu.memory_space<semaphore_mem>>) src(%arg17 : memref<128xf32, #tpu.memory_space<vmem>>) dst(%dma_wait3A_686 : memref<10000xf32, #tpu.memory_space<vmem_shared>>)
        } else {
        }
      } else {
      }
      %get3A_173 = arith.constant 128 : index
      %get3A_174 = tpu.vector_load %arg20[%get3A_173] {strides = array<i32>} : memref<768xi32, #tpu.memory_space<vmem>>, vector<16xi32>,
      %get3A_175 = vector.shape_cast %get3A_174 : vector<16xi32> to vector<16xi32>
      %swap3A_176 = arith.constant 0 : index
      %swap3A_177 = tpu.vector_load %arg14[%swap3A_176] {strides = array<i32>} : memref<128xi32, #tpu.memory_space<vmem>>, vector<16xi32>,
      %swap3A_178 = vector.shape_cast %swap3A_177 : vector<16xi32> to vector<16xi32>
      %swap3A_179 = vector.shape_cast %get3A_175 : vector<16xi32> to vector<16xi32>
      tpu.vector_store %arg14[%swap3A_176], %swap3A_179 {strides = array<i32>} : memref<128xi32, #tpu.memory_space<vmem>>, vector<16xi32>,
      %get3A_180 = arith.constant 144 : index
      %get3A_181 = tpu.vector_load %arg20[%get3A_180] {strides = array<i32>} : memref<768xi32, #tpu.memory_space<vmem>>, vector<16xi32>,
      %get3A_182 = vector.shape_cast %get3A_181 : vector<16xi32> to vector<16xi32>
      %swap3A_183 = arith.constant 16 : index
      %swap3A_184 = tpu.vector_load %arg14[%swap3A_183] {strides = array<i32>} : memref<128xi32, #tpu.memory_space<vmem>>, vector<16xi32>,
      %swap3A_185 = vector.shape_cast %swap3A_184 : vector<16xi32> to vector<16xi32>
      %swap3A_186 = vector.shape_cast %get3A_182 : vector<16xi32> to vector<16xi32>
      tpu.vector_store %arg14[%swap3A_183], %swap3A_186 {strides = array<i32>} : memref<128xi32, #tpu.memory_space<vmem>>, vector<16xi32>,
      %get3A_187 = arith.constant 160 : index
      %get3A_188 = tpu.vector_load %arg20[%get3A_187] {strides = array<i32>} : memref<768xi32, #tpu.memory_space<vmem>>, vector<16xi32>,
      %get3A_189 = vector.shape_cast %get3A_188 : vector<16xi32> to vector<16xi32>
      %swap3A_190 = arith.constant 32 : index
      %swap3A_191 = tpu.vector_load %arg14[%swap3A_190] {strides = array<i32>} : memref<128xi32, #tpu.memory_space<vmem>>, vector<16xi32>,
      %swap3A_192 = vector.shape_cast %swap3A_191 : vector<16xi32> to vector<16xi32>
      %swap3A_193 = vector.shape_cast %get3A_189 : vector<16xi32> to vector<16xi32>
      tpu.vector_store %arg14[%swap3A_190], %swap3A_193 {strides = array<i32>} : memref<128xi32, #tpu.memory_space<vmem>>, vector<16xi32>,
      %get3A_194 = arith.constant 176 : index
      %get3A_195 = tpu.vector_load %arg20[%get3A_194] {strides = array<i32>} : memref<768xi32, #tpu.memory_space<vmem>>, vector<16xi32>,
      %get3A_196 = vector.shape_cast %get3A_195 : vector<16xi32> to vector<16xi32>
      %swap3A_197 = arith.constant 48 : index
      %swap3A_198 = tpu.vector_load %arg14[%swap3A_197] {strides = array<i32>} : memref<128xi32, #tpu.memory_space<vmem>>, vector<16xi32>,
      %swap3A_199 = vector.shape_cast %swap3A_198 : vector<16xi32> to vector<16xi32>
      %swap3A_200 = vector.shape_cast %get3A_196 : vector<16xi32> to vector<16xi32>
      tpu.vector_store %arg14[%swap3A_197], %swap3A_200 {strides = array<i32>} : memref<128xi32, #tpu.memory_space<vmem>>, vector<16xi32>,
      %get3A_201 = arith.constant 192 : index
      %get3A_202 = tpu.vector_load %arg20[%get3A_201] {strides = array<i32>} : memref<768xi32, #tpu.memory_space<vmem>>, vector<16xi32>,
      %get3A_203 = vector.shape_cast %get3A_202 : vector<16xi32> to vector<16xi32>
      %swap3A_204 = arith.constant 64 : index
      %swap3A_205 = tpu.vector_load %arg14[%swap3A_204] {strides = array<i32>} : memref<128xi32, #tpu.memory_space<vmem>>, vector<16xi32>,
      %swap3A_206 = vector.shape_cast %swap3A_205 : vector<16xi32> to vector<16xi32>
      %swap3A_207 = vector.shape_cast %get3A_203 : vector<16xi32> to vector<16xi32>
      tpu.vector_store %arg14[%swap3A_204], %swap3A_207 {strides = array<i32>} : memref<128xi32, #tpu.memory_space<vmem>>, vector<16xi32>,
      %get3A_208 = arith.constant 208 : index
      %get3A_209 = tpu.vector_load %arg20[%get3A_208] {strides = array<i32>} : memref<768xi32, #tpu.memory_space<vmem>>, vector<16xi32>,
      %get3A_210 = vector.shape_cast %get3A_209 : vector<16xi32> to vector<16xi32>
      %swap3A_211 = arith.constant 80 : index
      %swap3A_212 = tpu.vector_load %arg14[%swap3A_211] {strides = array<i32>} : memref<128xi32, #tpu.memory_space<vmem>>, vector<16xi32>,
      %swap3A_213 = vector.shape_cast %swap3A_212 : vector<16xi32> to vector<16xi32>
      %swap3A_214 = vector.shape_cast %get3A_210 : vector<16xi32> to vector<16xi32>
      tpu.vector_store %arg14[%swap3A_211], %swap3A_214 {strides = array<i32>} : memref<128xi32, #tpu.memory_space<vmem>>, vector<16xi32>,
      %get3A_215 = arith.constant 224 : index
      %get3A_216 = tpu.vector_load %arg20[%get3A_215] {strides = array<i32>} : memref<768xi32, #tpu.memory_space<vmem>>, vector<16xi32>,
      %get3A_217 = vector.shape_cast %get3A_216 : vector<16xi32> to vector<16xi32>
      %swap3A_218 = arith.constant 96 : index
      %swap3A_219 = tpu.vector_load %arg14[%swap3A_218] {strides = array<i32>} : memref<128xi32, #tpu.memory_space<vmem>>, vector<16xi32>,
      %swap3A_220 = vector.shape_cast %swap3A_219 : vector<16xi32> to vector<16xi32>
      %swap3A_221 = vector.shape_cast %get3A_217 : vector<16xi32> to vector<16xi32>
      tpu.vector_store %arg14[%swap3A_218], %swap3A_221 {strides = array<i32>} : memref<128xi32, #tpu.memory_space<vmem>>, vector<16xi32>,
      %get3A_222 = arith.constant 240 : index
      %get3A_223 = tpu.vector_load %arg20[%get3A_222] {strides = array<i32>} : memref<768xi32, #tpu.memory_space<vmem>>, vector<16xi32>,
      %get3A_224 = vector.shape_cast %get3A_223 : vector<16xi32> to vector<16xi32>
      %swap3A_225 = arith.constant 112 : index
      %swap3A_226 = tpu.vector_load %arg14[%swap3A_225] {strides = array<i32>} : memref<128xi32, #tpu.memory_space<vmem>>, vector<16xi32>,
      %swap3A_227 = vector.shape_cast %swap3A_226 : vector<16xi32> to vector<16xi32>
      %swap3A_228 = vector.shape_cast %get3A_224 : vector<16xi32> to vector<16xi32>
      tpu.vector_store %arg14[%swap3A_225], %swap3A_228 {strides = array<i32>} : memref<128xi32, #tpu.memory_space<vmem>>, vector<16xi32>,
      %eq3A_229 = arith.constant 0 : i32
      %eq3A_230 = arith.cmpi eq, %arg0, %eq3A_229 : i32
      %convert_element_type3A_231 = arith.extui %eq3A_230 : i1 to i32
      %cond3A_232 = arith.constant 0 : i32
      %cond3A_233 = arith.cmpi ne, %convert_element_type3A_231, %cond3A_232 : i32
      scf.if %cond3A_233 {
        %get3A_677 = arith.constant 128 : index
        %get3A_678 = tpu.vector_load %arg19[%get3A_677] {strides = array<i32>} : memref<768xi32, #tpu.memory_space<vmem>>, vector<16xi32>,
        %get3A_679 = vector.shape_cast %get3A_678 : vector<16xi32> to vector<16xi32>
        %swap3A_680 = arith.constant 0 : index
        %swap3A_681 = tpu.vector_load %arg12[%swap3A_680] {strides = array<i32>} : memref<128xi32, #tpu.memory_space<vmem>>, vector<16xi32>,
        %swap3A_682 = vector.shape_cast %swap3A_681 : vector<16xi32> to vector<16xi32>
        %swap3A_683 = vector.shape_cast %get3A_679 : vector<16xi32> to vector<16xi32>
        tpu.vector_store %arg12[%swap3A_680], %swap3A_683 {strides = array<i32>} : memref<128xi32, #tpu.memory_space<vmem>>, vector<16xi32>,
        %get3A_684 = arith.constant 144 : index
        %get3A_685 = tpu.vector_load %arg19[%get3A_684] {strides = array<i32>} : memref<768xi32, #tpu.memory_space<vmem>>, vector<16xi32>,
        %get3A_686 = vector.shape_cast %get3A_685 : vector<16xi32> to vector<16xi32>
        %swap3A_687 = arith.constant 16 : index
        %swap3A_688 = tpu.vector_load %arg12[%swap3A_687] {strides = array<i32>} : memref<128xi32, #tpu.memory_space<vmem>>, vector<16xi32>,
        %swap3A_689 = vector.shape_cast %swap3A_688 : vector<16xi32> to vector<16xi32>
        %swap3A_690 = vector.shape_cast %get3A_686 : vector<16xi32> to vector<16xi32>
        tpu.vector_store %arg12[%swap3A_687], %swap3A_690 {strides = array<i32>} : memref<128xi32, #tpu.memory_space<vmem>>, vector<16xi32>,
        %get3A_691 = arith.constant 160 : index
        %get3A_692 = tpu.vector_load %arg19[%get3A_691] {strides = array<i32>} : memref<768xi32, #tpu.memory_space<vmem>>, vector<16xi32>,
        %get3A_693 = vector.shape_cast %get3A_692 : vector<16xi32> to vector<16xi32>
        %swap3A_694 = arith.constant 32 : index
        %swap3A_695 = tpu.vector_load %arg12[%swap3A_694] {strides = array<i32>} : memref<128xi32, #tpu.memory_space<vmem>>, vector<16xi32>,
        %swap3A_696 = vector.shape_cast %swap3A_695 : vector<16xi32> to vector<16xi32>
        %swap3A_697 = vector.shape_cast %get3A_693 : vector<16xi32> to vector<16xi32>
        tpu.vector_store %arg12[%swap3A_694], %swap3A_697 {strides = array<i32>} : memref<128xi32, #tpu.memory_space<vmem>>, vector<16xi32>,
        %get3A_698 = arith.constant 176 : index
        %get3A_699 = tpu.vector_load %arg19[%get3A_698] {strides = array<i32>} : memref<768xi32, #tpu.memory_space<vmem>>, vector<16xi32>,
        %get3A_700 = vector.shape_cast %get3A_699 : vector<16xi32> to vector<16xi32>
        %swap3A_701 = arith.constant 48 : index
        %swap3A_702 = tpu.vector_load %arg12[%swap3A_701] {strides = array<i32>} : memref<128xi32, #tpu.memory_space<vmem>>, vector<16xi32>,
        %swap3A_703 = vector.shape_cast %swap3A_702 : vector<16xi32> to vector<16xi32>
        %swap3A_704 = vector.shape_cast %get3A_700 : vector<16xi32> to vector<16xi32>
        tpu.vector_store %arg12[%swap3A_701], %swap3A_704 {strides = array<i32>} : memref<128xi32, #tpu.memory_space<vmem>>, vector<16xi32>,
        %get3A_705 = arith.constant 192 : index
        %get3A_706 = tpu.vector_load %arg19[%get3A_705] {strides = array<i32>} : memref<768xi32, #tpu.memory_space<vmem>>, vector<16xi32>,
        %get3A_707 = vector.shape_cast %get3A_706 : vector<16xi32> to vector<16xi32>
        %swap3A_708 = arith.constant 64 : index
        %swap3A_709 = tpu.vector_load %arg12[%swap3A_708] {strides = array<i32>} : memref<128xi32, #tpu.memory_space<vmem>>, vector<16xi32>,
        %swap3A_710 = vector.shape_cast %swap3A_709 : vector<16xi32> to vector<16xi32>
        %swap3A_711 = vector.shape_cast %get3A_707 : vector<16xi32> to vector<16xi32>
        tpu.vector_store %arg12[%swap3A_708], %swap3A_711 {strides = array<i32>} : memref<128xi32, #tpu.memory_space<vmem>>, vector<16xi32>,
        %get3A_712 = arith.constant 208 : index
        %get3A_713 = tpu.vector_load %arg19[%get3A_712] {strides = array<i32>} : memref<768xi32, #tpu.memory_space<vmem>>, vector<16xi32>,
        %get3A_714 = vector.shape_cast %get3A_713 : vector<16xi32> to vector<16xi32>
        %swap3A_715 = arith.constant 80 : index
        %swap3A_716 = tpu.vector_load %arg12[%swap3A_715] {strides = array<i32>} : memref<128xi32, #tpu.memory_space<vmem>>, vector<16xi32>,
        %swap3A_717 = vector.shape_cast %swap3A_716 : vector<16xi32> to vector<16xi32>
        %swap3A_718 = vector.shape_cast %get3A_714 : vector<16xi32> to vector<16xi32>
        tpu.vector_store %arg12[%swap3A_715], %swap3A_718 {strides = array<i32>} : memref<128xi32, #tpu.memory_space<vmem>>, vector<16xi32>,
        %get3A_719 = arith.constant 224 : index
        %get3A_720 = tpu.vector_load %arg19[%get3A_719] {strides = array<i32>} : memref<768xi32, #tpu.memory_space<vmem>>, vector<16xi32>,
        %get3A_721 = vector.shape_cast %get3A_720 : vector<16xi32> to vector<16xi32>
        %swap3A_722 = arith.constant 96 : index
        %swap3A_723 = tpu.vector_load %arg12[%swap3A_722] {strides = array<i32>} : memref<128xi32, #tpu.memory_space<vmem>>, vector<16xi32>,
        %swap3A_724 = vector.shape_cast %swap3A_723 : vector<16xi32> to vector<16xi32>
        %swap3A_725 = vector.shape_cast %get3A_721 : vector<16xi32> to vector<16xi32>
        tpu.vector_store %arg12[%swap3A_722], %swap3A_725 {strides = array<i32>} : memref<128xi32, #tpu.memory_space<vmem>>, vector<16xi32>,
        %get3A_726 = arith.constant 240 : index
        %get3A_727 = tpu.vector_load %arg19[%get3A_726] {strides = array<i32>} : memref<768xi32, #tpu.memory_space<vmem>>, vector<16xi32>,
        %get3A_728 = vector.shape_cast %get3A_727 : vector<16xi32> to vector<16xi32>
        %swap3A_729 = arith.constant 112 : index
        %swap3A_730 = tpu.vector_load %arg12[%swap3A_729] {strides = array<i32>} : memref<128xi32, #tpu.memory_space<vmem>>, vector<16xi32>,
        %swap3A_731 = vector.shape_cast %swap3A_730 : vector<16xi32> to vector<16xi32>
        %swap3A_732 = vector.shape_cast %get3A_728 : vector<16xi32> to vector<16xi32>
        tpu.vector_store %arg12[%swap3A_729], %swap3A_732 {strides = array<i32>} : memref<128xi32, #tpu.memory_space<vmem>>, vector<16xi32>,
      } else {
      }
      %add3A_234 = arith.constant 1 : i32
      %add3A_235 = arith.addi %add3A_151, %add3A_234 : i32
      %eq3A_236 = arith.constant 0 : i32
      %eq3A_237 = arith.cmpi eq, %arg0, %eq3A_236 : i32
      %convert_element_type3A_238 = arith.extui %eq3A_237 : i1 to i32
      %cond3A_239 = arith.constant 0 : i32
      %cond3A_240 = arith.cmpi ne, %convert_element_type3A_238, %cond3A_239 : i32
      scf.if %cond3A_240 {
        %dma_start3A_677 = arith.constant 0 : i32
        %dma_start3A_678 = arith.constant 0 : i32
        %dma_start3A_679 = tpu.memref_slice %arg2[%dma_start3A_677, %dma_start3A_678] : memref<10000x128xf32, #tpu.memory_space<hbm>> -> memref<10000x128xf32, #tpu.memory_space<hbm>>
        tpu.enqueue_indirect_dma source(%dma_start3A_679 : memref<10000x128xf32, #tpu.memory_space<hbm>>) target(%arg16 : memref<128x128xf32, #tpu.memory_space<vmem>>) offsets(%arg12 : memref<128xi32, #tpu.memory_space<vmem>>) semaphore(%arg24 : memref<!tpu.dma_semaphore, #tpu.memory_space<semaphore_mem>>)
      } else {
      }
      %eq3A_241 = arith.constant 1 : i32
      %eq3A_242 = arith.cmpi eq, %arg0, %eq3A_241 : i32
      %convert_element_type3A_243 = arith.extui %eq3A_242 : i1 to i32
      %cond3A_244 = arith.constant 0 : i32
      %cond3A_245 = arith.cmpi ne, %convert_element_type3A_243, %cond3A_244 : i32
      scf.if %cond3A_245 {
        %mul3A_677 = arith.constant 128 : i32
        %mul3A_678 = arith.muli %add3A_235, %mul3A_677 : i32
        %add3A_679 = arith.addi %mul3A_35, %mul3A_678 : i32
        %dma_start3A_680 = arith.constant 0 : i32
        %dma_start3A_681 = tpu.memref_slice %arg3[%add3A_679, %dma_start3A_680] : memref<320000x128xf32, #tpu.memory_space<hbm>> -> memref<128x128xf32, #tpu.memory_space<hbm>>
        %dma_start3A_682 = arith.constant 0 : i32
        %dma_start3A_683 = tpu.memref_slice %arg3[%add3A_679, %dma_start3A_682] : memref<320000x128xf32, #tpu.memory_space<hbm>> -> memref<128x128xf32, #tpu.memory_space<hbm>>
        tpu.enqueue_dma source(%dma_start3A_683 : memref<128x128xf32, #tpu.memory_space<hbm>>) target(%arg16 : memref<128x128xf32, #tpu.memory_space<vmem>>) target_semaphore(%arg24 : memref<!tpu.dma_semaphore, #tpu.memory_space<semaphore_mem>>)
      } else {
      }
      %mul3A_246 = arith.constant 6 : i32
      %mul3A_247 = arith.muli %scan3A_147, %mul3A_246 : i32
      %add3A_248 = arith.constant 1 : i32
      %add3A_249 = arith.addi %mul3A_247, %add3A_248 : i32
      %eq3A_250 = arith.constant 0 : i32
      %eq3A_251 = arith.cmpi eq, %arg0, %eq3A_250 : i32
      %convert_element_type3A_252 = arith.extui %eq3A_251 : i1 to i32
      %cond3A_253 = arith.constant 0 : i32
      %cond3A_254 = arith.cmpi ne, %convert_element_type3A_252, %cond3A_253 : i32
      scf.if %cond3A_254 {
        %dma_wait3A_677 = arith.constant 0 : i32
        %dma_wait3A_678 = arith.constant 0 : i32
        %dma_wait3A_679 = tpu.memref_slice %arg2[%dma_wait3A_677, %dma_wait3A_678] : memref<10000x128xf32, #tpu.memory_space<hbm>> -> memref<10000x128xf32, #tpu.memory_space<hbm>>
        tpu.wait_indirect_dma semaphore(%arg24 : memref<!tpu.dma_semaphore, #tpu.memory_space<semaphore_mem>>) src(%dma_wait3A_679 : memref<10000x128xf32, #tpu.memory_space<hbm>>) dst(%arg16 : memref<128x128xf32, #tpu.memory_space<vmem>>)
      } else {
      }
      %eq3A_255 = arith.constant 1 : i32
      %eq3A_256 = arith.cmpi eq, %arg0, %eq3A_255 : i32
      %convert_element_type3A_257 = arith.extui %eq3A_256 : i1 to i32
      %cond3A_258 = arith.constant 0 : i32
      %cond3A_259 = arith.cmpi ne, %convert_element_type3A_257, %cond3A_258 : i32
      scf.if %cond3A_259 {
        %mul3A_677 = arith.constant 128 : i32
        %mul3A_678 = arith.muli %add3A_249, %mul3A_677 : i32
        %add3A_679 = arith.addi %mul3A_35, %mul3A_678 : i32
        %dma_wait3A_680 = arith.constant 0 : i32
        %dma_wait3A_681 = tpu.memref_slice %arg3[%add3A_679, %dma_wait3A_680] : memref<320000x128xf32, #tpu.memory_space<hbm>> -> memref<128x128xf32, #tpu.memory_space<hbm>>
        %dma_wait3A_682 = arith.constant 0 : i32
        %dma_wait3A_683 = tpu.memref_slice %arg3[%add3A_679, %dma_wait3A_682] : memref<320000x128xf32, #tpu.memory_space<hbm>> -> memref<128x128xf32, #tpu.memory_space<hbm>>
        tpu.wait_dma2 semaphore(%arg24 : memref<!tpu.dma_semaphore, #tpu.memory_space<semaphore_mem>>) src(%dma_wait3A_683 : memref<128x128xf32, #tpu.memory_space<hbm>>) dst(%arg16 : memref<128x128xf32, #tpu.memory_space<vmem>>)
      } else {
      }
      %dma_start3A_260 = arith.constant 0 : i32
      %dma_start3A_261 = arith.constant 0 : i32
      %dma_start3A_262 = tpu.memref_slice %arg9[%dma_start3A_260, %dma_start3A_261] : memref<10000x128xf32, #tpu.memory_space<vmem_shared>> -> memref<10000x128xf32, #tpu.memory_space<vmem_shared>>
      tpu.enqueue_indirect_dma source(%arg16 : memref<128x128xf32, #tpu.memory_space<vmem>>) target(%dma_start3A_262 : memref<10000x128xf32, #tpu.memory_space<vmem_shared>>) offsets(%arg14 : memref<128xi32, #tpu.memory_space<vmem>>) semaphore(%arg26 : memref<!tpu.dma_semaphore, #tpu.memory_space<semaphore_mem>>) {add = true}
      %eq3A_263 = arith.constant 1 : i32
      %eq3A_264 = arith.cmpi eq, %arg0, %eq3A_263 : i32
      %convert_element_type3A_265 = arith.extui %eq3A_264 : i1 to i32
      %cond3A_266 = arith.constant 0 : i32
      %cond3A_267 = arith.cmpi ne, %convert_element_type3A_265, %cond3A_266 : i32
      scf.if %cond3A_267 {
        %dma_start3A_677 = arith.constant 0 : i32
        %dma_start3A_678 = tpu.memref_slice %arg10[%dma_start3A_677] : memref<10000xf32, #tpu.memory_space<vmem_shared>> -> memref<10000xf32, #tpu.memory_space<vmem_shared>>
        tpu.enqueue_indirect_dma source(%arg17 : memref<128xf32, #tpu.memory_space<vmem>>) target(%dma_start3A_678 : memref<10000xf32, #tpu.memory_space<vmem_shared>>) offsets(%arg14 : memref<128xi32, #tpu.memory_space<vmem>>) semaphore(%arg28 : memref<!tpu.dma_semaphore, #tpu.memory_space<semaphore_mem>>) {add = true}
      } else {
      }
      %gt3A_268 = arith.constant 0 : i32
      %gt3A_269 = arith.cmpi sgt, %add3A_249, %gt3A_268 : i32
      %convert_element_type3A_270 = arith.extui %gt3A_269 : i1 to i32
      %cond3A_271 = arith.constant 0 : i32
      %cond3A_272 = arith.cmpi ne, %convert_element_type3A_270, %cond3A_271 : i32
      scf.if %cond3A_272 {
        %dma_wait3A_677 = arith.constant 0 : i32
        %dma_wait3A_678 = arith.constant 0 : i32
        %dma_wait3A_679 = tpu.memref_slice %arg9[%dma_wait3A_677, %dma_wait3A_678] : memref<10000x128xf32, #tpu.memory_space<vmem_shared>> -> memref<10000x128xf32, #tpu.memory_space<vmem_shared>>
        tpu.wait_indirect_dma semaphore(%arg25 : memref<!tpu.dma_semaphore, #tpu.memory_space<semaphore_mem>>) src(%arg15 : memref<128x128xf32, #tpu.memory_space<vmem>>) dst(%dma_wait3A_679 : memref<10000x128xf32, #tpu.memory_space<vmem_shared>>)
        %eq3A_680 = arith.constant 1 : i32
        %eq3A_681 = arith.cmpi eq, %arg0, %eq3A_680 : i32
        %convert_element_type3A_682 = arith.extui %eq3A_681 : i1 to i32
        %cond3A_683 = arith.constant 0 : i32
        %cond3A_684 = arith.cmpi ne, %convert_element_type3A_682, %cond3A_683 : i32
        scf.if %cond3A_684 {
          %dma_wait3A_685 = arith.constant 0 : i32
          %dma_wait3A_686 = tpu.memref_slice %arg10[%dma_wait3A_685] : memref<10000xf32, #tpu.memory_space<vmem_shared>> -> memref<10000xf32, #tpu.memory_space<vmem_shared>>
          tpu.wait_indirect_dma semaphore(%arg27 : memref<!tpu.dma_semaphore, #tpu.memory_space<semaphore_mem>>) src(%arg17 : memref<128xf32, #tpu.memory_space<vmem>>) dst(%dma_wait3A_686 : memref<10000xf32, #tpu.memory_space<vmem_shared>>)
        } else {
        }
      } else {
      }
      %get3A_273 = arith.constant 256 : index
      %get3A_274 = tpu.vector_load %arg20[%get3A_273] {strides = array<i32>} : memref<768xi32, #tpu.memory_space<vmem>>, vector<16xi32>,
      %get3A_275 = vector.shape_cast %get3A_274 : vector<16xi32> to vector<16xi32>
      %swap3A_276 = arith.constant 0 : index
      %swap3A_277 = tpu.vector_load %arg13[%swap3A_276] {strides = array<i32>} : memref<128xi32, #tpu.memory_space<vmem>>, vector<16xi32>,
      %swap3A_278 = vector.shape_cast %swap3A_277 : vector<16xi32> to vector<16xi32>
      %swap3A_279 = vector.shape_cast %get3A_275 : vector<16xi32> to vector<16xi32>
      tpu.vector_store %arg13[%swap3A_276], %swap3A_279 {strides = array<i32>} : memref<128xi32, #tpu.memory_space<vmem>>, vector<16xi32>,
      %get3A_280 = arith.constant 272 : index
      %get3A_281 = tpu.vector_load %arg20[%get3A_280] {strides = array<i32>} : memref<768xi32, #tpu.memory_space<vmem>>, vector<16xi32>,
      %get3A_282 = vector.shape_cast %get3A_281 : vector<16xi32> to vector<16xi32>
      %swap3A_283 = arith.constant 16 : index
      %swap3A_284 = tpu.vector_load %arg13[%swap3A_283] {strides = array<i32>} : memref<128xi32, #tpu.memory_space<vmem>>, vector<16xi32>,
      %swap3A_285 = vector.shape_cast %swap3A_284 : vector<16xi32> to vector<16xi32>
      %swap3A_286 = vector.shape_cast %get3A_282 : vector<16xi32> to vector<16xi32>
      tpu.vector_store %arg13[%swap3A_283], %swap3A_286 {strides = array<i32>} : memref<128xi32, #tpu.memory_space<vmem>>, vector<16xi32>,
      %get3A_287 = arith.constant 288 : index
      %get3A_288 = tpu.vector_load %arg20[%get3A_287] {strides = array<i32>} : memref<768xi32, #tpu.memory_space<vmem>>, vector<16xi32>,
      %get3A_289 = vector.shape_cast %get3A_288 : vector<16xi32> to vector<16xi32>
      %swap3A_290 = arith.constant 32 : index
      %swap3A_291 = tpu.vector_load %arg13[%swap3A_290] {strides = array<i32>} : memref<128xi32, #tpu.memory_space<vmem>>, vector<16xi32>,
      %swap3A_292 = vector.shape_cast %swap3A_291 : vector<16xi32> to vector<16xi32>
      %swap3A_293 = vector.shape_cast %get3A_289 : vector<16xi32> to vector<16xi32>
      tpu.vector_store %arg13[%swap3A_290], %swap3A_293 {strides = array<i32>} : memref<128xi32, #tpu.memory_space<vmem>>, vector<16xi32>,
      %get3A_294 = arith.constant 304 : index
      %get3A_295 = tpu.vector_load %arg20[%get3A_294] {strides = array<i32>} : memref<768xi32, #tpu.memory_space<vmem>>, vector<16xi32>,
      %get3A_296 = vector.shape_cast %get3A_295 : vector<16xi32> to vector<16xi32>
      %swap3A_297 = arith.constant 48 : index
      %swap3A_298 = tpu.vector_load %arg13[%swap3A_297] {strides = array<i32>} : memref<128xi32, #tpu.memory_space<vmem>>, vector<16xi32>,
      %swap3A_299 = vector.shape_cast %swap3A_298 : vector<16xi32> to vector<16xi32>
      %swap3A_300 = vector.shape_cast %get3A_296 : vector<16xi32> to vector<16xi32>
      tpu.vector_store %arg13[%swap3A_297], %swap3A_300 {strides = array<i32>} : memref<128xi32, #tpu.memory_space<vmem>>, vector<16xi32>,
      %get3A_301 = arith.constant 320 : index
      %get3A_302 = tpu.vector_load %arg20[%get3A_301] {strides = array<i32>} : memref<768xi32, #tpu.memory_space<vmem>>, vector<16xi32>,
      %get3A_303 = vector.shape_cast %get3A_302 : vector<16xi32> to vector<16xi32>
      %swap3A_304 = arith.constant 64 : index
      %swap3A_305 = tpu.vector_load %arg13[%swap3A_304] {strides = array<i32>} : memref<128xi32, #tpu.memory_space<vmem>>, vector<16xi32>,
      %swap3A_306 = vector.shape_cast %swap3A_305 : vector<16xi32> to vector<16xi32>
      %swap3A_307 = vector.shape_cast %get3A_303 : vector<16xi32> to vector<16xi32>
      tpu.vector_store %arg13[%swap3A_304], %swap3A_307 {strides = array<i32>} : memref<128xi32, #tpu.memory_space<vmem>>, vector<16xi32>,
      %get3A_308 = arith.constant 336 : index
      %get3A_309 = tpu.vector_load %arg20[%get3A_308] {strides = array<i32>} : memref<768xi32, #tpu.memory_space<vmem>>, vector<16xi32>,
      %get3A_310 = vector.shape_cast %get3A_309 : vector<16xi32> to vector<16xi32>
      %swap3A_311 = arith.constant 80 : index
      %swap3A_312 = tpu.vector_load %arg13[%swap3A_311] {strides = array<i32>} : memref<128xi32, #tpu.memory_space<vmem>>, vector<16xi32>,
      %swap3A_313 = vector.shape_cast %swap3A_312 : vector<16xi32> to vector<16xi32>
      %swap3A_314 = vector.shape_cast %get3A_310 : vector<16xi32> to vector<16xi32>
      tpu.vector_store %arg13[%swap3A_311], %swap3A_314 {strides = array<i32>} : memref<128xi32, #tpu.memory_space<vmem>>, vector<16xi32>,
      %get3A_315 = arith.constant 352 : index
      %get3A_316 = tpu.vector_load %arg20[%get3A_315] {strides = array<i32>} : memref<768xi32, #tpu.memory_space<vmem>>, vector<16xi32>,
      %get3A_317 = vector.shape_cast %get3A_316 : vector<16xi32> to vector<16xi32>
      %swap3A_318 = arith.constant 96 : index
      %swap3A_319 = tpu.vector_load %arg13[%swap3A_318] {strides = array<i32>} : memref<128xi32, #tpu.memory_space<vmem>>, vector<16xi32>,
      %swap3A_320 = vector.shape_cast %swap3A_319 : vector<16xi32> to vector<16xi32>
      %swap3A_321 = vector.shape_cast %get3A_317 : vector<16xi32> to vector<16xi32>
      tpu.vector_store %arg13[%swap3A_318], %swap3A_321 {strides = array<i32>} : memref<128xi32, #tpu.memory_space<vmem>>, vector<16xi32>,
      %get3A_322 = arith.constant 368 : index
      %get3A_323 = tpu.vector_load %arg20[%get3A_322] {strides = array<i32>} : memref<768xi32, #tpu.memory_space<vmem>>, vector<16xi32>,
      %get3A_324 = vector.shape_cast %get3A_323 : vector<16xi32> to vector<16xi32>
      %swap3A_325 = arith.constant 112 : index
      %swap3A_326 = tpu.vector_load %arg13[%swap3A_325] {strides = array<i32>} : memref<128xi32, #tpu.memory_space<vmem>>, vector<16xi32>,
      %swap3A_327 = vector.shape_cast %swap3A_326 : vector<16xi32> to vector<16xi32>
      %swap3A_328 = vector.shape_cast %get3A_324 : vector<16xi32> to vector<16xi32>
      tpu.vector_store %arg13[%swap3A_325], %swap3A_328 {strides = array<i32>} : memref<128xi32, #tpu.memory_space<vmem>>, vector<16xi32>,
      %eq3A_329 = arith.constant 0 : i32
      %eq3A_330 = arith.cmpi eq, %arg0, %eq3A_329 : i32
      %convert_element_type3A_331 = arith.extui %eq3A_330 : i1 to i32
      %cond3A_332 = arith.constant 0 : i32
      %cond3A_333 = arith.cmpi ne, %convert_element_type3A_331, %cond3A_332 : i32
      scf.if %cond3A_333 {
        %get3A_677 = arith.constant 256 : index
        %get3A_678 = tpu.vector_load %arg19[%get3A_677] {strides = array<i32>} : memref<768xi32, #tpu.memory_space<vmem>>, vector<16xi32>,
        %get3A_679 = vector.shape_cast %get3A_678 : vector<16xi32> to vector<16xi32>
        %swap3A_680 = arith.constant 0 : index
        %swap3A_681 = tpu.vector_load %arg11[%swap3A_680] {strides = array<i32>} : memref<128xi32, #tpu.memory_space<vmem>>, vector<16xi32>,
        %swap3A_682 = vector.shape_cast %swap3A_681 : vector<16xi32> to vector<16xi32>
        %swap3A_683 = vector.shape_cast %get3A_679 : vector<16xi32> to vector<16xi32>
        tpu.vector_store %arg11[%swap3A_680], %swap3A_683 {strides = array<i32>} : memref<128xi32, #tpu.memory_space<vmem>>, vector<16xi32>,
        %get3A_684 = arith.constant 272 : index
        %get3A_685 = tpu.vector_load %arg19[%get3A_684] {strides = array<i32>} : memref<768xi32, #tpu.memory_space<vmem>>, vector<16xi32>,
        %get3A_686 = vector.shape_cast %get3A_685 : vector<16xi32> to vector<16xi32>
        %swap3A_687 = arith.constant 16 : index
        %swap3A_688 = tpu.vector_load %arg11[%swap3A_687] {strides = array<i32>} : memref<128xi32, #tpu.memory_space<vmem>>, vector<16xi32>,
        %swap3A_689 = vector.shape_cast %swap3A_688 : vector<16xi32> to vector<16xi32>
        %swap3A_690 = vector.shape_cast %get3A_686 : vector<16xi32> to vector<16xi32>
        tpu.vector_store %arg11[%swap3A_687], %swap3A_690 {strides = array<i32>} : memref<128xi32, #tpu.memory_space<vmem>>, vector<16xi32>,
        %get3A_691 = arith.constant 288 : index
        %get3A_692 = tpu.vector_load %arg19[%get3A_691] {strides = array<i32>} : memref<768xi32, #tpu.memory_space<vmem>>, vector<16xi32>,
        %get3A_693 = vector.shape_cast %get3A_692 : vector<16xi32> to vector<16xi32>
        %swap3A_694 = arith.constant 32 : index
        %swap3A_695 = tpu.vector_load %arg11[%swap3A_694] {strides = array<i32>} : memref<128xi32, #tpu.memory_space<vmem>>, vector<16xi32>,
        %swap3A_696 = vector.shape_cast %swap3A_695 : vector<16xi32> to vector<16xi32>
        %swap3A_697 = vector.shape_cast %get3A_693 : vector<16xi32> to vector<16xi32>
        tpu.vector_store %arg11[%swap3A_694], %swap3A_697 {strides = array<i32>} : memref<128xi32, #tpu.memory_space<vmem>>, vector<16xi32>,
        %get3A_698 = arith.constant 304 : index
        %get3A_699 = tpu.vector_load %arg19[%get3A_698] {strides = array<i32>} : memref<768xi32, #tpu.memory_space<vmem>>, vector<16xi32>,
        %get3A_700 = vector.shape_cast %get3A_699 : vector<16xi32> to vector<16xi32>
        %swap3A_701 = arith.constant 48 : index
        %swap3A_702 = tpu.vector_load %arg11[%swap3A_701] {strides = array<i32>} : memref<128xi32, #tpu.memory_space<vmem>>, vector<16xi32>,
        %swap3A_703 = vector.shape_cast %swap3A_702 : vector<16xi32> to vector<16xi32>
        %swap3A_704 = vector.shape_cast %get3A_700 : vector<16xi32> to vector<16xi32>
        tpu.vector_store %arg11[%swap3A_701], %swap3A_704 {strides = array<i32>} : memref<128xi32, #tpu.memory_space<vmem>>, vector<16xi32>,
        %get3A_705 = arith.constant 320 : index
        %get3A_706 = tpu.vector_load %arg19[%get3A_705] {strides = array<i32>} : memref<768xi32, #tpu.memory_space<vmem>>, vector<16xi32>,
        %get3A_707 = vector.shape_cast %get3A_706 : vector<16xi32> to vector<16xi32>
        %swap3A_708 = arith.constant 64 : index
        %swap3A_709 = tpu.vector_load %arg11[%swap3A_708] {strides = array<i32>} : memref<128xi32, #tpu.memory_space<vmem>>, vector<16xi32>,
        %swap3A_710 = vector.shape_cast %swap3A_709 : vector<16xi32> to vector<16xi32>
        %swap3A_711 = vector.shape_cast %get3A_707 : vector<16xi32> to vector<16xi32>
        tpu.vector_store %arg11[%swap3A_708], %swap3A_711 {strides = array<i32>} : memref<128xi32, #tpu.memory_space<vmem>>, vector<16xi32>,
        %get3A_712 = arith.constant 336 : index
        %get3A_713 = tpu.vector_load %arg19[%get3A_712] {strides = array<i32>} : memref<768xi32, #tpu.memory_space<vmem>>, vector<16xi32>,
        %get3A_714 = vector.shape_cast %get3A_713 : vector<16xi32> to vector<16xi32>
        %swap3A_715 = arith.constant 80 : index
        %swap3A_716 = tpu.vector_load %arg11[%swap3A_715] {strides = array<i32>} : memref<128xi32, #tpu.memory_space<vmem>>, vector<16xi32>,
        %swap3A_717 = vector.shape_cast %swap3A_716 : vector<16xi32> to vector<16xi32>
        %swap3A_718 = vector.shape_cast %get3A_714 : vector<16xi32> to vector<16xi32>
        tpu.vector_store %arg11[%swap3A_715], %swap3A_718 {strides = array<i32>} : memref<128xi32, #tpu.memory_space<vmem>>, vector<16xi32>,
        %get3A_719 = arith.constant 352 : index
        %get3A_720 = tpu.vector_load %arg19[%get3A_719] {strides = array<i32>} : memref<768xi32, #tpu.memory_space<vmem>>, vector<16xi32>,
        %get3A_721 = vector.shape_cast %get3A_720 : vector<16xi32> to vector<16xi32>
        %swap3A_722 = arith.constant 96 : index
        %swap3A_723 = tpu.vector_load %arg11[%swap3A_722] {strides = array<i32>} : memref<128xi32, #tpu.memory_space<vmem>>, vector<16xi32>,
        %swap3A_724 = vector.shape_cast %swap3A_723 : vector<16xi32> to vector<16xi32>
        %swap3A_725 = vector.shape_cast %get3A_721 : vector<16xi32> to vector<16xi32>
        tpu.vector_store %arg11[%swap3A_722], %swap3A_725 {strides = array<i32>} : memref<128xi32, #tpu.memory_space<vmem>>, vector<16xi32>,
        %get3A_726 = arith.constant 368 : index
        %get3A_727 = tpu.vector_load %arg19[%get3A_726] {strides = array<i32>} : memref<768xi32, #tpu.memory_space<vmem>>, vector<16xi32>,
        %get3A_728 = vector.shape_cast %get3A_727 : vector<16xi32> to vector<16xi32>
        %swap3A_729 = arith.constant 112 : index
        %swap3A_730 = tpu.vector_load %arg11[%swap3A_729] {strides = array<i32>} : memref<128xi32, #tpu.memory_space<vmem>>, vector<16xi32>,
        %swap3A_731 = vector.shape_cast %swap3A_730 : vector<16xi32> to vector<16xi32>
        %swap3A_732 = vector.shape_cast %get3A_728 : vector<16xi32> to vector<16xi32>
        tpu.vector_store %arg11[%swap3A_729], %swap3A_732 {strides = array<i32>} : memref<128xi32, #tpu.memory_space<vmem>>, vector<16xi32>,
      } else {
      }
      %add3A_334 = arith.constant 1 : i32
      %add3A_335 = arith.addi %add3A_249, %add3A_334 : i32
      %eq3A_336 = arith.constant 0 : i32
      %eq3A_337 = arith.cmpi eq, %arg0, %eq3A_336 : i32
      %convert_element_type3A_338 = arith.extui %eq3A_337 : i1 to i32
      %cond3A_339 = arith.constant 0 : i32
      %cond3A_340 = arith.cmpi ne, %convert_element_type3A_338, %cond3A_339 : i32
      scf.if %cond3A_340 {
        %dma_start3A_677 = arith.constant 0 : i32
        %dma_start3A_678 = arith.constant 0 : i32
        %dma_start3A_679 = tpu.memref_slice %arg2[%dma_start3A_677, %dma_start3A_678] : memref<10000x128xf32, #tpu.memory_space<hbm>> -> memref<10000x128xf32, #tpu.memory_space<hbm>>
        tpu.enqueue_indirect_dma source(%dma_start3A_679 : memref<10000x128xf32, #tpu.memory_space<hbm>>) target(%arg15 : memref<128x128xf32, #tpu.memory_space<vmem>>) offsets(%arg11 : memref<128xi32, #tpu.memory_space<vmem>>) semaphore(%arg23 : memref<!tpu.dma_semaphore, #tpu.memory_space<semaphore_mem>>)
      } else {
      }
      %eq3A_341 = arith.constant 1 : i32
      %eq3A_342 = arith.cmpi eq, %arg0, %eq3A_341 : i32
      %convert_element_type3A_343 = arith.extui %eq3A_342 : i1 to i32
      %cond3A_344 = arith.constant 0 : i32
      %cond3A_345 = arith.cmpi ne, %convert_element_type3A_343, %cond3A_344 : i32
      scf.if %cond3A_345 {
        %mul3A_677 = arith.constant 128 : i32
        %mul3A_678 = arith.muli %add3A_335, %mul3A_677 : i32
        %add3A_679 = arith.addi %mul3A_35, %mul3A_678 : i32
        %dma_start3A_680 = arith.constant 0 : i32
        %dma_start3A_681 = tpu.memref_slice %arg3[%add3A_679, %dma_start3A_680] : memref<320000x128xf32, #tpu.memory_space<hbm>> -> memref<128x128xf32, #tpu.memory_space<hbm>>
        %dma_start3A_682 = arith.constant 0 : i32
        %dma_start3A_683 = tpu.memref_slice %arg3[%add3A_679, %dma_start3A_682] : memref<320000x128xf32, #tpu.memory_space<hbm>> -> memref<128x128xf32, #tpu.memory_space<hbm>>
        tpu.enqueue_dma source(%dma_start3A_683 : memref<128x128xf32, #tpu.memory_space<hbm>>) target(%arg15 : memref<128x128xf32, #tpu.memory_space<vmem>>) target_semaphore(%arg23 : memref<!tpu.dma_semaphore, #tpu.memory_space<semaphore_mem>>)
      } else {
      }
      %mul3A_346 = arith.constant 6 : i32
      %mul3A_347 = arith.muli %scan3A_147, %mul3A_346 : i32
      %add3A_348 = arith.constant 2 : i32
      %add3A_349 = arith.addi %mul3A_347, %add3A_348 : i32
      %eq3A_350 = arith.constant 0 : i32
      %eq3A_351 = arith.cmpi eq, %arg0, %eq3A_350 : i32
      %convert_element_type3A_352 = arith.extui %eq3A_351 : i1 to i32
      %cond3A_353 = arith.constant 0 : i32
      %cond3A_354 = arith.cmpi ne, %convert_element_type3A_352, %cond3A_353 : i32
      scf.if %cond3A_354 {
        %dma_wait3A_677 = arith.constant 0 : i32
        %dma_wait3A_678 = arith.constant 0 : i32
        %dma_wait3A_679 = tpu.memref_slice %arg2[%dma_wait3A_677, %dma_wait3A_678] : memref<10000x128xf32, #tpu.memory_space<hbm>> -> memref<10000x128xf32, #tpu.memory_space<hbm>>
        tpu.wait_indirect_dma semaphore(%arg23 : memref<!tpu.dma_semaphore, #tpu.memory_space<semaphore_mem>>) src(%dma_wait3A_679 : memref<10000x128xf32, #tpu.memory_space<hbm>>) dst(%arg15 : memref<128x128xf32, #tpu.memory_space<vmem>>)
      } else {
      }
      %eq3A_355 = arith.constant 1 : i32
      %eq3A_356 = arith.cmpi eq, %arg0, %eq3A_355 : i32
      %convert_element_type3A_357 = arith.extui %eq3A_356 : i1 to i32
      %cond3A_358 = arith.constant 0 : i32
      %cond3A_359 = arith.cmpi ne, %convert_element_type3A_357, %cond3A_358 : i32
      scf.if %cond3A_359 {
        %mul3A_677 = arith.constant 128 : i32
        %mul3A_678 = arith.muli %add3A_349, %mul3A_677 : i32
        %add3A_679 = arith.addi %mul3A_35, %mul3A_678 : i32
        %dma_wait3A_680 = arith.constant 0 : i32
        %dma_wait3A_681 = tpu.memref_slice %arg3[%add3A_679, %dma_wait3A_680] : memref<320000x128xf32, #tpu.memory_space<hbm>> -> memref<128x128xf32, #tpu.memory_space<hbm>>
        %dma_wait3A_682 = arith.constant 0 : i32
        %dma_wait3A_683 = tpu.memref_slice %arg3[%add3A_679, %dma_wait3A_682] : memref<320000x128xf32, #tpu.memory_space<hbm>> -> memref<128x128xf32, #tpu.memory_space<hbm>>
        tpu.wait_dma2 semaphore(%arg23 : memref<!tpu.dma_semaphore, #tpu.memory_space<semaphore_mem>>) src(%dma_wait3A_683 : memref<128x128xf32, #tpu.memory_space<hbm>>) dst(%arg15 : memref<128x128xf32, #tpu.memory_space<vmem>>)
      } else {
      }
      %dma_start3A_360 = arith.constant 0 : i32
      %dma_start3A_361 = arith.constant 0 : i32
      %dma_start3A_362 = tpu.memref_slice %arg9[%dma_start3A_360, %dma_start3A_361] : memref<10000x128xf32, #tpu.memory_space<vmem_shared>> -> memref<10000x128xf32, #tpu.memory_space<vmem_shared>>
      tpu.enqueue_indirect_dma source(%arg15 : memref<128x128xf32, #tpu.memory_space<vmem>>) target(%dma_start3A_362 : memref<10000x128xf32, #tpu.memory_space<vmem_shared>>) offsets(%arg13 : memref<128xi32, #tpu.memory_space<vmem>>) semaphore(%arg25 : memref<!tpu.dma_semaphore, #tpu.memory_space<semaphore_mem>>) {add = true}
      %eq3A_363 = arith.constant 1 : i32
      %eq3A_364 = arith.cmpi eq, %arg0, %eq3A_363 : i32
      %convert_element_type3A_365 = arith.extui %eq3A_364 : i1 to i32
      %cond3A_366 = arith.constant 0 : i32
      %cond3A_367 = arith.cmpi ne, %convert_element_type3A_365, %cond3A_366 : i32
      scf.if %cond3A_367 {
        %dma_start3A_677 = arith.constant 0 : i32
        %dma_start3A_678 = tpu.memref_slice %arg10[%dma_start3A_677] : memref<10000xf32, #tpu.memory_space<vmem_shared>> -> memref<10000xf32, #tpu.memory_space<vmem_shared>>
        tpu.enqueue_indirect_dma source(%arg17 : memref<128xf32, #tpu.memory_space<vmem>>) target(%dma_start3A_678 : memref<10000xf32, #tpu.memory_space<vmem_shared>>) offsets(%arg13 : memref<128xi32, #tpu.memory_space<vmem>>) semaphore(%arg27 : memref<!tpu.dma_semaphore, #tpu.memory_space<semaphore_mem>>) {add = true}
      } else {
      }
      %gt3A_368 = arith.constant 0 : i32
      %gt3A_369 = arith.cmpi sgt, %add3A_349, %gt3A_368 : i32
      %convert_element_type3A_370 = arith.extui %gt3A_369 : i1 to i32
      %cond3A_371 = arith.constant 0 : i32
      %cond3A_372 = arith.cmpi ne, %convert_element_type3A_370, %cond3A_371 : i32
      scf.if %cond3A_372 {
        %dma_wait3A_677 = arith.constant 0 : i32
        %dma_wait3A_678 = arith.constant 0 : i32
        %dma_wait3A_679 = tpu.memref_slice %arg9[%dma_wait3A_677, %dma_wait3A_678] : memref<10000x128xf32, #tpu.memory_space<vmem_shared>> -> memref<10000x128xf32, #tpu.memory_space<vmem_shared>>
        tpu.wait_indirect_dma semaphore(%arg26 : memref<!tpu.dma_semaphore, #tpu.memory_space<semaphore_mem>>) src(%arg16 : memref<128x128xf32, #tpu.memory_space<vmem>>) dst(%dma_wait3A_679 : memref<10000x128xf32, #tpu.memory_space<vmem_shared>>)
        %eq3A_680 = arith.constant 1 : i32
        %eq3A_681 = arith.cmpi eq, %arg0, %eq3A_680 : i32
        %convert_element_type3A_682 = arith.extui %eq3A_681 : i1 to i32
        %cond3A_683 = arith.constant 0 : i32
        %cond3A_684 = arith.cmpi ne, %convert_element_type3A_682, %cond3A_683 : i32
        scf.if %cond3A_684 {
          %dma_wait3A_685 = arith.constant 0 : i32
          %dma_wait3A_686 = tpu.memref_slice %arg10[%dma_wait3A_685] : memref<10000xf32, #tpu.memory_space<vmem_shared>> -> memref<10000xf32, #tpu.memory_space<vmem_shared>>
          tpu.wait_indirect_dma semaphore(%arg28 : memref<!tpu.dma_semaphore, #tpu.memory_space<semaphore_mem>>) src(%arg17 : memref<128xf32, #tpu.memory_space<vmem>>) dst(%dma_wait3A_686 : memref<10000xf32, #tpu.memory_space<vmem_shared>>)
        } else {
        }
      } else {
      }
      %get3A_373 = arith.constant 384 : index
      %get3A_374 = tpu.vector_load %arg20[%get3A_373] {strides = array<i32>} : memref<768xi32, #tpu.memory_space<vmem>>, vector<16xi32>,
      %get3A_375 = vector.shape_cast %get3A_374 : vector<16xi32> to vector<16xi32>
      %swap3A_376 = arith.constant 0 : index
      %swap3A_377 = tpu.vector_load %arg14[%swap3A_376] {strides = array<i32>} : memref<128xi32, #tpu.memory_space<vmem>>, vector<16xi32>,
      %swap3A_378 = vector.shape_cast %swap3A_377 : vector<16xi32> to vector<16xi32>
      %swap3A_379 = vector.shape_cast %get3A_375 : vector<16xi32> to vector<16xi32>
      tpu.vector_store %arg14[%swap3A_376], %swap3A_379 {strides = array<i32>} : memref<128xi32, #tpu.memory_space<vmem>>, vector<16xi32>,
      %get3A_380 = arith.constant 400 : index
      %get3A_381 = tpu.vector_load %arg20[%get3A_380] {strides = array<i32>} : memref<768xi32, #tpu.memory_space<vmem>>, vector<16xi32>,
      %get3A_382 = vector.shape_cast %get3A_381 : vector<16xi32> to vector<16xi32>
      %swap3A_383 = arith.constant 16 : index
      %swap3A_384 = tpu.vector_load %arg14[%swap3A_383] {strides = array<i32>} : memref<128xi32, #tpu.memory_space<vmem>>, vector<16xi32>,
      %swap3A_385 = vector.shape_cast %swap3A_384 : vector<16xi32> to vector<16xi32>
      %swap3A_386 = vector.shape_cast %get3A_382 : vector<16xi32> to vector<16xi32>
      tpu.vector_store %arg14[%swap3A_383], %swap3A_386 {strides = array<i32>} : memref<128xi32, #tpu.memory_space<vmem>>, vector<16xi32>,
      %get3A_387 = arith.constant 416 : index
      %get3A_388 = tpu.vector_load %arg20[%get3A_387] {strides = array<i32>} : memref<768xi32, #tpu.memory_space<vmem>>, vector<16xi32>,
      %get3A_389 = vector.shape_cast %get3A_388 : vector<16xi32> to vector<16xi32>
      %swap3A_390 = arith.constant 32 : index
      %swap3A_391 = tpu.vector_load %arg14[%swap3A_390] {strides = array<i32>} : memref<128xi32, #tpu.memory_space<vmem>>, vector<16xi32>,
      %swap3A_392 = vector.shape_cast %swap3A_391 : vector<16xi32> to vector<16xi32>
      %swap3A_393 = vector.shape_cast %get3A_389 : vector<16xi32> to vector<16xi32>
      tpu.vector_store %arg14[%swap3A_390], %swap3A_393 {strides = array<i32>} : memref<128xi32, #tpu.memory_space<vmem>>, vector<16xi32>,
      %get3A_394 = arith.constant 432 : index
      %get3A_395 = tpu.vector_load %arg20[%get3A_394] {strides = array<i32>} : memref<768xi32, #tpu.memory_space<vmem>>, vector<16xi32>,
      %get3A_396 = vector.shape_cast %get3A_395 : vector<16xi32> to vector<16xi32>
      %swap3A_397 = arith.constant 48 : index
      %swap3A_398 = tpu.vector_load %arg14[%swap3A_397] {strides = array<i32>} : memref<128xi32, #tpu.memory_space<vmem>>, vector<16xi32>,
      %swap3A_399 = vector.shape_cast %swap3A_398 : vector<16xi32> to vector<16xi32>
      %swap3A_400 = vector.shape_cast %get3A_396 : vector<16xi32> to vector<16xi32>
      tpu.vector_store %arg14[%swap3A_397], %swap3A_400 {strides = array<i32>} : memref<128xi32, #tpu.memory_space<vmem>>, vector<16xi32>,
      %get3A_401 = arith.constant 448 : index
      %get3A_402 = tpu.vector_load %arg20[%get3A_401] {strides = array<i32>} : memref<768xi32, #tpu.memory_space<vmem>>, vector<16xi32>,
      %get3A_403 = vector.shape_cast %get3A_402 : vector<16xi32> to vector<16xi32>
      %swap3A_404 = arith.constant 64 : index
      %swap3A_405 = tpu.vector_load %arg14[%swap3A_404] {strides = array<i32>} : memref<128xi32, #tpu.memory_space<vmem>>, vector<16xi32>,
      %swap3A_406 = vector.shape_cast %swap3A_405 : vector<16xi32> to vector<16xi32>
      %swap3A_407 = vector.shape_cast %get3A_403 : vector<16xi32> to vector<16xi32>
      tpu.vector_store %arg14[%swap3A_404], %swap3A_407 {strides = array<i32>} : memref<128xi32, #tpu.memory_space<vmem>>, vector<16xi32>,
      %get3A_408 = arith.constant 464 : index
      %get3A_409 = tpu.vector_load %arg20[%get3A_408] {strides = array<i32>} : memref<768xi32, #tpu.memory_space<vmem>>, vector<16xi32>,
      %get3A_410 = vector.shape_cast %get3A_409 : vector<16xi32> to vector<16xi32>
      %swap3A_411 = arith.constant 80 : index
      %swap3A_412 = tpu.vector_load %arg14[%swap3A_411] {strides = array<i32>} : memref<128xi32, #tpu.memory_space<vmem>>, vector<16xi32>,
      %swap3A_413 = vector.shape_cast %swap3A_412 : vector<16xi32> to vector<16xi32>
      %swap3A_414 = vector.shape_cast %get3A_410 : vector<16xi32> to vector<16xi32>
      tpu.vector_store %arg14[%swap3A_411], %swap3A_414 {strides = array<i32>} : memref<128xi32, #tpu.memory_space<vmem>>, vector<16xi32>,
      %get3A_415 = arith.constant 480 : index
      %get3A_416 = tpu.vector_load %arg20[%get3A_415] {strides = array<i32>} : memref<768xi32, #tpu.memory_space<vmem>>, vector<16xi32>,
      %get3A_417 = vector.shape_cast %get3A_416 : vector<16xi32> to vector<16xi32>
      %swap3A_418 = arith.constant 96 : index
      %swap3A_419 = tpu.vector_load %arg14[%swap3A_418] {strides = array<i32>} : memref<128xi32, #tpu.memory_space<vmem>>, vector<16xi32>,
      %swap3A_420 = vector.shape_cast %swap3A_419 : vector<16xi32> to vector<16xi32>
      %swap3A_421 = vector.shape_cast %get3A_417 : vector<16xi32> to vector<16xi32>
      tpu.vector_store %arg14[%swap3A_418], %swap3A_421 {strides = array<i32>} : memref<128xi32, #tpu.memory_space<vmem>>, vector<16xi32>,
      %get3A_422 = arith.constant 496 : index
      %get3A_423 = tpu.vector_load %arg20[%get3A_422] {strides = array<i32>} : memref<768xi32, #tpu.memory_space<vmem>>, vector<16xi32>,
      %get3A_424 = vector.shape_cast %get3A_423 : vector<16xi32> to vector<16xi32>
      %swap3A_425 = arith.constant 112 : index
      %swap3A_426 = tpu.vector_load %arg14[%swap3A_425] {strides = array<i32>} : memref<128xi32, #tpu.memory_space<vmem>>, vector<16xi32>,
      %swap3A_427 = vector.shape_cast %swap3A_426 : vector<16xi32> to vector<16xi32>
      %swap3A_428 = vector.shape_cast %get3A_424 : vector<16xi32> to vector<16xi32>
      tpu.vector_store %arg14[%swap3A_425], %swap3A_428 {strides = array<i32>} : memref<128xi32, #tpu.memory_space<vmem>>, vector<16xi32>,
      %eq3A_429 = arith.constant 0 : i32
      %eq3A_430 = arith.cmpi eq, %arg0, %eq3A_429 : i32
      %convert_element_type3A_431 = arith.extui %eq3A_430 : i1 to i32
      %cond3A_432 = arith.constant 0 : i32
      %cond3A_433 = arith.cmpi ne, %convert_element_type3A_431, %cond3A_432 : i32
      scf.if %cond3A_433 {
        %get3A_677 = arith.constant 384 : index
        %get3A_678 = tpu.vector_load %arg19[%get3A_677] {strides = array<i32>} : memref<768xi32, #tpu.memory_space<vmem>>, vector<16xi32>,
        %get3A_679 = vector.shape_cast %get3A_678 : vector<16xi32> to vector<16xi32>
        %swap3A_680 = arith.constant 0 : index
        %swap3A_681 = tpu.vector_load %arg12[%swap3A_680] {strides = array<i32>} : memref<128xi32, #tpu.memory_space<vmem>>, vector<16xi32>,
        %swap3A_682 = vector.shape_cast %swap3A_681 : vector<16xi32> to vector<16xi32>
        %swap3A_683 = vector.shape_cast %get3A_679 : vector<16xi32> to vector<16xi32>
        tpu.vector_store %arg12[%swap3A_680], %swap3A_683 {strides = array<i32>} : memref<128xi32, #tpu.memory_space<vmem>>, vector<16xi32>,
        %get3A_684 = arith.constant 400 : index
        %get3A_685 = tpu.vector_load %arg19[%get3A_684] {strides = array<i32>} : memref<768xi32, #tpu.memory_space<vmem>>, vector<16xi32>,
        %get3A_686 = vector.shape_cast %get3A_685 : vector<16xi32> to vector<16xi32>
        %swap3A_687 = arith.constant 16 : index
        %swap3A_688 = tpu.vector_load %arg12[%swap3A_687] {strides = array<i32>} : memref<128xi32, #tpu.memory_space<vmem>>, vector<16xi32>,
        %swap3A_689 = vector.shape_cast %swap3A_688 : vector<16xi32> to vector<16xi32>
        %swap3A_690 = vector.shape_cast %get3A_686 : vector<16xi32> to vector<16xi32>
        tpu.vector_store %arg12[%swap3A_687], %swap3A_690 {strides = array<i32>} : memref<128xi32, #tpu.memory_space<vmem>>, vector<16xi32>,
        %get3A_691 = arith.constant 416 : index
        %get3A_692 = tpu.vector_load %arg19[%get3A_691] {strides = array<i32>} : memref<768xi32, #tpu.memory_space<vmem>>, vector<16xi32>,
        %get3A_693 = vector.shape_cast %get3A_692 : vector<16xi32> to vector<16xi32>
        %swap3A_694 = arith.constant 32 : index
        %swap3A_695 = tpu.vector_load %arg12[%swap3A_694] {strides = array<i32>} : memref<128xi32, #tpu.memory_space<vmem>>, vector<16xi32>,
        %swap3A_696 = vector.shape_cast %swap3A_695 : vector<16xi32> to vector<16xi32>
        %swap3A_697 = vector.shape_cast %get3A_693 : vector<16xi32> to vector<16xi32>
        tpu.vector_store %arg12[%swap3A_694], %swap3A_697 {strides = array<i32>} : memref<128xi32, #tpu.memory_space<vmem>>, vector<16xi32>,
        %get3A_698 = arith.constant 432 : index
        %get3A_699 = tpu.vector_load %arg19[%get3A_698] {strides = array<i32>} : memref<768xi32, #tpu.memory_space<vmem>>, vector<16xi32>,
        %get3A_700 = vector.shape_cast %get3A_699 : vector<16xi32> to vector<16xi32>
        %swap3A_701 = arith.constant 48 : index
        %swap3A_702 = tpu.vector_load %arg12[%swap3A_701] {strides = array<i32>} : memref<128xi32, #tpu.memory_space<vmem>>, vector<16xi32>,
        %swap3A_703 = vector.shape_cast %swap3A_702 : vector<16xi32> to vector<16xi32>
        %swap3A_704 = vector.shape_cast %get3A_700 : vector<16xi32> to vector<16xi32>
        tpu.vector_store %arg12[%swap3A_701], %swap3A_704 {strides = array<i32>} : memref<128xi32, #tpu.memory_space<vmem>>, vector<16xi32>,
        %get3A_705 = arith.constant 448 : index
        %get3A_706 = tpu.vector_load %arg19[%get3A_705] {strides = array<i32>} : memref<768xi32, #tpu.memory_space<vmem>>, vector<16xi32>,
        %get3A_707 = vector.shape_cast %get3A_706 : vector<16xi32> to vector<16xi32>
        %swap3A_708 = arith.constant 64 : index
        %swap3A_709 = tpu.vector_load %arg12[%swap3A_708] {strides = array<i32>} : memref<128xi32, #tpu.memory_space<vmem>>, vector<16xi32>,
        %swap3A_710 = vector.shape_cast %swap3A_709 : vector<16xi32> to vector<16xi32>
        %swap3A_711 = vector.shape_cast %get3A_707 : vector<16xi32> to vector<16xi32>
        tpu.vector_store %arg12[%swap3A_708], %swap3A_711 {strides = array<i32>} : memref<128xi32, #tpu.memory_space<vmem>>, vector<16xi32>,
        %get3A_712 = arith.constant 464 : index
        %get3A_713 = tpu.vector_load %arg19[%get3A_712] {strides = array<i32>} : memref<768xi32, #tpu.memory_space<vmem>>, vector<16xi32>,
        %get3A_714 = vector.shape_cast %get3A_713 : vector<16xi32> to vector<16xi32>
        %swap3A_715 = arith.constant 80 : index
        %swap3A_716 = tpu.vector_load %arg12[%swap3A_715] {strides = array<i32>} : memref<128xi32, #tpu.memory_space<vmem>>, vector<16xi32>,
        %swap3A_717 = vector.shape_cast %swap3A_716 : vector<16xi32> to vector<16xi32>
        %swap3A_718 = vector.shape_cast %get3A_714 : vector<16xi32> to vector<16xi32>
        tpu.vector_store %arg12[%swap3A_715], %swap3A_718 {strides = array<i32>} : memref<128xi32, #tpu.memory_space<vmem>>, vector<16xi32>,
        %get3A_719 = arith.constant 480 : index
        %get3A_720 = tpu.vector_load %arg19[%get3A_719] {strides = array<i32>} : memref<768xi32, #tpu.memory_space<vmem>>, vector<16xi32>,
        %get3A_721 = vector.shape_cast %get3A_720 : vector<16xi32> to vector<16xi32>
        %swap3A_722 = arith.constant 96 : index
        %swap3A_723 = tpu.vector_load %arg12[%swap3A_722] {strides = array<i32>} : memref<128xi32, #tpu.memory_space<vmem>>, vector<16xi32>,
        %swap3A_724 = vector.shape_cast %swap3A_723 : vector<16xi32> to vector<16xi32>
        %swap3A_725 = vector.shape_cast %get3A_721 : vector<16xi32> to vector<16xi32>
        tpu.vector_store %arg12[%swap3A_722], %swap3A_725 {strides = array<i32>} : memref<128xi32, #tpu.memory_space<vmem>>, vector<16xi32>,
        %get3A_726 = arith.constant 496 : index
        %get3A_727 = tpu.vector_load %arg19[%get3A_726] {strides = array<i32>} : memref<768xi32, #tpu.memory_space<vmem>>, vector<16xi32>,
        %get3A_728 = vector.shape_cast %get3A_727 : vector<16xi32> to vector<16xi32>
        %swap3A_729 = arith.constant 112 : index
        %swap3A_730 = tpu.vector_load %arg12[%swap3A_729] {strides = array<i32>} : memref<128xi32, #tpu.memory_space<vmem>>, vector<16xi32>,
        %swap3A_731 = vector.shape_cast %swap3A_730 : vector<16xi32> to vector<16xi32>
        %swap3A_732 = vector.shape_cast %get3A_728 : vector<16xi32> to vector<16xi32>
        tpu.vector_store %arg12[%swap3A_729], %swap3A_732 {strides = array<i32>} : memref<128xi32, #tpu.memory_space<vmem>>, vector<16xi32>,
      } else {
      }
      %add3A_434 = arith.constant 1 : i32
      %add3A_435 = arith.addi %add3A_349, %add3A_434 : i32
      %eq3A_436 = arith.constant 0 : i32
      %eq3A_437 = arith.cmpi eq, %arg0, %eq3A_436 : i32
      %convert_element_type3A_438 = arith.extui %eq3A_437 : i1 to i32
      %cond3A_439 = arith.constant 0 : i32
      %cond3A_440 = arith.cmpi ne, %convert_element_type3A_438, %cond3A_439 : i32
      scf.if %cond3A_440 {
        %dma_start3A_677 = arith.constant 0 : i32
        %dma_start3A_678 = arith.constant 0 : i32
        %dma_start3A_679 = tpu.memref_slice %arg2[%dma_start3A_677, %dma_start3A_678] : memref<10000x128xf32, #tpu.memory_space<hbm>> -> memref<10000x128xf32, #tpu.memory_space<hbm>>
        tpu.enqueue_indirect_dma source(%dma_start3A_679 : memref<10000x128xf32, #tpu.memory_space<hbm>>) target(%arg16 : memref<128x128xf32, #tpu.memory_space<vmem>>) offsets(%arg12 : memref<128xi32, #tpu.memory_space<vmem>>) semaphore(%arg24 : memref<!tpu.dma_semaphore, #tpu.memory_space<semaphore_mem>>)
      } else {
      }
      %eq3A_441 = arith.constant 1 : i32
      %eq3A_442 = arith.cmpi eq, %arg0, %eq3A_441 : i32
      %convert_element_type3A_443 = arith.extui %eq3A_442 : i1 to i32
      %cond3A_444 = arith.constant 0 : i32
      %cond3A_445 = arith.cmpi ne, %convert_element_type3A_443, %cond3A_444 : i32
      scf.if %cond3A_445 {
        %mul3A_677 = arith.constant 128 : i32
        %mul3A_678 = arith.muli %add3A_435, %mul3A_677 : i32
        %add3A_679 = arith.addi %mul3A_35, %mul3A_678 : i32
        %dma_start3A_680 = arith.constant 0 : i32
        %dma_start3A_681 = tpu.memref_slice %arg3[%add3A_679, %dma_start3A_680] : memref<320000x128xf32, #tpu.memory_space<hbm>> -> memref<128x128xf32, #tpu.memory_space<hbm>>
        %dma_start3A_682 = arith.constant 0 : i32
        %dma_start3A_683 = tpu.memref_slice %arg3[%add3A_679, %dma_start3A_682] : memref<320000x128xf32, #tpu.memory_space<hbm>> -> memref<128x128xf32, #tpu.memory_space<hbm>>
        tpu.enqueue_dma source(%dma_start3A_683 : memref<128x128xf32, #tpu.memory_space<hbm>>) target(%arg16 : memref<128x128xf32, #tpu.memory_space<vmem>>) target_semaphore(%arg24 : memref<!tpu.dma_semaphore, #tpu.memory_space<semaphore_mem>>)
      } else {
      }
      %mul3A_446 = arith.constant 6 : i32
      %mul3A_447 = arith.muli %scan3A_147, %mul3A_446 : i32
      %add3A_448 = arith.constant 3 : i32
      %add3A_449 = arith.addi %mul3A_447, %add3A_448 : i32
      %eq3A_450 = arith.constant 0 : i32
      %eq3A_451 = arith.cmpi eq, %arg0, %eq3A_450 : i32
      %convert_element_type3A_452 = arith.extui %eq3A_451 : i1 to i32
      %cond3A_453 = arith.constant 0 : i32
      %cond3A_454 = arith.cmpi ne, %convert_element_type3A_452, %cond3A_453 : i32
      scf.if %cond3A_454 {
        %dma_wait3A_677 = arith.constant 0 : i32
        %dma_wait3A_678 = arith.constant 0 : i32
        %dma_wait3A_679 = tpu.memref_slice %arg2[%dma_wait3A_677, %dma_wait3A_678] : memref<10000x128xf32, #tpu.memory_space<hbm>> -> memref<10000x128xf32, #tpu.memory_space<hbm>>
        tpu.wait_indirect_dma semaphore(%arg24 : memref<!tpu.dma_semaphore, #tpu.memory_space<semaphore_mem>>) src(%dma_wait3A_679 : memref<10000x128xf32, #tpu.memory_space<hbm>>) dst(%arg16 : memref<128x128xf32, #tpu.memory_space<vmem>>)
      } else {
      }
      %eq3A_455 = arith.constant 1 : i32
      %eq3A_456 = arith.cmpi eq, %arg0, %eq3A_455 : i32
      %convert_element_type3A_457 = arith.extui %eq3A_456 : i1 to i32
      %cond3A_458 = arith.constant 0 : i32
      %cond3A_459 = arith.cmpi ne, %convert_element_type3A_457, %cond3A_458 : i32
      scf.if %cond3A_459 {
        %mul3A_677 = arith.constant 128 : i32
        %mul3A_678 = arith.muli %add3A_449, %mul3A_677 : i32
        %add3A_679 = arith.addi %mul3A_35, %mul3A_678 : i32
        %dma_wait3A_680 = arith.constant 0 : i32
        %dma_wait3A_681 = tpu.memref_slice %arg3[%add3A_679, %dma_wait3A_680] : memref<320000x128xf32, #tpu.memory_space<hbm>> -> memref<128x128xf32, #tpu.memory_space<hbm>>
        %dma_wait3A_682 = arith.constant 0 : i32
        %dma_wait3A_683 = tpu.memref_slice %arg3[%add3A_679, %dma_wait3A_682] : memref<320000x128xf32, #tpu.memory_space<hbm>> -> memref<128x128xf32, #tpu.memory_space<hbm>>
        tpu.wait_dma2 semaphore(%arg24 : memref<!tpu.dma_semaphore, #tpu.memory_space<semaphore_mem>>) src(%dma_wait3A_683 : memref<128x128xf32, #tpu.memory_space<hbm>>) dst(%arg16 : memref<128x128xf32, #tpu.memory_space<vmem>>)
      } else {
      }
      %dma_start3A_460 = arith.constant 0 : i32
      %dma_start3A_461 = arith.constant 0 : i32
      %dma_start3A_462 = tpu.memref_slice %arg9[%dma_start3A_460, %dma_start3A_461] : memref<10000x128xf32, #tpu.memory_space<vmem_shared>> -> memref<10000x128xf32, #tpu.memory_space<vmem_shared>>
      tpu.enqueue_indirect_dma source(%arg16 : memref<128x128xf32, #tpu.memory_space<vmem>>) target(%dma_start3A_462 : memref<10000x128xf32, #tpu.memory_space<vmem_shared>>) offsets(%arg14 : memref<128xi32, #tpu.memory_space<vmem>>) semaphore(%arg26 : memref<!tpu.dma_semaphore, #tpu.memory_space<semaphore_mem>>) {add = true}
      %eq3A_463 = arith.constant 1 : i32
      %eq3A_464 = arith.cmpi eq, %arg0, %eq3A_463 : i32
      %convert_element_type3A_465 = arith.extui %eq3A_464 : i1 to i32
      %cond3A_466 = arith.constant 0 : i32
      %cond3A_467 = arith.cmpi ne, %convert_element_type3A_465, %cond3A_466 : i32
      scf.if %cond3A_467 {
        %dma_start3A_677 = arith.constant 0 : i32
        %dma_start3A_678 = tpu.memref_slice %arg10[%dma_start3A_677] : memref<10000xf32, #tpu.memory_space<vmem_shared>> -> memref<10000xf32, #tpu.memory_space<vmem_shared>>
        tpu.enqueue_indirect_dma source(%arg17 : memref<128xf32, #tpu.memory_space<vmem>>) target(%dma_start3A_678 : memref<10000xf32, #tpu.memory_space<vmem_shared>>) offsets(%arg14 : memref<128xi32, #tpu.memory_space<vmem>>) semaphore(%arg28 : memref<!tpu.dma_semaphore, #tpu.memory_space<semaphore_mem>>) {add = true}
      } else {
      }
      %gt3A_468 = arith.constant 0 : i32
      %gt3A_469 = arith.cmpi sgt, %add3A_449, %gt3A_468 : i32
      %convert_element_type3A_470 = arith.extui %gt3A_469 : i1 to i32
      %cond3A_471 = arith.constant 0 : i32
      %cond3A_472 = arith.cmpi ne, %convert_element_type3A_470, %cond3A_471 : i32
      scf.if %cond3A_472 {
        %dma_wait3A_677 = arith.constant 0 : i32
        %dma_wait3A_678 = arith.constant 0 : i32
        %dma_wait3A_679 = tpu.memref_slice %arg9[%dma_wait3A_677, %dma_wait3A_678] : memref<10000x128xf32, #tpu.memory_space<vmem_shared>> -> memref<10000x128xf32, #tpu.memory_space<vmem_shared>>
        tpu.wait_indirect_dma semaphore(%arg25 : memref<!tpu.dma_semaphore, #tpu.memory_space<semaphore_mem>>) src(%arg15 : memref<128x128xf32, #tpu.memory_space<vmem>>) dst(%dma_wait3A_679 : memref<10000x128xf32, #tpu.memory_space<vmem_shared>>)
        %eq3A_680 = arith.constant 1 : i32
        %eq3A_681 = arith.cmpi eq, %arg0, %eq3A_680 : i32
        %convert_element_type3A_682 = arith.extui %eq3A_681 : i1 to i32
        %cond3A_683 = arith.constant 0 : i32
        %cond3A_684 = arith.cmpi ne, %convert_element_type3A_682, %cond3A_683 : i32
        scf.if %cond3A_684 {
          %dma_wait3A_685 = arith.constant 0 : i32
          %dma_wait3A_686 = tpu.memref_slice %arg10[%dma_wait3A_685] : memref<10000xf32, #tpu.memory_space<vmem_shared>> -> memref<10000xf32, #tpu.memory_space<vmem_shared>>
          tpu.wait_indirect_dma semaphore(%arg27 : memref<!tpu.dma_semaphore, #tpu.memory_space<semaphore_mem>>) src(%arg17 : memref<128xf32, #tpu.memory_space<vmem>>) dst(%dma_wait3A_686 : memref<10000xf32, #tpu.memory_space<vmem_shared>>)
        } else {
        }
      } else {
      }
      %get3A_473 = arith.constant 512 : index
      %get3A_474 = tpu.vector_load %arg20[%get3A_473] {strides = array<i32>} : memref<768xi32, #tpu.memory_space<vmem>>, vector<16xi32>,
      %get3A_475 = vector.shape_cast %get3A_474 : vector<16xi32> to vector<16xi32>
      %swap3A_476 = arith.constant 0 : index
      %swap3A_477 = tpu.vector_load %arg13[%swap3A_476] {strides = array<i32>} : memref<128xi32, #tpu.memory_space<vmem>>, vector<16xi32>,
      %swap3A_478 = vector.shape_cast %swap3A_477 : vector<16xi32> to vector<16xi32>
      %swap3A_479 = vector.shape_cast %get3A_475 : vector<16xi32> to vector<16xi32>
      tpu.vector_store %arg13[%swap3A_476], %swap3A_479 {strides = array<i32>} : memref<128xi32, #tpu.memory_space<vmem>>, vector<16xi32>,
      %get3A_480 = arith.constant 528 : index
      %get3A_481 = tpu.vector_load %arg20[%get3A_480] {strides = array<i32>} : memref<768xi32, #tpu.memory_space<vmem>>, vector<16xi32>,
      %get3A_482 = vector.shape_cast %get3A_481 : vector<16xi32> to vector<16xi32>
      %swap3A_483 = arith.constant 16 : index
      %swap3A_484 = tpu.vector_load %arg13[%swap3A_483] {strides = array<i32>} : memref<128xi32, #tpu.memory_space<vmem>>, vector<16xi32>,
      %swap3A_485 = vector.shape_cast %swap3A_484 : vector<16xi32> to vector<16xi32>
      %swap3A_486 = vector.shape_cast %get3A_482 : vector<16xi32> to vector<16xi32>
      tpu.vector_store %arg13[%swap3A_483], %swap3A_486 {strides = array<i32>} : memref<128xi32, #tpu.memory_space<vmem>>, vector<16xi32>,
      %get3A_487 = arith.constant 544 : index
      %get3A_488 = tpu.vector_load %arg20[%get3A_487] {strides = array<i32>} : memref<768xi32, #tpu.memory_space<vmem>>, vector<16xi32>,
      %get3A_489 = vector.shape_cast %get3A_488 : vector<16xi32> to vector<16xi32>
      %swap3A_490 = arith.constant 32 : index
      %swap3A_491 = tpu.vector_load %arg13[%swap3A_490] {strides = array<i32>} : memref<128xi32, #tpu.memory_space<vmem>>, vector<16xi32>,
      %swap3A_492 = vector.shape_cast %swap3A_491 : vector<16xi32> to vector<16xi32>
      %swap3A_493 = vector.shape_cast %get3A_489 : vector<16xi32> to vector<16xi32>
      tpu.vector_store %arg13[%swap3A_490], %swap3A_493 {strides = array<i32>} : memref<128xi32, #tpu.memory_space<vmem>>, vector<16xi32>,
      %get3A_494 = arith.constant 560 : index
      %get3A_495 = tpu.vector_load %arg20[%get3A_494] {strides = array<i32>} : memref<768xi32, #tpu.memory_space<vmem>>, vector<16xi32>,
      %get3A_496 = vector.shape_cast %get3A_495 : vector<16xi32> to vector<16xi32>
      %swap3A_497 = arith.constant 48 : index
      %swap3A_498 = tpu.vector_load %arg13[%swap3A_497] {strides = array<i32>} : memref<128xi32, #tpu.memory_space<vmem>>, vector<16xi32>,
      %swap3A_499 = vector.shape_cast %swap3A_498 : vector<16xi32> to vector<16xi32>
      %swap3A_500 = vector.shape_cast %get3A_496 : vector<16xi32> to vector<16xi32>
      tpu.vector_store %arg13[%swap3A_497], %swap3A_500 {strides = array<i32>} : memref<128xi32, #tpu.memory_space<vmem>>, vector<16xi32>,
      %get3A_501 = arith.constant 576 : index
      %get3A_502 = tpu.vector_load %arg20[%get3A_501] {strides = array<i32>} : memref<768xi32, #tpu.memory_space<vmem>>, vector<16xi32>,
      %get3A_503 = vector.shape_cast %get3A_502 : vector<16xi32> to vector<16xi32>
      %swap3A_504 = arith.constant 64 : index
      %swap3A_505 = tpu.vector_load %arg13[%swap3A_504] {strides = array<i32>} : memref<128xi32, #tpu.memory_space<vmem>>, vector<16xi32>,
      %swap3A_506 = vector.shape_cast %swap3A_505 : vector<16xi32> to vector<16xi32>
      %swap3A_507 = vector.shape_cast %get3A_503 : vector<16xi32> to vector<16xi32>
      tpu.vector_store %arg13[%swap3A_504], %swap3A_507 {strides = array<i32>} : memref<128xi32, #tpu.memory_space<vmem>>, vector<16xi32>,
      %get3A_508 = arith.constant 592 : index
      %get3A_509 = tpu.vector_load %arg20[%get3A_508] {strides = array<i32>} : memref<768xi32, #tpu.memory_space<vmem>>, vector<16xi32>,
      %get3A_510 = vector.shape_cast %get3A_509 : vector<16xi32> to vector<16xi32>
      %swap3A_511 = arith.constant 80 : index
      %swap3A_512 = tpu.vector_load %arg13[%swap3A_511] {strides = array<i32>} : memref<128xi32, #tpu.memory_space<vmem>>, vector<16xi32>,
      %swap3A_513 = vector.shape_cast %swap3A_512 : vector<16xi32> to vector<16xi32>
      %swap3A_514 = vector.shape_cast %get3A_510 : vector<16xi32> to vector<16xi32>
      tpu.vector_store %arg13[%swap3A_511], %swap3A_514 {strides = array<i32>} : memref<128xi32, #tpu.memory_space<vmem>>, vector<16xi32>,
      %get3A_515 = arith.constant 608 : index
      %get3A_516 = tpu.vector_load %arg20[%get3A_515] {strides = array<i32>} : memref<768xi32, #tpu.memory_space<vmem>>, vector<16xi32>,
      %get3A_517 = vector.shape_cast %get3A_516 : vector<16xi32> to vector<16xi32>
      %swap3A_518 = arith.constant 96 : index
      %swap3A_519 = tpu.vector_load %arg13[%swap3A_518] {strides = array<i32>} : memref<128xi32, #tpu.memory_space<vmem>>, vector<16xi32>,
      %swap3A_520 = vector.shape_cast %swap3A_519 : vector<16xi32> to vector<16xi32>
      %swap3A_521 = vector.shape_cast %get3A_517 : vector<16xi32> to vector<16xi32>
      tpu.vector_store %arg13[%swap3A_518], %swap3A_521 {strides = array<i32>} : memref<128xi32, #tpu.memory_space<vmem>>, vector<16xi32>,
      %get3A_522 = arith.constant 624 : index
      %get3A_523 = tpu.vector_load %arg20[%get3A_522] {strides = array<i32>} : memref<768xi32, #tpu.memory_space<vmem>>, vector<16xi32>,
      %get3A_524 = vector.shape_cast %get3A_523 : vector<16xi32> to vector<16xi32>
      %swap3A_525 = arith.constant 112 : index
      %swap3A_526 = tpu.vector_load %arg13[%swap3A_525] {strides = array<i32>} : memref<128xi32, #tpu.memory_space<vmem>>, vector<16xi32>,
      %swap3A_527 = vector.shape_cast %swap3A_526 : vector<16xi32> to vector<16xi32>
      %swap3A_528 = vector.shape_cast %get3A_524 : vector<16xi32> to vector<16xi32>
      tpu.vector_store %arg13[%swap3A_525], %swap3A_528 {strides = array<i32>} : memref<128xi32, #tpu.memory_space<vmem>>, vector<16xi32>,
      %eq3A_529 = arith.constant 0 : i32
      %eq3A_530 = arith.cmpi eq, %arg0, %eq3A_529 : i32
      %convert_element_type3A_531 = arith.extui %eq3A_530 : i1 to i32
      %cond3A_532 = arith.constant 0 : i32
      %cond3A_533 = arith.cmpi ne, %convert_element_type3A_531, %cond3A_532 : i32
      scf.if %cond3A_533 {
        %get3A_677 = arith.constant 512 : index
        %get3A_678 = tpu.vector_load %arg19[%get3A_677] {strides = array<i32>} : memref<768xi32, #tpu.memory_space<vmem>>, vector<16xi32>,
        %get3A_679 = vector.shape_cast %get3A_678 : vector<16xi32> to vector<16xi32>
        %swap3A_680 = arith.constant 0 : index
        %swap3A_681 = tpu.vector_load %arg11[%swap3A_680] {strides = array<i32>} : memref<128xi32, #tpu.memory_space<vmem>>, vector<16xi32>,
        %swap3A_682 = vector.shape_cast %swap3A_681 : vector<16xi32> to vector<16xi32>
        %swap3A_683 = vector.shape_cast %get3A_679 : vector<16xi32> to vector<16xi32>
        tpu.vector_store %arg11[%swap3A_680], %swap3A_683 {strides = array<i32>} : memref<128xi32, #tpu.memory_space<vmem>>, vector<16xi32>,
        %get3A_684 = arith.constant 528 : index
        %get3A_685 = tpu.vector_load %arg19[%get3A_684] {strides = array<i32>} : memref<768xi32, #tpu.memory_space<vmem>>, vector<16xi32>,
        %get3A_686 = vector.shape_cast %get3A_685 : vector<16xi32> to vector<16xi32>
        %swap3A_687 = arith.constant 16 : index
        %swap3A_688 = tpu.vector_load %arg11[%swap3A_687] {strides = array<i32>} : memref<128xi32, #tpu.memory_space<vmem>>, vector<16xi32>,
        %swap3A_689 = vector.shape_cast %swap3A_688 : vector<16xi32> to vector<16xi32>
        %swap3A_690 = vector.shape_cast %get3A_686 : vector<16xi32> to vector<16xi32>
        tpu.vector_store %arg11[%swap3A_687], %swap3A_690 {strides = array<i32>} : memref<128xi32, #tpu.memory_space<vmem>>, vector<16xi32>,
        %get3A_691 = arith.constant 544 : index
        %get3A_692 = tpu.vector_load %arg19[%get3A_691] {strides = array<i32>} : memref<768xi32, #tpu.memory_space<vmem>>, vector<16xi32>,
        %get3A_693 = vector.shape_cast %get3A_692 : vector<16xi32> to vector<16xi32>
        %swap3A_694 = arith.constant 32 : index
        %swap3A_695 = tpu.vector_load %arg11[%swap3A_694] {strides = array<i32>} : memref<128xi32, #tpu.memory_space<vmem>>, vector<16xi32>,
        %swap3A_696 = vector.shape_cast %swap3A_695 : vector<16xi32> to vector<16xi32>
        %swap3A_697 = vector.shape_cast %get3A_693 : vector<16xi32> to vector<16xi32>
        tpu.vector_store %arg11[%swap3A_694], %swap3A_697 {strides = array<i32>} : memref<128xi32, #tpu.memory_space<vmem>>, vector<16xi32>,
        %get3A_698 = arith.constant 560 : index
        %get3A_699 = tpu.vector_load %arg19[%get3A_698] {strides = array<i32>} : memref<768xi32, #tpu.memory_space<vmem>>, vector<16xi32>,
        %get3A_700 = vector.shape_cast %get3A_699 : vector<16xi32> to vector<16xi32>
        %swap3A_701 = arith.constant 48 : index
        %swap3A_702 = tpu.vector_load %arg11[%swap3A_701] {strides = array<i32>} : memref<128xi32, #tpu.memory_space<vmem>>, vector<16xi32>,
        %swap3A_703 = vector.shape_cast %swap3A_702 : vector<16xi32> to vector<16xi32>
        %swap3A_704 = vector.shape_cast %get3A_700 : vector<16xi32> to vector<16xi32>
        tpu.vector_store %arg11[%swap3A_701], %swap3A_704 {strides = array<i32>} : memref<128xi32, #tpu.memory_space<vmem>>, vector<16xi32>,
        %get3A_705 = arith.constant 576 : index
        %get3A_706 = tpu.vector_load %arg19[%get3A_705] {strides = array<i32>} : memref<768xi32, #tpu.memory_space<vmem>>, vector<16xi32>,
        %get3A_707 = vector.shape_cast %get3A_706 : vector<16xi32> to vector<16xi32>
        %swap3A_708 = arith.constant 64 : index
        %swap3A_709 = tpu.vector_load %arg11[%swap3A_708] {strides = array<i32>} : memref<128xi32, #tpu.memory_space<vmem>>, vector<16xi32>,
        %swap3A_710 = vector.shape_cast %swap3A_709 : vector<16xi32> to vector<16xi32>
        %swap3A_711 = vector.shape_cast %get3A_707 : vector<16xi32> to vector<16xi32>
        tpu.vector_store %arg11[%swap3A_708], %swap3A_711 {strides = array<i32>} : memref<128xi32, #tpu.memory_space<vmem>>, vector<16xi32>,
        %get3A_712 = arith.constant 592 : index
        %get3A_713 = tpu.vector_load %arg19[%get3A_712] {strides = array<i32>} : memref<768xi32, #tpu.memory_space<vmem>>, vector<16xi32>,
        %get3A_714 = vector.shape_cast %get3A_713 : vector<16xi32> to vector<16xi32>
        %swap3A_715 = arith.constant 80 : index
        %swap3A_716 = tpu.vector_load %arg11[%swap3A_715] {strides = array<i32>} : memref<128xi32, #tpu.memory_space<vmem>>, vector<16xi32>,
        %swap3A_717 = vector.shape_cast %swap3A_716 : vector<16xi32> to vector<16xi32>
        %swap3A_718 = vector.shape_cast %get3A_714 : vector<16xi32> to vector<16xi32>
        tpu.vector_store %arg11[%swap3A_715], %swap3A_718 {strides = array<i32>} : memref<128xi32, #tpu.memory_space<vmem>>, vector<16xi32>,
        %get3A_719 = arith.constant 608 : index
        %get3A_720 = tpu.vector_load %arg19[%get3A_719] {strides = array<i32>} : memref<768xi32, #tpu.memory_space<vmem>>, vector<16xi32>,
        %get3A_721 = vector.shape_cast %get3A_720 : vector<16xi32> to vector<16xi32>
        %swap3A_722 = arith.constant 96 : index
        %swap3A_723 = tpu.vector_load %arg11[%swap3A_722] {strides = array<i32>} : memref<128xi32, #tpu.memory_space<vmem>>, vector<16xi32>,
        %swap3A_724 = vector.shape_cast %swap3A_723 : vector<16xi32> to vector<16xi32>
        %swap3A_725 = vector.shape_cast %get3A_721 : vector<16xi32> to vector<16xi32>
        tpu.vector_store %arg11[%swap3A_722], %swap3A_725 {strides = array<i32>} : memref<128xi32, #tpu.memory_space<vmem>>, vector<16xi32>,
        %get3A_726 = arith.constant 624 : index
        %get3A_727 = tpu.vector_load %arg19[%get3A_726] {strides = array<i32>} : memref<768xi32, #tpu.memory_space<vmem>>, vector<16xi32>,
        %get3A_728 = vector.shape_cast %get3A_727 : vector<16xi32> to vector<16xi32>
        %swap3A_729 = arith.constant 112 : index
        %swap3A_730 = tpu.vector_load %arg11[%swap3A_729] {strides = array<i32>} : memref<128xi32, #tpu.memory_space<vmem>>, vector<16xi32>,
        %swap3A_731 = vector.shape_cast %swap3A_730 : vector<16xi32> to vector<16xi32>
        %swap3A_732 = vector.shape_cast %get3A_728 : vector<16xi32> to vector<16xi32>
        tpu.vector_store %arg11[%swap3A_729], %swap3A_732 {strides = array<i32>} : memref<128xi32, #tpu.memory_space<vmem>>, vector<16xi32>,
      } else {
      }
      %add3A_534 = arith.constant 1 : i32
      %add3A_535 = arith.addi %add3A_449, %add3A_534 : i32
      %eq3A_536 = arith.constant 0 : i32
      %eq3A_537 = arith.cmpi eq, %arg0, %eq3A_536 : i32
      %convert_element_type3A_538 = arith.extui %eq3A_537 : i1 to i32
      %cond3A_539 = arith.constant 0 : i32
      %cond3A_540 = arith.cmpi ne, %convert_element_type3A_538, %cond3A_539 : i32
      scf.if %cond3A_540 {
        %dma_start3A_677 = arith.constant 0 : i32
        %dma_start3A_678 = arith.constant 0 : i32
        %dma_start3A_679 = tpu.memref_slice %arg2[%dma_start3A_677, %dma_start3A_678] : memref<10000x128xf32, #tpu.memory_space<hbm>> -> memref<10000x128xf32, #tpu.memory_space<hbm>>
        tpu.enqueue_indirect_dma source(%dma_start3A_679 : memref<10000x128xf32, #tpu.memory_space<hbm>>) target(%arg15 : memref<128x128xf32, #tpu.memory_space<vmem>>) offsets(%arg11 : memref<128xi32, #tpu.memory_space<vmem>>) semaphore(%arg23 : memref<!tpu.dma_semaphore, #tpu.memory_space<semaphore_mem>>)
      } else {
      }
      %eq3A_541 = arith.constant 1 : i32
      %eq3A_542 = arith.cmpi eq, %arg0, %eq3A_541 : i32
      %convert_element_type3A_543 = arith.extui %eq3A_542 : i1 to i32
      %cond3A_544 = arith.constant 0 : i32
      %cond3A_545 = arith.cmpi ne, %convert_element_type3A_543, %cond3A_544 : i32
      scf.if %cond3A_545 {
        %mul3A_677 = arith.constant 128 : i32
        %mul3A_678 = arith.muli %add3A_535, %mul3A_677 : i32
        %add3A_679 = arith.addi %mul3A_35, %mul3A_678 : i32
        %dma_start3A_680 = arith.constant 0 : i32
        %dma_start3A_681 = tpu.memref_slice %arg3[%add3A_679, %dma_start3A_680] : memref<320000x128xf32, #tpu.memory_space<hbm>> -> memref<128x128xf32, #tpu.memory_space<hbm>>
        %dma_start3A_682 = arith.constant 0 : i32
        %dma_start3A_683 = tpu.memref_slice %arg3[%add3A_679, %dma_start3A_682] : memref<320000x128xf32, #tpu.memory_space<hbm>> -> memref<128x128xf32, #tpu.memory_space<hbm>>
        tpu.enqueue_dma source(%dma_start3A_683 : memref<128x128xf32, #tpu.memory_space<hbm>>) target(%arg15 : memref<128x128xf32, #tpu.memory_space<vmem>>) target_semaphore(%arg23 : memref<!tpu.dma_semaphore, #tpu.memory_space<semaphore_mem>>)
      } else {
      }
      %mul3A_546 = arith.constant 6 : i32
      %mul3A_547 = arith.muli %scan3A_147, %mul3A_546 : i32
      %add3A_548 = arith.constant 4 : i32
      %add3A_549 = arith.addi %mul3A_547, %add3A_548 : i32
      %eq3A_550 = arith.constant 0 : i32
      %eq3A_551 = arith.cmpi eq, %arg0, %eq3A_550 : i32
      %convert_element_type3A_552 = arith.extui %eq3A_551 : i1 to i32
      %cond3A_553 = arith.constant 0 : i32
      %cond3A_554 = arith.cmpi ne, %convert_element_type3A_552, %cond3A_553 : i32
      scf.if %cond3A_554 {
        %dma_wait3A_677 = arith.constant 0 : i32
        %dma_wait3A_678 = arith.constant 0 : i32
        %dma_wait3A_679 = tpu.memref_slice %arg2[%dma_wait3A_677, %dma_wait3A_678] : memref<10000x128xf32, #tpu.memory_space<hbm>> -> memref<10000x128xf32, #tpu.memory_space<hbm>>
        tpu.wait_indirect_dma semaphore(%arg23 : memref<!tpu.dma_semaphore, #tpu.memory_space<semaphore_mem>>) src(%dma_wait3A_679 : memref<10000x128xf32, #tpu.memory_space<hbm>>) dst(%arg15 : memref<128x128xf32, #tpu.memory_space<vmem>>)
      } else {
      }
      %eq3A_555 = arith.constant 1 : i32
      %eq3A_556 = arith.cmpi eq, %arg0, %eq3A_555 : i32
      %convert_element_type3A_557 = arith.extui %eq3A_556 : i1 to i32
      %cond3A_558 = arith.constant 0 : i32
      %cond3A_559 = arith.cmpi ne, %convert_element_type3A_557, %cond3A_558 : i32
      scf.if %cond3A_559 {
        %mul3A_677 = arith.constant 128 : i32
        %mul3A_678 = arith.muli %add3A_549, %mul3A_677 : i32
        %add3A_679 = arith.addi %mul3A_35, %mul3A_678 : i32
        %dma_wait3A_680 = arith.constant 0 : i32
        %dma_wait3A_681 = tpu.memref_slice %arg3[%add3A_679, %dma_wait3A_680] : memref<320000x128xf32, #tpu.memory_space<hbm>> -> memref<128x128xf32, #tpu.memory_space<hbm>>
        %dma_wait3A_682 = arith.constant 0 : i32
        %dma_wait3A_683 = tpu.memref_slice %arg3[%add3A_679, %dma_wait3A_682] : memref<320000x128xf32, #tpu.memory_space<hbm>> -> memref<128x128xf32, #tpu.memory_space<hbm>>
        tpu.wait_dma2 semaphore(%arg23 : memref<!tpu.dma_semaphore, #tpu.memory_space<semaphore_mem>>) src(%dma_wait3A_683 : memref<128x128xf32, #tpu.memory_space<hbm>>) dst(%arg15 : memref<128x128xf32, #tpu.memory_space<vmem>>)
      } else {
      }
      %dma_start3A_560 = arith.constant 0 : i32
      %dma_start3A_561 = arith.constant 0 : i32
      %dma_start3A_562 = tpu.memref_slice %arg9[%dma_start3A_560, %dma_start3A_561] : memref<10000x128xf32, #tpu.memory_space<vmem_shared>> -> memref<10000x128xf32, #tpu.memory_space<vmem_shared>>
      tpu.enqueue_indirect_dma source(%arg15 : memref<128x128xf32, #tpu.memory_space<vmem>>) target(%dma_start3A_562 : memref<10000x128xf32, #tpu.memory_space<vmem_shared>>) offsets(%arg13 : memref<128xi32, #tpu.memory_space<vmem>>) semaphore(%arg25 : memref<!tpu.dma_semaphore, #tpu.memory_space<semaphore_mem>>) {add = true}
      %eq3A_563 = arith.constant 1 : i32
      %eq3A_564 = arith.cmpi eq, %arg0, %eq3A_563 : i32
      %convert_element_type3A_565 = arith.extui %eq3A_564 : i1 to i32
      %cond3A_566 = arith.constant 0 : i32
      %cond3A_567 = arith.cmpi ne, %convert_element_type3A_565, %cond3A_566 : i32
      scf.if %cond3A_567 {
        %dma_start3A_677 = arith.constant 0 : i32
        %dma_start3A_678 = tpu.memref_slice %arg10[%dma_start3A_677] : memref<10000xf32, #tpu.memory_space<vmem_shared>> -> memref<10000xf32, #tpu.memory_space<vmem_shared>>
        tpu.enqueue_indirect_dma source(%arg17 : memref<128xf32, #tpu.memory_space<vmem>>) target(%dma_start3A_678 : memref<10000xf32, #tpu.memory_space<vmem_shared>>) offsets(%arg13 : memref<128xi32, #tpu.memory_space<vmem>>) semaphore(%arg27 : memref<!tpu.dma_semaphore, #tpu.memory_space<semaphore_mem>>) {add = true}
      } else {
      }
      %gt3A_568 = arith.constant 0 : i32
      %gt3A_569 = arith.cmpi sgt, %add3A_549, %gt3A_568 : i32
      %convert_element_type3A_570 = arith.extui %gt3A_569 : i1 to i32
      %cond3A_571 = arith.constant 0 : i32
      %cond3A_572 = arith.cmpi ne, %convert_element_type3A_570, %cond3A_571 : i32
      scf.if %cond3A_572 {
        %dma_wait3A_677 = arith.constant 0 : i32
        %dma_wait3A_678 = arith.constant 0 : i32
        %dma_wait3A_679 = tpu.memref_slice %arg9[%dma_wait3A_677, %dma_wait3A_678] : memref<10000x128xf32, #tpu.memory_space<vmem_shared>> -> memref<10000x128xf32, #tpu.memory_space<vmem_shared>>
        tpu.wait_indirect_dma semaphore(%arg26 : memref<!tpu.dma_semaphore, #tpu.memory_space<semaphore_mem>>) src(%arg16 : memref<128x128xf32, #tpu.memory_space<vmem>>) dst(%dma_wait3A_679 : memref<10000x128xf32, #tpu.memory_space<vmem_shared>>)
        %eq3A_680 = arith.constant 1 : i32
        %eq3A_681 = arith.cmpi eq, %arg0, %eq3A_680 : i32
        %convert_element_type3A_682 = arith.extui %eq3A_681 : i1 to i32
        %cond3A_683 = arith.constant 0 : i32
        %cond3A_684 = arith.cmpi ne, %convert_element_type3A_682, %cond3A_683 : i32
        scf.if %cond3A_684 {
          %dma_wait3A_685 = arith.constant 0 : i32
          %dma_wait3A_686 = tpu.memref_slice %arg10[%dma_wait3A_685] : memref<10000xf32, #tpu.memory_space<vmem_shared>> -> memref<10000xf32, #tpu.memory_space<vmem_shared>>
          tpu.wait_indirect_dma semaphore(%arg28 : memref<!tpu.dma_semaphore, #tpu.memory_space<semaphore_mem>>) src(%arg17 : memref<128xf32, #tpu.memory_space<vmem>>) dst(%dma_wait3A_686 : memref<10000xf32, #tpu.memory_space<vmem_shared>>)
        } else {
        }
      } else {
      }
      %get3A_573 = arith.constant 640 : index
      %get3A_574 = tpu.vector_load %arg20[%get3A_573] {strides = array<i32>} : memref<768xi32, #tpu.memory_space<vmem>>, vector<16xi32>,
      %get3A_575 = vector.shape_cast %get3A_574 : vector<16xi32> to vector<16xi32>
      %swap3A_576 = arith.constant 0 : index
      %swap3A_577 = tpu.vector_load %arg14[%swap3A_576] {strides = array<i32>} : memref<128xi32, #tpu.memory_space<vmem>>, vector<16xi32>,
      %swap3A_578 = vector.shape_cast %swap3A_577 : vector<16xi32> to vector<16xi32>
      %swap3A_579 = vector.shape_cast %get3A_575 : vector<16xi32> to vector<16xi32>
      tpu.vector_store %arg14[%swap3A_576], %swap3A_579 {strides = array<i32>} : memref<128xi32, #tpu.memory_space<vmem>>, vector<16xi32>,
      %get3A_580 = arith.constant 656 : index
      %get3A_581 = tpu.vector_load %arg20[%get3A_580] {strides = array<i32>} : memref<768xi32, #tpu.memory_space<vmem>>, vector<16xi32>,
      %get3A_582 = vector.shape_cast %get3A_581 : vector<16xi32> to vector<16xi32>
      %swap3A_583 = arith.constant 16 : index
      %swap3A_584 = tpu.vector_load %arg14[%swap3A_583] {strides = array<i32>} : memref<128xi32, #tpu.memory_space<vmem>>, vector<16xi32>,
      %swap3A_585 = vector.shape_cast %swap3A_584 : vector<16xi32> to vector<16xi32>
      %swap3A_586 = vector.shape_cast %get3A_582 : vector<16xi32> to vector<16xi32>
      tpu.vector_store %arg14[%swap3A_583], %swap3A_586 {strides = array<i32>} : memref<128xi32, #tpu.memory_space<vmem>>, vector<16xi32>,
      %get3A_587 = arith.constant 672 : index
      %get3A_588 = tpu.vector_load %arg20[%get3A_587] {strides = array<i32>} : memref<768xi32, #tpu.memory_space<vmem>>, vector<16xi32>,
      %get3A_589 = vector.shape_cast %get3A_588 : vector<16xi32> to vector<16xi32>
      %swap3A_590 = arith.constant 32 : index
      %swap3A_591 = tpu.vector_load %arg14[%swap3A_590] {strides = array<i32>} : memref<128xi32, #tpu.memory_space<vmem>>, vector<16xi32>,
      %swap3A_592 = vector.shape_cast %swap3A_591 : vector<16xi32> to vector<16xi32>
      %swap3A_593 = vector.shape_cast %get3A_589 : vector<16xi32> to vector<16xi32>
      tpu.vector_store %arg14[%swap3A_590], %swap3A_593 {strides = array<i32>} : memref<128xi32, #tpu.memory_space<vmem>>, vector<16xi32>,
      %get3A_594 = arith.constant 688 : index
      %get3A_595 = tpu.vector_load %arg20[%get3A_594] {strides = array<i32>} : memref<768xi32, #tpu.memory_space<vmem>>, vector<16xi32>,
      %get3A_596 = vector.shape_cast %get3A_595 : vector<16xi32> to vector<16xi32>
      %swap3A_597 = arith.constant 48 : index
      %swap3A_598 = tpu.vector_load %arg14[%swap3A_597] {strides = array<i32>} : memref<128xi32, #tpu.memory_space<vmem>>, vector<16xi32>,
      %swap3A_599 = vector.shape_cast %swap3A_598 : vector<16xi32> to vector<16xi32>
      %swap3A_600 = vector.shape_cast %get3A_596 : vector<16xi32> to vector<16xi32>
      tpu.vector_store %arg14[%swap3A_597], %swap3A_600 {strides = array<i32>} : memref<128xi32, #tpu.memory_space<vmem>>, vector<16xi32>,
      %get3A_601 = arith.constant 704 : index
      %get3A_602 = tpu.vector_load %arg20[%get3A_601] {strides = array<i32>} : memref<768xi32, #tpu.memory_space<vmem>>, vector<16xi32>,
      %get3A_603 = vector.shape_cast %get3A_602 : vector<16xi32> to vector<16xi32>
      %swap3A_604 = arith.constant 64 : index
      %swap3A_605 = tpu.vector_load %arg14[%swap3A_604] {strides = array<i32>} : memref<128xi32, #tpu.memory_space<vmem>>, vector<16xi32>,
      %swap3A_606 = vector.shape_cast %swap3A_605 : vector<16xi32> to vector<16xi32>
      %swap3A_607 = vector.shape_cast %get3A_603 : vector<16xi32> to vector<16xi32>
      tpu.vector_store %arg14[%swap3A_604], %swap3A_607 {strides = array<i32>} : memref<128xi32, #tpu.memory_space<vmem>>, vector<16xi32>,
      %get3A_608 = arith.constant 720 : index
      %get3A_609 = tpu.vector_load %arg20[%get3A_608] {strides = array<i32>} : memref<768xi32, #tpu.memory_space<vmem>>, vector<16xi32>,
      %get3A_610 = vector.shape_cast %get3A_609 : vector<16xi32> to vector<16xi32>
      %swap3A_611 = arith.constant 80 : index
      %swap3A_612 = tpu.vector_load %arg14[%swap3A_611] {strides = array<i32>} : memref<128xi32, #tpu.memory_space<vmem>>, vector<16xi32>,
      %swap3A_613 = vector.shape_cast %swap3A_612 : vector<16xi32> to vector<16xi32>
      %swap3A_614 = vector.shape_cast %get3A_610 : vector<16xi32> to vector<16xi32>
      tpu.vector_store %arg14[%swap3A_611], %swap3A_614 {strides = array<i32>} : memref<128xi32, #tpu.memory_space<vmem>>, vector<16xi32>,
      %get3A_615 = arith.constant 736 : index
      %get3A_616 = tpu.vector_load %arg20[%get3A_615] {strides = array<i32>} : memref<768xi32, #tpu.memory_space<vmem>>, vector<16xi32>,
      %get3A_617 = vector.shape_cast %get3A_616 : vector<16xi32> to vector<16xi32>
      %swap3A_618 = arith.constant 96 : index
      %swap3A_619 = tpu.vector_load %arg14[%swap3A_618] {strides = array<i32>} : memref<128xi32, #tpu.memory_space<vmem>>, vector<16xi32>,
      %swap3A_620 = vector.shape_cast %swap3A_619 : vector<16xi32> to vector<16xi32>
      %swap3A_621 = vector.shape_cast %get3A_617 : vector<16xi32> to vector<16xi32>
      tpu.vector_store %arg14[%swap3A_618], %swap3A_621 {strides = array<i32>} : memref<128xi32, #tpu.memory_space<vmem>>, vector<16xi32>,
      %get3A_622 = arith.constant 752 : index
      %get3A_623 = tpu.vector_load %arg20[%get3A_622] {strides = array<i32>} : memref<768xi32, #tpu.memory_space<vmem>>, vector<16xi32>,
      %get3A_624 = vector.shape_cast %get3A_623 : vector<16xi32> to vector<16xi32>
      %swap3A_625 = arith.constant 112 : index
      %swap3A_626 = tpu.vector_load %arg14[%swap3A_625] {strides = array<i32>} : memref<128xi32, #tpu.memory_space<vmem>>, vector<16xi32>,
      %swap3A_627 = vector.shape_cast %swap3A_626 : vector<16xi32> to vector<16xi32>
      %swap3A_628 = vector.shape_cast %get3A_624 : vector<16xi32> to vector<16xi32>
      tpu.vector_store %arg14[%swap3A_625], %swap3A_628 {strides = array<i32>} : memref<128xi32, #tpu.memory_space<vmem>>, vector<16xi32>,
      %eq3A_629 = arith.constant 0 : i32
      %eq3A_630 = arith.cmpi eq, %arg0, %eq3A_629 : i32
      %convert_element_type3A_631 = arith.extui %eq3A_630 : i1 to i32
      %cond3A_632 = arith.constant 0 : i32
      %cond3A_633 = arith.cmpi ne, %convert_element_type3A_631, %cond3A_632 : i32
      scf.if %cond3A_633 {
        %get3A_677 = arith.constant 640 : index
        %get3A_678 = tpu.vector_load %arg19[%get3A_677] {strides = array<i32>} : memref<768xi32, #tpu.memory_space<vmem>>, vector<16xi32>,
        %get3A_679 = vector.shape_cast %get3A_678 : vector<16xi32> to vector<16xi32>
        %swap3A_680 = arith.constant 0 : index
        %swap3A_681 = tpu.vector_load %arg12[%swap3A_680] {strides = array<i32>} : memref<128xi32, #tpu.memory_space<vmem>>, vector<16xi32>,
        %swap3A_682 = vector.shape_cast %swap3A_681 : vector<16xi32> to vector<16xi32>
        %swap3A_683 = vector.shape_cast %get3A_679 : vector<16xi32> to vector<16xi32>
        tpu.vector_store %arg12[%swap3A_680], %swap3A_683 {strides = array<i32>} : memref<128xi32, #tpu.memory_space<vmem>>, vector<16xi32>,
        %get3A_684 = arith.constant 656 : index
        %get3A_685 = tpu.vector_load %arg19[%get3A_684] {strides = array<i32>} : memref<768xi32, #tpu.memory_space<vmem>>, vector<16xi32>,
        %get3A_686 = vector.shape_cast %get3A_685 : vector<16xi32> to vector<16xi32>
        %swap3A_687 = arith.constant 16 : index
        %swap3A_688 = tpu.vector_load %arg12[%swap3A_687] {strides = array<i32>} : memref<128xi32, #tpu.memory_space<vmem>>, vector<16xi32>,
        %swap3A_689 = vector.shape_cast %swap3A_688 : vector<16xi32> to vector<16xi32>
        %swap3A_690 = vector.shape_cast %get3A_686 : vector<16xi32> to vector<16xi32>
        tpu.vector_store %arg12[%swap3A_687], %swap3A_690 {strides = array<i32>} : memref<128xi32, #tpu.memory_space<vmem>>, vector<16xi32>,
        %get3A_691 = arith.constant 672 : index
        %get3A_692 = tpu.vector_load %arg19[%get3A_691] {strides = array<i32>} : memref<768xi32, #tpu.memory_space<vmem>>, vector<16xi32>,
        %get3A_693 = vector.shape_cast %get3A_692 : vector<16xi32> to vector<16xi32>
        %swap3A_694 = arith.constant 32 : index
        %swap3A_695 = tpu.vector_load %arg12[%swap3A_694] {strides = array<i32>} : memref<128xi32, #tpu.memory_space<vmem>>, vector<16xi32>,
        %swap3A_696 = vector.shape_cast %swap3A_695 : vector<16xi32> to vector<16xi32>
        %swap3A_697 = vector.shape_cast %get3A_693 : vector<16xi32> to vector<16xi32>
        tpu.vector_store %arg12[%swap3A_694], %swap3A_697 {strides = array<i32>} : memref<128xi32, #tpu.memory_space<vmem>>, vector<16xi32>,
        %get3A_698 = arith.constant 688 : index
        %get3A_699 = tpu.vector_load %arg19[%get3A_698] {strides = array<i32>} : memref<768xi32, #tpu.memory_space<vmem>>, vector<16xi32>,
        %get3A_700 = vector.shape_cast %get3A_699 : vector<16xi32> to vector<16xi32>
        %swap3A_701 = arith.constant 48 : index
        %swap3A_702 = tpu.vector_load %arg12[%swap3A_701] {strides = array<i32>} : memref<128xi32, #tpu.memory_space<vmem>>, vector<16xi32>,
        %swap3A_703 = vector.shape_cast %swap3A_702 : vector<16xi32> to vector<16xi32>
        %swap3A_704 = vector.shape_cast %get3A_700 : vector<16xi32> to vector<16xi32>
        tpu.vector_store %arg12[%swap3A_701], %swap3A_704 {strides = array<i32>} : memref<128xi32, #tpu.memory_space<vmem>>, vector<16xi32>,
        %get3A_705 = arith.constant 704 : index
        %get3A_706 = tpu.vector_load %arg19[%get3A_705] {strides = array<i32>} : memref<768xi32, #tpu.memory_space<vmem>>, vector<16xi32>,
        %get3A_707 = vector.shape_cast %get3A_706 : vector<16xi32> to vector<16xi32>
        %swap3A_708 = arith.constant 64 : index
        %swap3A_709 = tpu.vector_load %arg12[%swap3A_708] {strides = array<i32>} : memref<128xi32, #tpu.memory_space<vmem>>, vector<16xi32>,
        %swap3A_710 = vector.shape_cast %swap3A_709 : vector<16xi32> to vector<16xi32>
        %swap3A_711 = vector.shape_cast %get3A_707 : vector<16xi32> to vector<16xi32>
        tpu.vector_store %arg12[%swap3A_708], %swap3A_711 {strides = array<i32>} : memref<128xi32, #tpu.memory_space<vmem>>, vector<16xi32>,
        %get3A_712 = arith.constant 720 : index
        %get3A_713 = tpu.vector_load %arg19[%get3A_712] {strides = array<i32>} : memref<768xi32, #tpu.memory_space<vmem>>, vector<16xi32>,
        %get3A_714 = vector.shape_cast %get3A_713 : vector<16xi32> to vector<16xi32>
        %swap3A_715 = arith.constant 80 : index
        %swap3A_716 = tpu.vector_load %arg12[%swap3A_715] {strides = array<i32>} : memref<128xi32, #tpu.memory_space<vmem>>, vector<16xi32>,
        %swap3A_717 = vector.shape_cast %swap3A_716 : vector<16xi32> to vector<16xi32>
        %swap3A_718 = vector.shape_cast %get3A_714 : vector<16xi32> to vector<16xi32>
        tpu.vector_store %arg12[%swap3A_715], %swap3A_718 {strides = array<i32>} : memref<128xi32, #tpu.memory_space<vmem>>, vector<16xi32>,
        %get3A_719 = arith.constant 736 : index
        %get3A_720 = tpu.vector_load %arg19[%get3A_719] {strides = array<i32>} : memref<768xi32, #tpu.memory_space<vmem>>, vector<16xi32>,
        %get3A_721 = vector.shape_cast %get3A_720 : vector<16xi32> to vector<16xi32>
        %swap3A_722 = arith.constant 96 : index
        %swap3A_723 = tpu.vector_load %arg12[%swap3A_722] {strides = array<i32>} : memref<128xi32, #tpu.memory_space<vmem>>, vector<16xi32>,
        %swap3A_724 = vector.shape_cast %swap3A_723 : vector<16xi32> to vector<16xi32>
        %swap3A_725 = vector.shape_cast %get3A_721 : vector<16xi32> to vector<16xi32>
        tpu.vector_store %arg12[%swap3A_722], %swap3A_725 {strides = array<i32>} : memref<128xi32, #tpu.memory_space<vmem>>, vector<16xi32>,
        %get3A_726 = arith.constant 752 : index
        %get3A_727 = tpu.vector_load %arg19[%get3A_726] {strides = array<i32>} : memref<768xi32, #tpu.memory_space<vmem>>, vector<16xi32>,
        %get3A_728 = vector.shape_cast %get3A_727 : vector<16xi32> to vector<16xi32>
        %swap3A_729 = arith.constant 112 : index
        %swap3A_730 = tpu.vector_load %arg12[%swap3A_729] {strides = array<i32>} : memref<128xi32, #tpu.memory_space<vmem>>, vector<16xi32>,
        %swap3A_731 = vector.shape_cast %swap3A_730 : vector<16xi32> to vector<16xi32>
        %swap3A_732 = vector.shape_cast %get3A_728 : vector<16xi32> to vector<16xi32>
        tpu.vector_store %arg12[%swap3A_729], %swap3A_732 {strides = array<i32>} : memref<128xi32, #tpu.memory_space<vmem>>, vector<16xi32>,
      } else {
      }
      %add3A_634 = arith.constant 1 : i32
      %add3A_635 = arith.addi %add3A_549, %add3A_634 : i32
      %eq3A_636 = arith.constant 0 : i32
      %eq3A_637 = arith.cmpi eq, %arg0, %eq3A_636 : i32
      %convert_element_type3A_638 = arith.extui %eq3A_637 : i1 to i32
      %cond3A_639 = arith.constant 0 : i32
      %cond3A_640 = arith.cmpi ne, %convert_element_type3A_638, %cond3A_639 : i32
      scf.if %cond3A_640 {
        %dma_start3A_677 = arith.constant 0 : i32
        %dma_start3A_678 = arith.constant 0 : i32
        %dma_start3A_679 = tpu.memref_slice %arg2[%dma_start3A_677, %dma_start3A_678] : memref<10000x128xf32, #tpu.memory_space<hbm>> -> memref<10000x128xf32, #tpu.memory_space<hbm>>
        tpu.enqueue_indirect_dma source(%dma_start3A_679 : memref<10000x128xf32, #tpu.memory_space<hbm>>) target(%arg16 : memref<128x128xf32, #tpu.memory_space<vmem>>) offsets(%arg12 : memref<128xi32, #tpu.memory_space<vmem>>) semaphore(%arg24 : memref<!tpu.dma_semaphore, #tpu.memory_space<semaphore_mem>>)
      } else {
      }
      %eq3A_641 = arith.constant 1 : i32
      %eq3A_642 = arith.cmpi eq, %arg0, %eq3A_641 : i32
      %convert_element_type3A_643 = arith.extui %eq3A_642 : i1 to i32
      %cond3A_644 = arith.constant 0 : i32
      %cond3A_645 = arith.cmpi ne, %convert_element_type3A_643, %cond3A_644 : i32
      scf.if %cond3A_645 {
        %mul3A_677 = arith.constant 128 : i32
        %mul3A_678 = arith.muli %add3A_635, %mul3A_677 : i32
        %add3A_679 = arith.addi %mul3A_35, %mul3A_678 : i32
        %dma_start3A_680 = arith.constant 0 : i32
        %dma_start3A_681 = tpu.memref_slice %arg3[%add3A_679, %dma_start3A_680] : memref<320000x128xf32, #tpu.memory_space<hbm>> -> memref<128x128xf32, #tpu.memory_space<hbm>>
        %dma_start3A_682 = arith.constant 0 : i32
        %dma_start3A_683 = tpu.memref_slice %arg3[%add3A_679, %dma_start3A_682] : memref<320000x128xf32, #tpu.memory_space<hbm>> -> memref<128x128xf32, #tpu.memory_space<hbm>>
        tpu.enqueue_dma source(%dma_start3A_683 : memref<128x128xf32, #tpu.memory_space<hbm>>) target(%arg16 : memref<128x128xf32, #tpu.memory_space<vmem>>) target_semaphore(%arg24 : memref<!tpu.dma_semaphore, #tpu.memory_space<semaphore_mem>>)
      } else {
      }
      %mul3A_646 = arith.constant 6 : i32
      %mul3A_647 = arith.muli %scan3A_147, %mul3A_646 : i32
      %add3A_648 = arith.constant 5 : i32
      %add3A_649 = arith.addi %mul3A_647, %add3A_648 : i32
      %eq3A_650 = arith.constant 0 : i32
      %eq3A_651 = arith.cmpi eq, %arg0, %eq3A_650 : i32
      %convert_element_type3A_652 = arith.extui %eq3A_651 : i1 to i32
      %cond3A_653 = arith.constant 0 : i32
      %cond3A_654 = arith.cmpi ne, %convert_element_type3A_652, %cond3A_653 : i32
      scf.if %cond3A_654 {
        %dma_wait3A_677 = arith.constant 0 : i32
        %dma_wait3A_678 = arith.constant 0 : i32
        %dma_wait3A_679 = tpu.memref_slice %arg2[%dma_wait3A_677, %dma_wait3A_678] : memref<10000x128xf32, #tpu.memory_space<hbm>> -> memref<10000x128xf32, #tpu.memory_space<hbm>>
        tpu.wait_indirect_dma semaphore(%arg24 : memref<!tpu.dma_semaphore, #tpu.memory_space<semaphore_mem>>) src(%dma_wait3A_679 : memref<10000x128xf32, #tpu.memory_space<hbm>>) dst(%arg16 : memref<128x128xf32, #tpu.memory_space<vmem>>)
      } else {
      }
      %eq3A_655 = arith.constant 1 : i32
      %eq3A_656 = arith.cmpi eq, %arg0, %eq3A_655 : i32
      %convert_element_type3A_657 = arith.extui %eq3A_656 : i1 to i32
      %cond3A_658 = arith.constant 0 : i32
      %cond3A_659 = arith.cmpi ne, %convert_element_type3A_657, %cond3A_658 : i32
      scf.if %cond3A_659 {
        %mul3A_677 = arith.constant 128 : i32
        %mul3A_678 = arith.muli %add3A_649, %mul3A_677 : i32
        %add3A_679 = arith.addi %mul3A_35, %mul3A_678 : i32
        %dma_wait3A_680 = arith.constant 0 : i32
        %dma_wait3A_681 = tpu.memref_slice %arg3[%add3A_679, %dma_wait3A_680] : memref<320000x128xf32, #tpu.memory_space<hbm>> -> memref<128x128xf32, #tpu.memory_space<hbm>>
        %dma_wait3A_682 = arith.constant 0 : i32
        %dma_wait3A_683 = tpu.memref_slice %arg3[%add3A_679, %dma_wait3A_682] : memref<320000x128xf32, #tpu.memory_space<hbm>> -> memref<128x128xf32, #tpu.memory_space<hbm>>
        tpu.wait_dma2 semaphore(%arg24 : memref<!tpu.dma_semaphore, #tpu.memory_space<semaphore_mem>>) src(%dma_wait3A_683 : memref<128x128xf32, #tpu.memory_space<hbm>>) dst(%arg16 : memref<128x128xf32, #tpu.memory_space<vmem>>)
      } else {
      }
      %dma_start3A_660 = arith.constant 0 : i32
      %dma_start3A_661 = arith.constant 0 : i32
      %dma_start3A_662 = tpu.memref_slice %arg9[%dma_start3A_660, %dma_start3A_661] : memref<10000x128xf32, #tpu.memory_space<vmem_shared>> -> memref<10000x128xf32, #tpu.memory_space<vmem_shared>>
      tpu.enqueue_indirect_dma source(%arg16 : memref<128x128xf32, #tpu.memory_space<vmem>>) target(%dma_start3A_662 : memref<10000x128xf32, #tpu.memory_space<vmem_shared>>) offsets(%arg14 : memref<128xi32, #tpu.memory_space<vmem>>) semaphore(%arg26 : memref<!tpu.dma_semaphore, #tpu.memory_space<semaphore_mem>>) {add = true}
      %eq3A_663 = arith.constant 1 : i32
      %eq3A_664 = arith.cmpi eq, %arg0, %eq3A_663 : i32
      %convert_element_type3A_665 = arith.extui %eq3A_664 : i1 to i32
      %cond3A_666 = arith.constant 0 : i32
      %cond3A_667 = arith.cmpi ne, %convert_element_type3A_665, %cond3A_666 : i32
      scf.if %cond3A_667 {
        %dma_start3A_677 = arith.constant 0 : i32
        %dma_start3A_678 = tpu.memref_slice %arg10[%dma_start3A_677] : memref<10000xf32, #tpu.memory_space<vmem_shared>> -> memref<10000xf32, #tpu.memory_space<vmem_shared>>
        tpu.enqueue_indirect_dma source(%arg17 : memref<128xf32, #tpu.memory_space<vmem>>) target(%dma_start3A_678 : memref<10000xf32, #tpu.memory_space<vmem_shared>>) offsets(%arg14 : memref<128xi32, #tpu.memory_space<vmem>>) semaphore(%arg28 : memref<!tpu.dma_semaphore, #tpu.memory_space<semaphore_mem>>) {add = true}
      } else {
      }
      %gt3A_668 = arith.constant 0 : i32
      %gt3A_669 = arith.cmpi sgt, %add3A_649, %gt3A_668 : i32
      %convert_element_type3A_670 = arith.extui %gt3A_669 : i1 to i32
      %cond3A_671 = arith.constant 0 : i32
      %cond3A_672 = arith.cmpi ne, %convert_element_type3A_670, %cond3A_671 : i32
      scf.if %cond3A_672 {
        %dma_wait3A_677 = arith.constant 0 : i32
        %dma_wait3A_678 = arith.constant 0 : i32
        %dma_wait3A_679 = tpu.memref_slice %arg9[%dma_wait3A_677, %dma_wait3A_678] : memref<10000x128xf32, #tpu.memory_space<vmem_shared>> -> memref<10000x128xf32, #tpu.memory_space<vmem_shared>>
        tpu.wait_indirect_dma semaphore(%arg25 : memref<!tpu.dma_semaphore, #tpu.memory_space<semaphore_mem>>) src(%arg15 : memref<128x128xf32, #tpu.memory_space<vmem>>) dst(%dma_wait3A_679 : memref<10000x128xf32, #tpu.memory_space<vmem_shared>>)
        %eq3A_680 = arith.constant 1 : i32
        %eq3A_681 = arith.cmpi eq, %arg0, %eq3A_680 : i32
        %convert_element_type3A_682 = arith.extui %eq3A_681 : i1 to i32
        %cond3A_683 = arith.constant 0 : i32
        %cond3A_684 = arith.cmpi ne, %convert_element_type3A_682, %cond3A_683 : i32
        scf.if %cond3A_684 {
          %dma_wait3A_685 = arith.constant 0 : i32
          %dma_wait3A_686 = tpu.memref_slice %arg10[%dma_wait3A_685] : memref<10000xf32, #tpu.memory_space<vmem_shared>> -> memref<10000xf32, #tpu.memory_space<vmem_shared>>
          tpu.wait_indirect_dma semaphore(%arg27 : memref<!tpu.dma_semaphore, #tpu.memory_space<semaphore_mem>>) src(%arg17 : memref<128xf32, #tpu.memory_space<vmem>>) dst(%dma_wait3A_686 : memref<10000xf32, #tpu.memory_space<vmem_shared>>)
        } else {
        }
      } else {
      }
      %lt3A = arith.constant 25 : i32
      %lt3A_673 = arith.cmpi slt, %scan3A_147, %lt3A : i32
      %convert_element_type3A_674 = arith.extui %lt3A_673 : i1 to i32
      %cond3A_675 = arith.constant 0 : i32
      %cond3A_676 = arith.cmpi ne, %convert_element_type3A_674, %cond3A_675 : i32
      scf.if %cond3A_676 {
        %add3A_677 = arith.constant 1 : i32
        %add3A_678 = arith.addi %scan3A_147, %add3A_677 : i32
        %mul3A_679 = arith.constant 6 : i32
        %mul3A_680 = arith.muli %add3A_678, %mul3A_679 : i32
        %mul3A_681 = arith.constant 128 : i32
        %mul3A_682 = arith.muli %mul3A_680, %mul3A_681 : i32
        %add3A_683 = arith.addi %mul3A_35, %mul3A_682 : i32
        "tpu.region"() ({
          %run_scoped3A = tpu.sem_alloc : memref<!tpu.dma_semaphore, #tpu.memory_space<semaphore_mem>>
          %dma_start3A_762 = tpu.memref_slice %arg5[%add3A_683] : memref<320000xi32, #tpu.memory_space<hbm>> -> memref<768xi32, #tpu.memory_space<hbm>>
          %dma_start3A_763 = tpu.memref_slice %arg5[%add3A_683] : memref<320000xi32, #tpu.memory_space<hbm>> -> memref<768xi32, #tpu.memory_space<hbm>>
          tpu.enqueue_dma source(%dma_start3A_763 : memref<768xi32, #tpu.memory_space<hbm>>) target(%arg20 : memref<768xi32, #tpu.memory_space<vmem>>) target_semaphore(%run_scoped3A : memref<!tpu.dma_semaphore, #tpu.memory_space<semaphore_mem>>)
          %dma_wait3A_764 = tpu.memref_slice %arg5[%add3A_683] : memref<320000xi32, #tpu.memory_space<hbm>> -> memref<768xi32, #tpu.memory_space<hbm>>
          %dma_wait3A_765 = tpu.memref_slice %arg5[%add3A_683] : memref<320000xi32, #tpu.memory_space<hbm>> -> memref<768xi32, #tpu.memory_space<hbm>>
          tpu.wait_dma2 semaphore(%run_scoped3A : memref<!tpu.dma_semaphore, #tpu.memory_space<semaphore_mem>>) src(%dma_wait3A_765 : memref<768xi32, #tpu.memory_space<hbm>>) dst(%arg20 : memref<768xi32, #tpu.memory_space<vmem>>)
          tpu.yield
        }) : () -> ()
        %eq3A_684 = arith.constant 0 : i32
        %eq3A_685 = arith.cmpi eq, %arg0, %eq3A_684 : i32
        %convert_element_type3A_686 = arith.extui %eq3A_685 : i1 to i32
        %cond3A_687 = arith.constant 0 : i32
        %cond3A_688 = arith.cmpi ne, %convert_element_type3A_686, %cond3A_687 : i32
        scf.if %cond3A_688 {
          "tpu.region"() ({
            %run_scoped3A = tpu.sem_alloc : memref<!tpu.dma_semaphore, #tpu.memory_space<semaphore_mem>>
            %dma_start3A_762 = tpu.memref_slice %arg4[%add3A_683] : memref<320000xi32, #tpu.memory_space<hbm>> -> memref<768xi32, #tpu.memory_space<hbm>>
            %dma_start3A_763 = tpu.memref_slice %arg4[%add3A_683] : memref<320000xi32, #tpu.memory_space<hbm>> -> memref<768xi32, #tpu.memory_space<hbm>>
            tpu.enqueue_dma source(%dma_start3A_763 : memref<768xi32, #tpu.memory_space<hbm>>) target(%arg19 : memref<768xi32, #tpu.memory_space<vmem>>) target_semaphore(%run_scoped3A : memref<!tpu.dma_semaphore, #tpu.memory_space<semaphore_mem>>)
            %dma_wait3A_764 = tpu.memref_slice %arg4[%add3A_683] : memref<320000xi32, #tpu.memory_space<hbm>> -> memref<768xi32, #tpu.memory_space<hbm>>
            %dma_wait3A_765 = tpu.memref_slice %arg4[%add3A_683] : memref<320000xi32, #tpu.memory_space<hbm>> -> memref<768xi32, #tpu.memory_space<hbm>>
            tpu.wait_dma2 semaphore(%run_scoped3A : memref<!tpu.dma_semaphore, #tpu.memory_space<semaphore_mem>>) src(%dma_wait3A_765 : memref<768xi32, #tpu.memory_space<hbm>>) dst(%arg19 : memref<768xi32, #tpu.memory_space<vmem>>)
            tpu.yield
          }) : () -> ()
        } else {
        }
        %get3A_689 = arith.constant 0 : index
        %get3A_690 = tpu.vector_load %arg20[%get3A_689] {strides = array<i32>} : memref<768xi32, #tpu.memory_space<vmem>>, vector<16xi32>,
        %get3A_691 = vector.shape_cast %get3A_690 : vector<16xi32> to vector<16xi32>
        %swap3A_692 = arith.constant 0 : index
        %swap3A_693 = tpu.vector_load %arg13[%swap3A_692] {strides = array<i32>} : memref<128xi32, #tpu.memory_space<vmem>>, vector<16xi32>,
        %swap3A_694 = vector.shape_cast %swap3A_693 : vector<16xi32> to vector<16xi32>
        %swap3A_695 = vector.shape_cast %get3A_691 : vector<16xi32> to vector<16xi32>
        tpu.vector_store %arg13[%swap3A_692], %swap3A_695 {strides = array<i32>} : memref<128xi32, #tpu.memory_space<vmem>>, vector<16xi32>,
        %get3A_696 = arith.constant 16 : index
        %get3A_697 = tpu.vector_load %arg20[%get3A_696] {strides = array<i32>} : memref<768xi32, #tpu.memory_space<vmem>>, vector<16xi32>,
        %get3A_698 = vector.shape_cast %get3A_697 : vector<16xi32> to vector<16xi32>
        %swap3A_699 = arith.constant 16 : index
        %swap3A_700 = tpu.vector_load %arg13[%swap3A_699] {strides = array<i32>} : memref<128xi32, #tpu.memory_space<vmem>>, vector<16xi32>,
        %swap3A_701 = vector.shape_cast %swap3A_700 : vector<16xi32> to vector<16xi32>
        %swap3A_702 = vector.shape_cast %get3A_698 : vector<16xi32> to vector<16xi32>
        tpu.vector_store %arg13[%swap3A_699], %swap3A_702 {strides = array<i32>} : memref<128xi32, #tpu.memory_space<vmem>>, vector<16xi32>,
        %get3A_703 = arith.constant 32 : index
        %get3A_704 = tpu.vector_load %arg20[%get3A_703] {strides = array<i32>} : memref<768xi32, #tpu.memory_space<vmem>>, vector<16xi32>,
        %get3A_705 = vector.shape_cast %get3A_704 : vector<16xi32> to vector<16xi32>
        %swap3A_706 = arith.constant 32 : index
        %swap3A_707 = tpu.vector_load %arg13[%swap3A_706] {strides = array<i32>} : memref<128xi32, #tpu.memory_space<vmem>>, vector<16xi32>,
        %swap3A_708 = vector.shape_cast %swap3A_707 : vector<16xi32> to vector<16xi32>
        %swap3A_709 = vector.shape_cast %get3A_705 : vector<16xi32> to vector<16xi32>
        tpu.vector_store %arg13[%swap3A_706], %swap3A_709 {strides = array<i32>} : memref<128xi32, #tpu.memory_space<vmem>>, vector<16xi32>,
        %get3A_710 = arith.constant 48 : index
        %get3A_711 = tpu.vector_load %arg20[%get3A_710] {strides = array<i32>} : memref<768xi32, #tpu.memory_space<vmem>>, vector<16xi32>,
        %get3A_712 = vector.shape_cast %get3A_711 : vector<16xi32> to vector<16xi32>
        %swap3A_713 = arith.constant 48 : index
        %swap3A_714 = tpu.vector_load %arg13[%swap3A_713] {strides = array<i32>} : memref<128xi32, #tpu.memory_space<vmem>>, vector<16xi32>,
        %swap3A_715 = vector.shape_cast %swap3A_714 : vector<16xi32> to vector<16xi32>
        %swap3A_716 = vector.shape_cast %get3A_712 : vector<16xi32> to vector<16xi32>
        tpu.vector_store %arg13[%swap3A_713], %swap3A_716 {strides = array<i32>} : memref<128xi32, #tpu.memory_space<vmem>>, vector<16xi32>,
        %get3A_717 = arith.constant 64 : index
        %get3A_718 = tpu.vector_load %arg20[%get3A_717] {strides = array<i32>} : memref<768xi32, #tpu.memory_space<vmem>>, vector<16xi32>,
        %get3A_719 = vector.shape_cast %get3A_718 : vector<16xi32> to vector<16xi32>
        %swap3A_720 = arith.constant 64 : index
        %swap3A_721 = tpu.vector_load %arg13[%swap3A_720] {strides = array<i32>} : memref<128xi32, #tpu.memory_space<vmem>>, vector<16xi32>,
        %swap3A_722 = vector.shape_cast %swap3A_721 : vector<16xi32> to vector<16xi32>
        %swap3A_723 = vector.shape_cast %get3A_719 : vector<16xi32> to vector<16xi32>
        tpu.vector_store %arg13[%swap3A_720], %swap3A_723 {strides = array<i32>} : memref<128xi32, #tpu.memory_space<vmem>>, vector<16xi32>,
        %get3A_724 = arith.constant 80 : index
        %get3A_725 = tpu.vector_load %arg20[%get3A_724] {strides = array<i32>} : memref<768xi32, #tpu.memory_space<vmem>>, vector<16xi32>,
        %get3A_726 = vector.shape_cast %get3A_725 : vector<16xi32> to vector<16xi32>
        %swap3A_727 = arith.constant 80 : index
        %swap3A_728 = tpu.vector_load %arg13[%swap3A_727] {strides = array<i32>} : memref<128xi32, #tpu.memory_space<vmem>>, vector<16xi32>,
        %swap3A_729 = vector.shape_cast %swap3A_728 : vector<16xi32> to vector<16xi32>
        %swap3A_730 = vector.shape_cast %get3A_726 : vector<16xi32> to vector<16xi32>
        tpu.vector_store %arg13[%swap3A_727], %swap3A_730 {strides = array<i32>} : memref<128xi32, #tpu.memory_space<vmem>>, vector<16xi32>,
        %get3A_731 = arith.constant 96 : index
        %get3A_732 = tpu.vector_load %arg20[%get3A_731] {strides = array<i32>} : memref<768xi32, #tpu.memory_space<vmem>>, vector<16xi32>,
        %get3A_733 = vector.shape_cast %get3A_732 : vector<16xi32> to vector<16xi32>
        %swap3A_734 = arith.constant 96 : index
        %swap3A_735 = tpu.vector_load %arg13[%swap3A_734] {strides = array<i32>} : memref<128xi32, #tpu.memory_space<vmem>>, vector<16xi32>,
        %swap3A_736 = vector.shape_cast %swap3A_735 : vector<16xi32> to vector<16xi32>
        %swap3A_737 = vector.shape_cast %get3A_733 : vector<16xi32> to vector<16xi32>
        tpu.vector_store %arg13[%swap3A_734], %swap3A_737 {strides = array<i32>} : memref<128xi32, #tpu.memory_space<vmem>>, vector<16xi32>,
        %get3A_738 = arith.constant 112 : index
        %get3A_739 = tpu.vector_load %arg20[%get3A_738] {strides = array<i32>} : memref<768xi32, #tpu.memory_space<vmem>>, vector<16xi32>,
        %get3A_740 = vector.shape_cast %get3A_739 : vector<16xi32> to vector<16xi32>
        %swap3A_741 = arith.constant 112 : index
        %swap3A_742 = tpu.vector_load %arg13[%swap3A_741] {strides = array<i32>} : memref<128xi32, #tpu.memory_space<vmem>>, vector<16xi32>,
        %swap3A_743 = vector.shape_cast %swap3A_742 : vector<16xi32> to vector<16xi32>
        %swap3A_744 = vector.shape_cast %get3A_740 : vector<16xi32> to vector<16xi32>
        tpu.vector_store %arg13[%swap3A_741], %swap3A_744 {strides = array<i32>} : memref<128xi32, #tpu.memory_space<vmem>>, vector<16xi32>,
        %eq3A_745 = arith.constant 0 : i32
        %eq3A_746 = arith.cmpi eq, %arg0, %eq3A_745 : i32
        %convert_element_type3A_747 = arith.extui %eq3A_746 : i1 to i32
        %cond3A_748 = arith.constant 0 : i32
        %cond3A_749 = arith.cmpi ne, %convert_element_type3A_747, %cond3A_748 : i32
        scf.if %cond3A_749 {
          %get3A_762 = arith.constant 0 : index
          %get3A_763 = tpu.vector_load %arg19[%get3A_762] {strides = array<i32>} : memref<768xi32, #tpu.memory_space<vmem>>, vector<16xi32>,
          %get3A_764 = vector.shape_cast %get3A_763 : vector<16xi32> to vector<16xi32>
          %swap3A_765 = arith.constant 0 : index
          %swap3A_766 = tpu.vector_load %arg11[%swap3A_765] {strides = array<i32>} : memref<128xi32, #tpu.memory_space<vmem>>, vector<16xi32>,
          %swap3A_767 = vector.shape_cast %swap3A_766 : vector<16xi32> to vector<16xi32>
          %swap3A_768 = vector.shape_cast %get3A_764 : vector<16xi32> to vector<16xi32>
          tpu.vector_store %arg11[%swap3A_765], %swap3A_768 {strides = array<i32>} : memref<128xi32, #tpu.memory_space<vmem>>, vector<16xi32>,
          %get3A_769 = arith.constant 16 : index
          %get3A_770 = tpu.vector_load %arg19[%get3A_769] {strides = array<i32>} : memref<768xi32, #tpu.memory_space<vmem>>, vector<16xi32>,
          %get3A_771 = vector.shape_cast %get3A_770 : vector<16xi32> to vector<16xi32>
          %swap3A_772 = arith.constant 16 : index
          %swap3A_773 = tpu.vector_load %arg11[%swap3A_772] {strides = array<i32>} : memref<128xi32, #tpu.memory_space<vmem>>, vector<16xi32>,
          %swap3A_774 = vector.shape_cast %swap3A_773 : vector<16xi32> to vector<16xi32>
          %swap3A_775 = vector.shape_cast %get3A_771 : vector<16xi32> to vector<16xi32>
          tpu.vector_store %arg11[%swap3A_772], %swap3A_775 {strides = array<i32>} : memref<128xi32, #tpu.memory_space<vmem>>, vector<16xi32>,
          %get3A_776 = arith.constant 32 : index
          %get3A_777 = tpu.vector_load %arg19[%get3A_776] {strides = array<i32>} : memref<768xi32, #tpu.memory_space<vmem>>, vector<16xi32>,
          %get3A_778 = vector.shape_cast %get3A_777 : vector<16xi32> to vector<16xi32>
          %swap3A_779 = arith.constant 32 : index
          %swap3A_780 = tpu.vector_load %arg11[%swap3A_779] {strides = array<i32>} : memref<128xi32, #tpu.memory_space<vmem>>, vector<16xi32>,
          %swap3A_781 = vector.shape_cast %swap3A_780 : vector<16xi32> to vector<16xi32>
          %swap3A_782 = vector.shape_cast %get3A_778 : vector<16xi32> to vector<16xi32>
          tpu.vector_store %arg11[%swap3A_779], %swap3A_782 {strides = array<i32>} : memref<128xi32, #tpu.memory_space<vmem>>, vector<16xi32>,
          %get3A_783 = arith.constant 48 : index
          %get3A_784 = tpu.vector_load %arg19[%get3A_783] {strides = array<i32>} : memref<768xi32, #tpu.memory_space<vmem>>, vector<16xi32>,
          %get3A_785 = vector.shape_cast %get3A_784 : vector<16xi32> to vector<16xi32>
          %swap3A_786 = arith.constant 48 : index
          %swap3A_787 = tpu.vector_load %arg11[%swap3A_786] {strides = array<i32>} : memref<128xi32, #tpu.memory_space<vmem>>, vector<16xi32>,
          %swap3A_788 = vector.shape_cast %swap3A_787 : vector<16xi32> to vector<16xi32>
          %swap3A_789 = vector.shape_cast %get3A_785 : vector<16xi32> to vector<16xi32>
          tpu.vector_store %arg11[%swap3A_786], %swap3A_789 {strides = array<i32>} : memref<128xi32, #tpu.memory_space<vmem>>, vector<16xi32>,
          %get3A_790 = arith.constant 64 : index
          %get3A_791 = tpu.vector_load %arg19[%get3A_790] {strides = array<i32>} : memref<768xi32, #tpu.memory_space<vmem>>, vector<16xi32>,
          %get3A_792 = vector.shape_cast %get3A_791 : vector<16xi32> to vector<16xi32>
          %swap3A_793 = arith.constant 64 : index
          %swap3A_794 = tpu.vector_load %arg11[%swap3A_793] {strides = array<i32>} : memref<128xi32, #tpu.memory_space<vmem>>, vector<16xi32>,
          %swap3A_795 = vector.shape_cast %swap3A_794 : vector<16xi32> to vector<16xi32>
          %swap3A_796 = vector.shape_cast %get3A_792 : vector<16xi32> to vector<16xi32>
          tpu.vector_store %arg11[%swap3A_793], %swap3A_796 {strides = array<i32>} : memref<128xi32, #tpu.memory_space<vmem>>, vector<16xi32>,
          %get3A_797 = arith.constant 80 : index
          %get3A_798 = tpu.vector_load %arg19[%get3A_797] {strides = array<i32>} : memref<768xi32, #tpu.memory_space<vmem>>, vector<16xi32>,
          %get3A_799 = vector.shape_cast %get3A_798 : vector<16xi32> to vector<16xi32>
          %swap3A_800 = arith.constant 80 : index
          %swap3A_801 = tpu.vector_load %arg11[%swap3A_800] {strides = array<i32>} : memref<128xi32, #tpu.memory_space<vmem>>, vector<16xi32>,
          %swap3A_802 = vector.shape_cast %swap3A_801 : vector<16xi32> to vector<16xi32>
          %swap3A_803 = vector.shape_cast %get3A_799 : vector<16xi32> to vector<16xi32>
          tpu.vector_store %arg11[%swap3A_800], %swap3A_803 {strides = array<i32>} : memref<128xi32, #tpu.memory_space<vmem>>, vector<16xi32>,
          %get3A_804 = arith.constant 96 : index
          %get3A_805 = tpu.vector_load %arg19[%get3A_804] {strides = array<i32>} : memref<768xi32, #tpu.memory_space<vmem>>, vector<16xi32>,
          %get3A_806 = vector.shape_cast %get3A_805 : vector<16xi32> to vector<16xi32>
          %swap3A_807 = arith.constant 96 : index
          %swap3A_808 = tpu.vector_load %arg11[%swap3A_807] {strides = array<i32>} : memref<128xi32, #tpu.memory_space<vmem>>, vector<16xi32>,
          %swap3A_809 = vector.shape_cast %swap3A_808 : vector<16xi32> to vector<16xi32>
          %swap3A_810 = vector.shape_cast %get3A_806 : vector<16xi32> to vector<16xi32>
          tpu.vector_store %arg11[%swap3A_807], %swap3A_810 {strides = array<i32>} : memref<128xi32, #tpu.memory_space<vmem>>, vector<16xi32>,
          %get3A_811 = arith.constant 112 : index
          %get3A_812 = tpu.vector_load %arg19[%get3A_811] {strides = array<i32>} : memref<768xi32, #tpu.memory_space<vmem>>, vector<16xi32>,
          %get3A_813 = vector.shape_cast %get3A_812 : vector<16xi32> to vector<16xi32>
          %swap3A_814 = arith.constant 112 : index
          %swap3A_815 = tpu.vector_load %arg11[%swap3A_814] {strides = array<i32>} : memref<128xi32, #tpu.memory_space<vmem>>, vector<16xi32>,
          %swap3A_816 = vector.shape_cast %swap3A_815 : vector<16xi32> to vector<16xi32>
          %swap3A_817 = vector.shape_cast %get3A_813 : vector<16xi32> to vector<16xi32>
          tpu.vector_store %arg11[%swap3A_814], %swap3A_817 {strides = array<i32>} : memref<128xi32, #tpu.memory_space<vmem>>, vector<16xi32>,
        } else {
        }
        %add3A_750 = arith.constant 1 : i32
        %add3A_751 = arith.addi %add3A_649, %add3A_750 : i32
        %eq3A_752 = arith.constant 0 : i32
        %eq3A_753 = arith.cmpi eq, %arg0, %eq3A_752 : i32
        %convert_element_type3A_754 = arith.extui %eq3A_753 : i1 to i32
        %cond3A_755 = arith.constant 0 : i32
        %cond3A_756 = arith.cmpi ne, %convert_element_type3A_754, %cond3A_755 : i32
        scf.if %cond3A_756 {
          %dma_start3A_762 = arith.constant 0 : i32
          %dma_start3A_763 = arith.constant 0 : i32
          %dma_start3A_764 = tpu.memref_slice %arg2[%dma_start3A_762, %dma_start3A_763] : memref<10000x128xf32, #tpu.memory_space<hbm>> -> memref<10000x128xf32, #tpu.memory_space<hbm>>
          tpu.enqueue_indirect_dma source(%dma_start3A_764 : memref<10000x128xf32, #tpu.memory_space<hbm>>) target(%arg15 : memref<128x128xf32, #tpu.memory_space<vmem>>) offsets(%arg11 : memref<128xi32, #tpu.memory_space<vmem>>) semaphore(%arg23 : memref<!tpu.dma_semaphore, #tpu.memory_space<semaphore_mem>>)
        } else {
        }
        %eq3A_757 = arith.constant 1 : i32
        %eq3A_758 = arith.cmpi eq, %arg0, %eq3A_757 : i32
        %convert_element_type3A_759 = arith.extui %eq3A_758 : i1 to i32
        %cond3A_760 = arith.constant 0 : i32
        %cond3A_761 = arith.cmpi ne, %convert_element_type3A_759, %cond3A_760 : i32
        scf.if %cond3A_761 {
          %mul3A_762 = arith.constant 128 : i32
          %mul3A_763 = arith.muli %add3A_751, %mul3A_762 : i32
          %add3A_764 = arith.addi %mul3A_35, %mul3A_763 : i32
          %dma_start3A_765 = arith.constant 0 : i32
          %dma_start3A_766 = tpu.memref_slice %arg3[%add3A_764, %dma_start3A_765] : memref<320000x128xf32, #tpu.memory_space<hbm>> -> memref<128x128xf32, #tpu.memory_space<hbm>>
          %dma_start3A_767 = arith.constant 0 : i32
          %dma_start3A_768 = tpu.memref_slice %arg3[%add3A_764, %dma_start3A_767] : memref<320000x128xf32, #tpu.memory_space<hbm>> -> memref<128x128xf32, #tpu.memory_space<hbm>>
          tpu.enqueue_dma source(%dma_start3A_768 : memref<128x128xf32, #tpu.memory_space<hbm>>) target(%arg15 : memref<128x128xf32, #tpu.memory_space<vmem>>) target_semaphore(%arg23 : memref<!tpu.dma_semaphore, #tpu.memory_space<semaphore_mem>>)
        } else {
        }
      } else {
      }
    }
    %scan3A_116 = arith.constant 26 : i32
    %dma_wait3A = arith.constant 0 : i32
    %dma_wait3A_117 = arith.constant 0 : i32
    %dma_wait3A_118 = tpu.memref_slice %arg9[%dma_wait3A, %dma_wait3A_117] : memref<10000x128xf32, #tpu.memory_space<vmem_shared>> -> memref<10000x128xf32, #tpu.memory_space<vmem_shared>>
    tpu.wait_indirect_dma semaphore(%arg26 : memref<!tpu.dma_semaphore, #tpu.memory_space<semaphore_mem>>) src(%arg16 : memref<128x128xf32, #tpu.memory_space<vmem>>) dst(%dma_wait3A_118 : memref<10000x128xf32, #tpu.memory_space<vmem_shared>>)
    %eq3A_119 = arith.constant 1 : i32
    %eq3A_120 = arith.cmpi eq, %arg0, %eq3A_119 : i32
    %convert_element_type3A_121 = arith.extui %eq3A_120 : i1 to i32
    %cond3A_122 = arith.constant 0 : i32
    %cond3A_123 = arith.cmpi ne, %convert_element_type3A_121, %cond3A_122 : i32
    scf.if %cond3A_123 {
      %dma_wait3A_147 = arith.constant 0 : i32
      %dma_wait3A_148 = tpu.memref_slice %arg10[%dma_wait3A_147] : memref<10000xf32, #tpu.memory_space<vmem_shared>> -> memref<10000xf32, #tpu.memory_space<vmem_shared>>
      tpu.wait_indirect_dma semaphore(%arg28 : memref<!tpu.dma_semaphore, #tpu.memory_space<semaphore_mem>>) src(%arg17 : memref<128xf32, #tpu.memory_space<vmem>>) dst(%dma_wait3A_148 : memref<10000xf32, #tpu.memory_space<vmem_shared>>)
    } else {
    }
    %add3A_124 = arith.constant 19968 : i32
    %add3A_125 = arith.addi %mul3A_35, %add3A_124 : i32
    "tpu.region"() ({
      %run_scoped3A = tpu.sem_alloc : memref<!tpu.dma_semaphore, #tpu.memory_space<semaphore_mem>>
      %dma_start3A = tpu.memref_slice %arg5[%add3A_125] : memref<320000xi32, #tpu.memory_space<hbm>> -> memref<32xi32, #tpu.memory_space<hbm>>
      %dma_start3A_147 = tpu.memref_slice %arg5[%add3A_125] : memref<320000xi32, #tpu.memory_space<hbm>> -> memref<32xi32, #tpu.memory_space<hbm>>
      tpu.enqueue_dma source(%dma_start3A_147 : memref<32xi32, #tpu.memory_space<hbm>>) target(%arg22 : memref<32xi32, #tpu.memory_space<vmem>>) target_semaphore(%run_scoped3A : memref<!tpu.dma_semaphore, #tpu.memory_space<semaphore_mem>>)
      %dma_wait3A_148 = tpu.memref_slice %arg5[%add3A_125] : memref<320000xi32, #tpu.memory_space<hbm>> -> memref<32xi32, #tpu.memory_space<hbm>>
      %dma_wait3A_149 = tpu.memref_slice %arg5[%add3A_125] : memref<320000xi32, #tpu.memory_space<hbm>> -> memref<32xi32, #tpu.memory_space<hbm>>
      tpu.wait_dma2 semaphore(%run_scoped3A : memref<!tpu.dma_semaphore, #tpu.memory_space<semaphore_mem>>) src(%dma_wait3A_149 : memref<32xi32, #tpu.memory_space<hbm>>) dst(%arg22 : memref<32xi32, #tpu.memory_space<vmem>>)
      tpu.yield
    }) : () -> ()
    %eq3A_126 = arith.constant 0 : i32
    %eq3A_127 = arith.cmpi eq, %arg0, %eq3A_126 : i32
    %convert_element_type3A_128 = arith.extui %eq3A_127 : i1 to i32
    %cond3A_129 = arith.constant 0 : i32
    %cond3A_130 = arith.cmpi ne, %convert_element_type3A_128, %cond3A_129 : i32
    scf.if %cond3A_130 {
      "tpu.region"() ({
        %run_scoped3A = tpu.sem_alloc : memref<!tpu.dma_semaphore, #tpu.memory_space<semaphore_mem>>
        %dma_start3A_158 = tpu.memref_slice %arg4[%add3A_125] : memref<320000xi32, #tpu.memory_space<hbm>> -> memref<32xi32, #tpu.memory_space<hbm>>
        %dma_start3A_159 = tpu.memref_slice %arg4[%add3A_125] : memref<320000xi32, #tpu.memory_space<hbm>> -> memref<32xi32, #tpu.memory_space<hbm>>
        tpu.enqueue_dma source(%dma_start3A_159 : memref<32xi32, #tpu.memory_space<hbm>>) target(%arg21 : memref<32xi32, #tpu.memory_space<vmem>>) target_semaphore(%run_scoped3A : memref<!tpu.dma_semaphore, #tpu.memory_space<semaphore_mem>>)
        %dma_wait3A_160 = tpu.memref_slice %arg4[%add3A_125] : memref<320000xi32, #tpu.memory_space<hbm>> -> memref<32xi32, #tpu.memory_space<hbm>>
        %dma_wait3A_161 = tpu.memref_slice %arg4[%add3A_125] : memref<320000xi32, #tpu.memory_space<hbm>> -> memref<32xi32, #tpu.memory_space<hbm>>
        tpu.wait_dma2 semaphore(%run_scoped3A : memref<!tpu.dma_semaphore, #tpu.memory_space<semaphore_mem>>) src(%dma_wait3A_161 : memref<32xi32, #tpu.memory_space<hbm>>) dst(%arg21 : memref<32xi32, #tpu.memory_space<vmem>>)
        tpu.yield
      }) : () -> ()
      %dma_start3A = arith.constant 0 : i32
      %dma_start3A_147 = arith.constant 0 : i32
      %dma_start3A_148 = tpu.memref_slice %arg15[%dma_start3A, %dma_start3A_147] : memref<128x128xf32, #tpu.memory_space<vmem>> -> memref<32x128xf32, #tpu.memory_space<vmem>>
      %dma_start3A_149 = arith.constant 0 : i32
      %dma_start3A_150 = arith.constant 0 : i32
      %dma_start3A_151 = tpu.memref_slice %arg2[%dma_start3A_149, %dma_start3A_150] : memref<10000x128xf32, #tpu.memory_space<hbm>> -> memref<10000x128xf32, #tpu.memory_space<hbm>>
      tpu.enqueue_indirect_dma source(%dma_start3A_151 : memref<10000x128xf32, #tpu.memory_space<hbm>>) target(%dma_start3A_148 : memref<32x128xf32, #tpu.memory_space<vmem>>) offsets(%arg21 : memref<32xi32, #tpu.memory_space<vmem>>) semaphore(%arg23 : memref<!tpu.dma_semaphore, #tpu.memory_space<semaphore_mem>>)
      %dma_wait3A_152 = arith.constant 0 : i32
      %dma_wait3A_153 = arith.constant 0 : i32
      %dma_wait3A_154 = tpu.memref_slice %arg15[%dma_wait3A_152, %dma_wait3A_153] : memref<128x128xf32, #tpu.memory_space<vmem>> -> memref<32x128xf32, #tpu.memory_space<vmem>>
      %dma_wait3A_155 = arith.constant 0 : i32
      %dma_wait3A_156 = arith.constant 0 : i32
      %dma_wait3A_157 = tpu.memref_slice %arg2[%dma_wait3A_155, %dma_wait3A_156] : memref<10000x128xf32, #tpu.memory_space<hbm>> -> memref<10000x128xf32, #tpu.memory_space<hbm>>
      tpu.wait_indirect_dma semaphore(%arg23 : memref<!tpu.dma_semaphore, #tpu.memory_space<semaphore_mem>>) src(%dma_wait3A_157 : memref<10000x128xf32, #tpu.memory_space<hbm>>) dst(%dma_wait3A_154 : memref<32x128xf32, #tpu.memory_space<vmem>>)
      "tpu.region"() ({
        %run_scoped3A = tpu.sem_alloc : memref<!tpu.dma_semaphore, #tpu.memory_space<semaphore_mem>>
        %dma_start3A_158 = arith.constant 0 : i32
        %dma_start3A_159 = arith.constant 0 : i32
        %dma_start3A_160 = tpu.memref_slice %arg15[%dma_start3A_158, %dma_start3A_159] : memref<128x128xf32, #tpu.memory_space<vmem>> -> memref<32x128xf32, #tpu.memory_space<vmem>>
        %dma_start3A_161 = arith.constant 0 : i32
        %dma_start3A_162 = arith.constant 0 : i32
        %dma_start3A_163 = tpu.memref_slice %arg9[%dma_start3A_161, %dma_start3A_162] : memref<10000x128xf32, #tpu.memory_space<vmem_shared>> -> memref<10000x128xf32, #tpu.memory_space<vmem_shared>>
        tpu.enqueue_indirect_dma source(%dma_start3A_160 : memref<32x128xf32, #tpu.memory_space<vmem>>) target(%dma_start3A_163 : memref<10000x128xf32, #tpu.memory_space<vmem_shared>>) offsets(%arg22 : memref<32xi32, #tpu.memory_space<vmem>>) semaphore(%run_scoped3A : memref<!tpu.dma_semaphore, #tpu.memory_space<semaphore_mem>>) {add = true}
        %dma_wait3A_164 = arith.constant 0 : i32
        %dma_wait3A_165 = arith.constant 0 : i32
        %dma_wait3A_166 = tpu.memref_slice %arg15[%dma_wait3A_164, %dma_wait3A_165] : memref<128x128xf32, #tpu.memory_space<vmem>> -> memref<32x128xf32, #tpu.memory_space<vmem>>
        %dma_wait3A_167 = arith.constant 0 : i32
        %dma_wait3A_168 = arith.constant 0 : i32
        %dma_wait3A_169 = tpu.memref_slice %arg9[%dma_wait3A_167, %dma_wait3A_168] : memref<10000x128xf32, #tpu.memory_space<vmem_shared>> -> memref<10000x128xf32, #tpu.memory_space<vmem_shared>>
        tpu.wait_indirect_dma semaphore(%run_scoped3A : memref<!tpu.dma_semaphore, #tpu.memory_space<semaphore_mem>>) src(%dma_wait3A_166 : memref<32x128xf32, #tpu.memory_space<vmem>>) dst(%dma_wait3A_169 : memref<10000x128xf32, #tpu.memory_space<vmem_shared>>)
        tpu.yield
      }) : () -> ()
    } else {
    }
    %eq3A_131 = arith.constant 1 : i32
    %eq3A_132 = arith.cmpi eq, %arg0, %eq3A_131 : i32
    %convert_element_type3A_133 = arith.extui %eq3A_132 : i1 to i32
    %cond3A_134 = arith.constant 0 : i32
    %cond3A_135 = arith.cmpi ne, %convert_element_type3A_133, %cond3A_134 : i32
    scf.if %cond3A_135 {
      "tpu.region"() ({
        %run_scoped3A = tpu.sem_alloc : memref<!tpu.dma_semaphore, #tpu.memory_space<semaphore_mem>>
        %dma_start3A = arith.constant 0 : i32
        %dma_start3A_147 = arith.constant 0 : i32
        %dma_start3A_148 = tpu.memref_slice %arg15[%dma_start3A, %dma_start3A_147] : memref<128x128xf32, #tpu.memory_space<vmem>> -> memref<32x128xf32, #tpu.memory_space<vmem>>
        %dma_start3A_149 = arith.constant 0 : i32
        %dma_start3A_150 = tpu.memref_slice %arg3[%add3A_125, %dma_start3A_149] : memref<320000x128xf32, #tpu.memory_space<hbm>> -> memref<32x128xf32, #tpu.memory_space<hbm>>
        %dma_start3A_151 = arith.constant 0 : i32
        %dma_start3A_152 = arith.constant 0 : i32
        %dma_start3A_153 = tpu.memref_slice %arg15[%dma_start3A_151, %dma_start3A_152] : memref<128x128xf32, #tpu.memory_space<vmem>> -> memref<32x128xf32, #tpu.memory_space<vmem>>
        %dma_start3A_154 = arith.constant 0 : i32
        %dma_start3A_155 = tpu.memref_slice %arg3[%add3A_125, %dma_start3A_154] : memref<320000x128xf32, #tpu.memory_space<hbm>> -> memref<32x128xf32, #tpu.memory_space<hbm>>
        tpu.enqueue_dma source(%dma_start3A_155 : memref<32x128xf32, #tpu.memory_space<hbm>>) target(%dma_start3A_153 : memref<32x128xf32, #tpu.memory_space<vmem>>) target_semaphore(%run_scoped3A : memref<!tpu.dma_semaphore, #tpu.memory_space<semaphore_mem>>)
        %dma_wait3A_156 = arith.constant 0 : i32
        %dma_wait3A_157 = arith.constant 0 : i32
        %dma_wait3A_158 = tpu.memref_slice %arg15[%dma_wait3A_156, %dma_wait3A_157] : memref<128x128xf32, #tpu.memory_space<vmem>> -> memref<32x128xf32, #tpu.memory_space<vmem>>
        %dma_wait3A_159 = arith.constant 0 : i32
        %dma_wait3A_160 = tpu.memref_slice %arg3[%add3A_125, %dma_wait3A_159] : memref<320000x128xf32, #tpu.memory_space<hbm>> -> memref<32x128xf32, #tpu.memory_space<hbm>>
        %dma_wait3A_161 = arith.constant 0 : i32
        %dma_wait3A_162 = arith.constant 0 : i32
        %dma_wait3A_163 = tpu.memref_slice %arg15[%dma_wait3A_161, %dma_wait3A_162] : memref<128x128xf32, #tpu.memory_space<vmem>> -> memref<32x128xf32, #tpu.memory_space<vmem>>
        %dma_wait3A_164 = arith.constant 0 : i32
        %dma_wait3A_165 = tpu.memref_slice %arg3[%add3A_125, %dma_wait3A_164] : memref<320000x128xf32, #tpu.memory_space<hbm>> -> memref<32x128xf32, #tpu.memory_space<hbm>>
        tpu.wait_dma2 semaphore(%run_scoped3A : memref<!tpu.dma_semaphore, #tpu.memory_space<semaphore_mem>>) src(%dma_wait3A_165 : memref<32x128xf32, #tpu.memory_space<hbm>>) dst(%dma_wait3A_163 : memref<32x128xf32, #tpu.memory_space<vmem>>)
        tpu.yield
      }) : () -> ()
      "tpu.region"() ({
        %run_scoped3A = tpu.sem_alloc : memref<!tpu.dma_semaphore, #tpu.memory_space<semaphore_mem>>
        %dma_start3A = arith.constant 0 : i32
        %dma_start3A_147 = arith.constant 0 : i32
        %dma_start3A_148 = tpu.memref_slice %arg15[%dma_start3A, %dma_start3A_147] : memref<128x128xf32, #tpu.memory_space<vmem>> -> memref<32x128xf32, #tpu.memory_space<vmem>>
        %dma_start3A_149 = arith.constant 0 : i32
        %dma_start3A_150 = arith.constant 0 : i32
        %dma_start3A_151 = tpu.memref_slice %arg9[%dma_start3A_149, %dma_start3A_150] : memref<10000x128xf32, #tpu.memory_space<vmem_shared>> -> memref<10000x128xf32, #tpu.memory_space<vmem_shared>>
        tpu.enqueue_indirect_dma source(%dma_start3A_148 : memref<32x128xf32, #tpu.memory_space<vmem>>) target(%dma_start3A_151 : memref<10000x128xf32, #tpu.memory_space<vmem_shared>>) offsets(%arg22 : memref<32xi32, #tpu.memory_space<vmem>>) semaphore(%run_scoped3A : memref<!tpu.dma_semaphore, #tpu.memory_space<semaphore_mem>>) {add = true}
        %dma_wait3A_152 = arith.constant 0 : i32
        %dma_wait3A_153 = arith.constant 0 : i32
        %dma_wait3A_154 = tpu.memref_slice %arg15[%dma_wait3A_152, %dma_wait3A_153] : memref<128x128xf32, #tpu.memory_space<vmem>> -> memref<32x128xf32, #tpu.memory_space<vmem>>
        %dma_wait3A_155 = arith.constant 0 : i32
        %dma_wait3A_156 = arith.constant 0 : i32
        %dma_wait3A_157 = tpu.memref_slice %arg9[%dma_wait3A_155, %dma_wait3A_156] : memref<10000x128xf32, #tpu.memory_space<vmem_shared>> -> memref<10000x128xf32, #tpu.memory_space<vmem_shared>>
        tpu.wait_indirect_dma semaphore(%run_scoped3A : memref<!tpu.dma_semaphore, #tpu.memory_space<semaphore_mem>>) src(%dma_wait3A_154 : memref<32x128xf32, #tpu.memory_space<vmem>>) dst(%dma_wait3A_157 : memref<10000x128xf32, #tpu.memory_space<vmem_shared>>)
        tpu.yield
      }) : () -> ()
      "tpu.region"() ({
        %run_scoped3A = tpu.sem_alloc : memref<!tpu.dma_semaphore, #tpu.memory_space<semaphore_mem>>
        %dma_start3A = arith.constant 0 : i32
        %dma_start3A_147 = tpu.memref_slice %arg17[%dma_start3A] : memref<128xf32, #tpu.memory_space<vmem>> -> memref<32xf32, #tpu.memory_space<vmem>>
        %dma_start3A_148 = arith.constant 0 : i32
        %dma_start3A_149 = tpu.memref_slice %arg10[%dma_start3A_148] : memref<10000xf32, #tpu.memory_space<vmem_shared>> -> memref<10000xf32, #tpu.memory_space<vmem_shared>>
        tpu.enqueue_indirect_dma source(%dma_start3A_147 : memref<32xf32, #tpu.memory_space<vmem>>) target(%dma_start3A_149 : memref<10000xf32, #tpu.memory_space<vmem_shared>>) offsets(%arg22 : memref<32xi32, #tpu.memory_space<vmem>>) semaphore(%run_scoped3A : memref<!tpu.dma_semaphore, #tpu.memory_space<semaphore_mem>>) {add = true}
        %dma_wait3A_150 = arith.constant 0 : i32
        %dma_wait3A_151 = tpu.memref_slice %arg17[%dma_wait3A_150] : memref<128xf32, #tpu.memory_space<vmem>> -> memref<32xf32, #tpu.memory_space<vmem>>
        %dma_wait3A_152 = arith.constant 0 : i32
        %dma_wait3A_153 = tpu.memref_slice %arg10[%dma_wait3A_152] : memref<10000xf32, #tpu.memory_space<vmem_shared>> -> memref<10000xf32, #tpu.memory_space<vmem_shared>>
        tpu.wait_indirect_dma semaphore(%run_scoped3A : memref<!tpu.dma_semaphore, #tpu.memory_space<semaphore_mem>>) src(%dma_wait3A_151 : memref<32xf32, #tpu.memory_space<vmem>>) dst(%dma_wait3A_153 : memref<10000xf32, #tpu.memory_space<vmem_shared>>)
        tpu.yield
      }) : () -> ()
    } else {
    }
    %barrier3A_136 = arith.constant 0 : index
    tpu.barrier barrier_id(%barrier3A_136)
    %eq3A_137 = arith.constant 0 : i32
    %eq3A_138 = arith.cmpi eq, %arg0, %eq3A_137 : i32
    %convert_element_type3A_139 = arith.extui %eq3A_138 : i1 to i32
    %cond3A_140 = arith.constant 0 : i32
    %cond3A_141 = arith.cmpi ne, %convert_element_type3A_139, %cond3A_140 : i32
    scf.if %cond3A_141 {
      "tpu.region"() ({
        %run_scoped3A = tpu.sem_alloc : memref<!tpu.dma_semaphore, #tpu.memory_space<semaphore_mem>>
        %dma_start3A = arith.constant 0 : i32
        %dma_start3A_152 = tpu.memref_slice %arg6[%mul3A_3, %dma_start3A] : memref<10000x128xf32, #tpu.memory_space<hbm>> -> memref<624x128xf32, #tpu.memory_space<hbm>>
        %dma_start3A_153 = arith.constant 0 : i32
        %dma_start3A_154 = tpu.memref_slice %arg9[%mul3A_3, %dma_start3A_153] : memref<10000x128xf32, #tpu.memory_space<vmem_shared>> -> memref<624x128xf32, #tpu.memory_space<vmem_shared>>
        tpu.enqueue_dma source(%dma_start3A_154 : memref<624x128xf32, #tpu.memory_space<vmem_shared>>) target(%dma_start3A_152 : memref<624x128xf32, #tpu.memory_space<hbm>>) target_semaphore(%run_scoped3A : memref<!tpu.dma_semaphore, #tpu.memory_space<semaphore_mem>>)
        %dma_wait3A_155 = arith.constant 0 : i32
        %dma_wait3A_156 = tpu.memref_slice %arg6[%mul3A_3, %dma_wait3A_155] : memref<10000x128xf32, #tpu.memory_space<hbm>> -> memref<624x128xf32, #tpu.memory_space<hbm>>
        %dma_wait3A_157 = arith.constant 0 : i32
        %dma_wait3A_158 = tpu.memref_slice %arg9[%mul3A_3, %dma_wait3A_157] : memref<10000x128xf32, #tpu.memory_space<vmem_shared>> -> memref<624x128xf32, #tpu.memory_space<vmem_shared>>
        tpu.wait_dma2 semaphore(%run_scoped3A : memref<!tpu.dma_semaphore, #tpu.memory_space<semaphore_mem>>) src(%dma_wait3A_158 : memref<624x128xf32, #tpu.memory_space<vmem_shared>>) dst(%dma_wait3A_156 : memref<624x128xf32, #tpu.memory_space<hbm>>)
        tpu.yield
      }) : () -> ()
      %eq3A_147 = arith.constant 15 : i32
      %eq3A_148 = arith.cmpi eq, %arg1, %eq3A_147 : i32
      %convert_element_type3A_149 = arith.extui %eq3A_148 : i1 to i32
      %cond3A_150 = arith.constant 0 : i32
      %cond3A_151 = arith.cmpi ne, %convert_element_type3A_149, %cond3A_150 : i32
      scf.if %cond3A_151 {
        "tpu.region"() ({
          %run_scoped3A = tpu.sem_alloc : memref<!tpu.dma_semaphore, #tpu.memory_space<semaphore_mem>>
          %dma_start3A = arith.constant 9984 : i32
          %dma_start3A_152 = arith.constant 0 : i32
          %dma_start3A_153 = tpu.memref_slice %arg6[%dma_start3A, %dma_start3A_152] : memref<10000x128xf32, #tpu.memory_space<hbm>> -> memref<16x128xf32, #tpu.memory_space<hbm>>
          %dma_start3A_154 = arith.constant 9984 : i32
          %dma_start3A_155 = arith.constant 0 : i32
          %dma_start3A_156 = tpu.memref_slice %arg9[%dma_start3A_154, %dma_start3A_155] : memref<10000x128xf32, #tpu.memory_space<vmem_shared>> -> memref<16x128xf32, #tpu.memory_space<vmem_shared>>
          tpu.enqueue_dma source(%dma_start3A_156 : memref<16x128xf32, #tpu.memory_space<vmem_shared>>) target(%dma_start3A_153 : memref<16x128xf32, #tpu.memory_space<hbm>>) target_semaphore(%run_scoped3A : memref<!tpu.dma_semaphore, #tpu.memory_space<semaphore_mem>>)
          %dma_wait3A_157 = arith.constant 9984 : i32
          %dma_wait3A_158 = arith.constant 0 : i32
          %dma_wait3A_159 = tpu.memref_slice %arg6[%dma_wait3A_157, %dma_wait3A_158] : memref<10000x128xf32, #tpu.memory_space<hbm>> -> memref<16x128xf32, #tpu.memory_space<hbm>>
          %dma_wait3A_160 = arith.constant 9984 : i32
          %dma_wait3A_161 = arith.constant 0 : i32
          %dma_wait3A_162 = tpu.memref_slice %arg9[%dma_wait3A_160, %dma_wait3A_161] : memref<10000x128xf32, #tpu.memory_space<vmem_shared>> -> memref<16x128xf32, #tpu.memory_space<vmem_shared>>
          tpu.wait_dma2 semaphore(%run_scoped3A : memref<!tpu.dma_semaphore, #tpu.memory_space<semaphore_mem>>) src(%dma_wait3A_162 : memref<16x128xf32, #tpu.memory_space<vmem_shared>>) dst(%dma_wait3A_159 : memref<16x128xf32, #tpu.memory_space<hbm>>)
          tpu.yield
        }) : () -> ()
      } else {
      }
    } else {
    }
    %eq3A_142 = arith.constant 1 : i32
    %eq3A_143 = arith.cmpi eq, %arg0, %eq3A_142 : i32
    %convert_element_type3A_144 = arith.extui %eq3A_143 : i1 to i32
    %cond3A_145 = arith.constant 0 : i32
    %cond3A_146 = arith.cmpi ne, %convert_element_type3A_144, %cond3A_145 : i32
    scf.if %cond3A_146 {
      "tpu.region"() ({
        %run_scoped3A = tpu.sem_alloc : memref<!tpu.dma_semaphore, #tpu.memory_space<semaphore_mem>>
        %dma_start3A = arith.constant 0 : i32
        %dma_start3A_162 = tpu.memref_slice %arg7[%mul3A_3, %dma_start3A] : memref<10000x128xf32, #tpu.memory_space<hbm>> -> memref<624x128xf32, #tpu.memory_space<hbm>>
        %dma_start3A_163 = arith.constant 0 : i32
        %dma_start3A_164 = tpu.memref_slice %arg9[%mul3A_3, %dma_start3A_163] : memref<10000x128xf32, #tpu.memory_space<vmem_shared>> -> memref<624x128xf32, #tpu.memory_space<vmem_shared>>
        tpu.enqueue_dma source(%dma_start3A_164 : memref<624x128xf32, #tpu.memory_space<vmem_shared>>) target(%dma_start3A_162 : memref<624x128xf32, #tpu.memory_space<hbm>>) target_semaphore(%run_scoped3A : memref<!tpu.dma_semaphore, #tpu.memory_space<semaphore_mem>>)
        %dma_wait3A_165 = arith.constant 0 : i32
        %dma_wait3A_166 = tpu.memref_slice %arg7[%mul3A_3, %dma_wait3A_165] : memref<10000x128xf32, #tpu.memory_space<hbm>> -> memref<624x128xf32, #tpu.memory_space<hbm>>
        %dma_wait3A_167 = arith.constant 0 : i32
        %dma_wait3A_168 = tpu.memref_slice %arg9[%mul3A_3, %dma_wait3A_167] : memref<10000x128xf32, #tpu.memory_space<vmem_shared>> -> memref<624x128xf32, #tpu.memory_space<vmem_shared>>
        tpu.wait_dma2 semaphore(%run_scoped3A : memref<!tpu.dma_semaphore, #tpu.memory_space<semaphore_mem>>) src(%dma_wait3A_168 : memref<624x128xf32, #tpu.memory_space<vmem_shared>>) dst(%dma_wait3A_166 : memref<624x128xf32, #tpu.memory_space<hbm>>)
        tpu.yield
      }) : () -> ()
      %add3A_147 = arith.constant 0 : i32
      %add3A_148 = arith.addi %mul3A_3, %add3A_147 : i32
      "tpu.region"() ({
        %run_scoped3A = tpu.sem_alloc : memref<!tpu.dma_semaphore, #tpu.memory_space<semaphore_mem>>
        %dma_start3A = arith.constant 0 : i32
        %dma_start3A_162 = tpu.memref_slice %arg18[%dma_start3A] : memref<128xf32, #tpu.memory_space<vmem>> -> memref<128xf32, #tpu.memory_space<vmem>>
        %dma_start3A_163 = tpu.memref_slice %arg10[%add3A_148] : memref<10000xf32, #tpu.memory_space<vmem_shared>> -> memref<128xf32, #tpu.memory_space<vmem_shared>>
        %dma_start3A_164 = arith.constant 0 : i32
        %dma_start3A_165 = tpu.memref_slice %arg18[%dma_start3A_164] : memref<128xf32, #tpu.memory_space<vmem>> -> memref<128xf32, #tpu.memory_space<vmem>>
        %dma_start3A_166 = tpu.memref_slice %arg10[%add3A_148] : memref<10000xf32, #tpu.memory_space<vmem_shared>> -> memref<128xf32, #tpu.memory_space<vmem_shared>>
        tpu.enqueue_dma source(%dma_start3A_166 : memref<128xf32, #tpu.memory_space<vmem_shared>>) target(%dma_start3A_165 : memref<128xf32, #tpu.memory_space<vmem>>) target_semaphore(%run_scoped3A : memref<!tpu.dma_semaphore, #tpu.memory_space<semaphore_mem>>)
        %dma_wait3A_167 = arith.constant 0 : i32
        %dma_wait3A_168 = tpu.memref_slice %arg18[%dma_wait3A_167] : memref<128xf32, #tpu.memory_space<vmem>> -> memref<128xf32, #tpu.memory_space<vmem>>
        %dma_wait3A_169 = tpu.memref_slice %arg10[%add3A_148] : memref<10000xf32, #tpu.memory_space<vmem_shared>> -> memref<128xf32, #tpu.memory_space<vmem_shared>>
        %dma_wait3A_170 = arith.constant 0 : i32
        %dma_wait3A_171 = tpu.memref_slice %arg18[%dma_wait3A_170] : memref<128xf32, #tpu.memory_space<vmem>> -> memref<128xf32, #tpu.memory_space<vmem>>
        %dma_wait3A_172 = tpu.memref_slice %arg10[%add3A_148] : memref<10000xf32, #tpu.memory_space<vmem_shared>> -> memref<128xf32, #tpu.memory_space<vmem_shared>>
        tpu.wait_dma2 semaphore(%run_scoped3A : memref<!tpu.dma_semaphore, #tpu.memory_space<semaphore_mem>>) src(%dma_wait3A_172 : memref<128xf32, #tpu.memory_space<vmem_shared>>) dst(%dma_wait3A_171 : memref<128xf32, #tpu.memory_space<vmem>>)
        tpu.yield
      }) : () -> ()
      "tpu.region"() ({
        %run_scoped3A = tpu.sem_alloc : memref<!tpu.dma_semaphore, #tpu.memory_space<semaphore_mem>>
        %dma_start3A = arith.constant 0 : i32
        %dma_start3A_162 = tpu.memref_slice %arg18[%dma_start3A] : memref<128xf32, #tpu.memory_space<vmem>> -> memref<128xf32, #tpu.memory_space<vmem>>
        %dma_start3A_163 = tpu.memref_slice %arg8[%add3A_148] : memref<10000xf32, #tpu.memory_space<hbm>> -> memref<128xf32, #tpu.memory_space<hbm>>
        %dma_start3A_164 = tpu.memref_slice %arg8[%add3A_148] : memref<10000xf32, #tpu.memory_space<hbm>> -> memref<128xf32, #tpu.memory_space<hbm>>
        %dma_start3A_165 = arith.constant 0 : i32
        %dma_start3A_166 = tpu.memref_slice %arg18[%dma_start3A_165] : memref<128xf32, #tpu.memory_space<vmem>> -> memref<128xf32, #tpu.memory_space<vmem>>
        tpu.enqueue_dma source(%dma_start3A_166 : memref<128xf32, #tpu.memory_space<vmem>>) target(%dma_start3A_164 : memref<128xf32, #tpu.memory_space<hbm>>) target_semaphore(%run_scoped3A : memref<!tpu.dma_semaphore, #tpu.memory_space<semaphore_mem>>)
        %dma_wait3A_167 = arith.constant 0 : i32
        %dma_wait3A_168 = tpu.memref_slice %arg18[%dma_wait3A_167] : memref<128xf32, #tpu.memory_space<vmem>> -> memref<128xf32, #tpu.memory_space<vmem>>
        %dma_wait3A_169 = tpu.memref_slice %arg8[%add3A_148] : memref<10000xf32, #tpu.memory_space<hbm>> -> memref<128xf32, #tpu.memory_space<hbm>>
        %dma_wait3A_170 = tpu.memref_slice %arg8[%add3A_148] : memref<10000xf32, #tpu.memory_space<hbm>> -> memref<128xf32, #tpu.memory_space<hbm>>
        %dma_wait3A_171 = arith.constant 0 : i32
        %dma_wait3A_172 = tpu.memref_slice %arg18[%dma_wait3A_171] : memref<128xf32, #tpu.memory_space<vmem>> -> memref<128xf32, #tpu.memory_space<vmem>>
        tpu.wait_dma2 semaphore(%run_scoped3A : memref<!tpu.dma_semaphore, #tpu.memory_space<semaphore_mem>>) src(%dma_wait3A_172 : memref<128xf32, #tpu.memory_space<vmem>>) dst(%dma_wait3A_170 : memref<128xf32, #tpu.memory_space<hbm>>)
        tpu.yield
      }) : () -> ()
      %add3A_149 = arith.constant 128 : i32
      %add3A_150 = arith.addi %mul3A_3, %add3A_149 : i32
      "tpu.region"() ({
        %run_scoped3A = tpu.sem_alloc : memref<!tpu.dma_semaphore, #tpu.memory_space<semaphore_mem>>
        %dma_start3A = arith.constant 0 : i32
        %dma_start3A_162 = tpu.memref_slice %arg18[%dma_start3A] : memref<128xf32, #tpu.memory_space<vmem>> -> memref<128xf32, #tpu.memory_space<vmem>>
        %dma_start3A_163 = tpu.memref_slice %arg10[%add3A_150] : memref<10000xf32, #tpu.memory_space<vmem_shared>> -> memref<128xf32, #tpu.memory_space<vmem_shared>>
        %dma_start3A_164 = arith.constant 0 : i32
        %dma_start3A_165 = tpu.memref_slice %arg18[%dma_start3A_164] : memref<128xf32, #tpu.memory_space<vmem>> -> memref<128xf32, #tpu.memory_space<vmem>>
        %dma_start3A_166 = tpu.memref_slice %arg10[%add3A_150] : memref<10000xf32, #tpu.memory_space<vmem_shared>> -> memref<128xf32, #tpu.memory_space<vmem_shared>>
        tpu.enqueue_dma source(%dma_start3A_166 : memref<128xf32, #tpu.memory_space<vmem_shared>>) target(%dma_start3A_165 : memref<128xf32, #tpu.memory_space<vmem>>) target_semaphore(%run_scoped3A : memref<!tpu.dma_semaphore, #tpu.memory_space<semaphore_mem>>)
        %dma_wait3A_167 = arith.constant 0 : i32
        %dma_wait3A_168 = tpu.memref_slice %arg18[%dma_wait3A_167] : memref<128xf32, #tpu.memory_space<vmem>> -> memref<128xf32, #tpu.memory_space<vmem>>
        %dma_wait3A_169 = tpu.memref_slice %arg10[%add3A_150] : memref<10000xf32, #tpu.memory_space<vmem_shared>> -> memref<128xf32, #tpu.memory_space<vmem_shared>>
        %dma_wait3A_170 = arith.constant 0 : i32
        %dma_wait3A_171 = tpu.memref_slice %arg18[%dma_wait3A_170] : memref<128xf32, #tpu.memory_space<vmem>> -> memref<128xf32, #tpu.memory_space<vmem>>
        %dma_wait3A_172 = tpu.memref_slice %arg10[%add3A_150] : memref<10000xf32, #tpu.memory_space<vmem_shared>> -> memref<128xf32, #tpu.memory_space<vmem_shared>>
        tpu.wait_dma2 semaphore(%run_scoped3A : memref<!tpu.dma_semaphore, #tpu.memory_space<semaphore_mem>>) src(%dma_wait3A_172 : memref<128xf32, #tpu.memory_space<vmem_shared>>) dst(%dma_wait3A_171 : memref<128xf32, #tpu.memory_space<vmem>>)
        tpu.yield
      }) : () -> ()
      "tpu.region"() ({
        %run_scoped3A = tpu.sem_alloc : memref<!tpu.dma_semaphore, #tpu.memory_space<semaphore_mem>>
        %dma_start3A = arith.constant 0 : i32
        %dma_start3A_162 = tpu.memref_slice %arg18[%dma_start3A] : memref<128xf32, #tpu.memory_space<vmem>> -> memref<128xf32, #tpu.memory_space<vmem>>
        %dma_start3A_163 = tpu.memref_slice %arg8[%add3A_150] : memref<10000xf32, #tpu.memory_space<hbm>> -> memref<128xf32, #tpu.memory_space<hbm>>
        %dma_start3A_164 = tpu.memref_slice %arg8[%add3A_150] : memref<10000xf32, #tpu.memory_space<hbm>> -> memref<128xf32, #tpu.memory_space<hbm>>
        %dma_start3A_165 = arith.constant 0 : i32
        %dma_start3A_166 = tpu.memref_slice %arg18[%dma_start3A_165] : memref<128xf32, #tpu.memory_space<vmem>> -> memref<128xf32, #tpu.memory_space<vmem>>
        tpu.enqueue_dma source(%dma_start3A_166 : memref<128xf32, #tpu.memory_space<vmem>>) target(%dma_start3A_164 : memref<128xf32, #tpu.memory_space<hbm>>) target_semaphore(%run_scoped3A : memref<!tpu.dma_semaphore, #tpu.memory_space<semaphore_mem>>)
        %dma_wait3A_167 = arith.constant 0 : i32
        %dma_wait3A_168 = tpu.memref_slice %arg18[%dma_wait3A_167] : memref<128xf32, #tpu.memory_space<vmem>> -> memref<128xf32, #tpu.memory_space<vmem>>
        %dma_wait3A_169 = tpu.memref_slice %arg8[%add3A_150] : memref<10000xf32, #tpu.memory_space<hbm>> -> memref<128xf32, #tpu.memory_space<hbm>>
        %dma_wait3A_170 = tpu.memref_slice %arg8[%add3A_150] : memref<10000xf32, #tpu.memory_space<hbm>> -> memref<128xf32, #tpu.memory_space<hbm>>
        %dma_wait3A_171 = arith.constant 0 : i32
        %dma_wait3A_172 = tpu.memref_slice %arg18[%dma_wait3A_171] : memref<128xf32, #tpu.memory_space<vmem>> -> memref<128xf32, #tpu.memory_space<vmem>>
        tpu.wait_dma2 semaphore(%run_scoped3A : memref<!tpu.dma_semaphore, #tpu.memory_space<semaphore_mem>>) src(%dma_wait3A_172 : memref<128xf32, #tpu.memory_space<vmem>>) dst(%dma_wait3A_170 : memref<128xf32, #tpu.memory_space<hbm>>)
        tpu.yield
      }) : () -> ()
      %add3A_151 = arith.constant 256 : i32
      %add3A_152 = arith.addi %mul3A_3, %add3A_151 : i32
      "tpu.region"() ({
        %run_scoped3A = tpu.sem_alloc : memref<!tpu.dma_semaphore, #tpu.memory_space<semaphore_mem>>
        %dma_start3A = arith.constant 0 : i32
        %dma_start3A_162 = tpu.memref_slice %arg18[%dma_start3A] : memref<128xf32, #tpu.memory_space<vmem>> -> memref<128xf32, #tpu.memory_space<vmem>>
        %dma_start3A_163 = tpu.memref_slice %arg10[%add3A_152] : memref<10000xf32, #tpu.memory_space<vmem_shared>> -> memref<128xf32, #tpu.memory_space<vmem_shared>>
        %dma_start3A_164 = arith.constant 0 : i32
        %dma_start3A_165 = tpu.memref_slice %arg18[%dma_start3A_164] : memref<128xf32, #tpu.memory_space<vmem>> -> memref<128xf32, #tpu.memory_space<vmem>>
        %dma_start3A_166 = tpu.memref_slice %arg10[%add3A_152] : memref<10000xf32, #tpu.memory_space<vmem_shared>> -> memref<128xf32, #tpu.memory_space<vmem_shared>>
        tpu.enqueue_dma source(%dma_start3A_166 : memref<128xf32, #tpu.memory_space<vmem_shared>>) target(%dma_start3A_165 : memref<128xf32, #tpu.memory_space<vmem>>) target_semaphore(%run_scoped3A : memref<!tpu.dma_semaphore, #tpu.memory_space<semaphore_mem>>)
        %dma_wait3A_167 = arith.constant 0 : i32
        %dma_wait3A_168 = tpu.memref_slice %arg18[%dma_wait3A_167] : memref<128xf32, #tpu.memory_space<vmem>> -> memref<128xf32, #tpu.memory_space<vmem>>
        %dma_wait3A_169 = tpu.memref_slice %arg10[%add3A_152] : memref<10000xf32, #tpu.memory_space<vmem_shared>> -> memref<128xf32, #tpu.memory_space<vmem_shared>>
        %dma_wait3A_170 = arith.constant 0 : i32
        %dma_wait3A_171 = tpu.memref_slice %arg18[%dma_wait3A_170] : memref<128xf32, #tpu.memory_space<vmem>> -> memref<128xf32, #tpu.memory_space<vmem>>
        %dma_wait3A_172 = tpu.memref_slice %arg10[%add3A_152] : memref<10000xf32, #tpu.memory_space<vmem_shared>> -> memref<128xf32, #tpu.memory_space<vmem_shared>>
        tpu.wait_dma2 semaphore(%run_scoped3A : memref<!tpu.dma_semaphore, #tpu.memory_space<semaphore_mem>>) src(%dma_wait3A_172 : memref<128xf32, #tpu.memory_space<vmem_shared>>) dst(%dma_wait3A_171 : memref<128xf32, #tpu.memory_space<vmem>>)
        tpu.yield
      }) : () -> ()
      "tpu.region"() ({
        %run_scoped3A = tpu.sem_alloc : memref<!tpu.dma_semaphore, #tpu.memory_space<semaphore_mem>>
        %dma_start3A = arith.constant 0 : i32
        %dma_start3A_162 = tpu.memref_slice %arg18[%dma_start3A] : memref<128xf32, #tpu.memory_space<vmem>> -> memref<128xf32, #tpu.memory_space<vmem>>
        %dma_start3A_163 = tpu.memref_slice %arg8[%add3A_152] : memref<10000xf32, #tpu.memory_space<hbm>> -> memref<128xf32, #tpu.memory_space<hbm>>
        %dma_start3A_164 = tpu.memref_slice %arg8[%add3A_152] : memref<10000xf32, #tpu.memory_space<hbm>> -> memref<128xf32, #tpu.memory_space<hbm>>
        %dma_start3A_165 = arith.constant 0 : i32
        %dma_start3A_166 = tpu.memref_slice %arg18[%dma_start3A_165] : memref<128xf32, #tpu.memory_space<vmem>> -> memref<128xf32, #tpu.memory_space<vmem>>
        tpu.enqueue_dma source(%dma_start3A_166 : memref<128xf32, #tpu.memory_space<vmem>>) target(%dma_start3A_164 : memref<128xf32, #tpu.memory_space<hbm>>) target_semaphore(%run_scoped3A : memref<!tpu.dma_semaphore, #tpu.memory_space<semaphore_mem>>)
        %dma_wait3A_167 = arith.constant 0 : i32
        %dma_wait3A_168 = tpu.memref_slice %arg18[%dma_wait3A_167] : memref<128xf32, #tpu.memory_space<vmem>> -> memref<128xf32, #tpu.memory_space<vmem>>
        %dma_wait3A_169 = tpu.memref_slice %arg8[%add3A_152] : memref<10000xf32, #tpu.memory_space<hbm>> -> memref<128xf32, #tpu.memory_space<hbm>>
        %dma_wait3A_170 = tpu.memref_slice %arg8[%add3A_152] : memref<10000xf32, #tpu.memory_space<hbm>> -> memref<128xf32, #tpu.memory_space<hbm>>
        %dma_wait3A_171 = arith.constant 0 : i32
        %dma_wait3A_172 = tpu.memref_slice %arg18[%dma_wait3A_171] : memref<128xf32, #tpu.memory_space<vmem>> -> memref<128xf32, #tpu.memory_space<vmem>>
        tpu.wait_dma2 semaphore(%run_scoped3A : memref<!tpu.dma_semaphore, #tpu.memory_space<semaphore_mem>>) src(%dma_wait3A_172 : memref<128xf32, #tpu.memory_space<vmem>>) dst(%dma_wait3A_170 : memref<128xf32, #tpu.memory_space<hbm>>)
        tpu.yield
      }) : () -> ()
      %add3A_153 = arith.constant 384 : i32
      %add3A_154 = arith.addi %mul3A_3, %add3A_153 : i32
      "tpu.region"() ({
        %run_scoped3A = tpu.sem_alloc : memref<!tpu.dma_semaphore, #tpu.memory_space<semaphore_mem>>
        %dma_start3A = arith.constant 0 : i32
        %dma_start3A_162 = tpu.memref_slice %arg18[%dma_start3A] : memref<128xf32, #tpu.memory_space<vmem>> -> memref<128xf32, #tpu.memory_space<vmem>>
        %dma_start3A_163 = tpu.memref_slice %arg10[%add3A_154] : memref<10000xf32, #tpu.memory_space<vmem_shared>> -> memref<128xf32, #tpu.memory_space<vmem_shared>>
        %dma_start3A_164 = arith.constant 0 : i32
        %dma_start3A_165 = tpu.memref_slice %arg18[%dma_start3A_164] : memref<128xf32, #tpu.memory_space<vmem>> -> memref<128xf32, #tpu.memory_space<vmem>>
        %dma_start3A_166 = tpu.memref_slice %arg10[%add3A_154] : memref<10000xf32, #tpu.memory_space<vmem_shared>> -> memref<128xf32, #tpu.memory_space<vmem_shared>>
        tpu.enqueue_dma source(%dma_start3A_166 : memref<128xf32, #tpu.memory_space<vmem_shared>>) target(%dma_start3A_165 : memref<128xf32, #tpu.memory_space<vmem>>) target_semaphore(%run_scoped3A : memref<!tpu.dma_semaphore, #tpu.memory_space<semaphore_mem>>)
        %dma_wait3A_167 = arith.constant 0 : i32
        %dma_wait3A_168 = tpu.memref_slice %arg18[%dma_wait3A_167] : memref<128xf32, #tpu.memory_space<vmem>> -> memref<128xf32, #tpu.memory_space<vmem>>
        %dma_wait3A_169 = tpu.memref_slice %arg10[%add3A_154] : memref<10000xf32, #tpu.memory_space<vmem_shared>> -> memref<128xf32, #tpu.memory_space<vmem_shared>>
        %dma_wait3A_170 = arith.constant 0 : i32
        %dma_wait3A_171 = tpu.memref_slice %arg18[%dma_wait3A_170] : memref<128xf32, #tpu.memory_space<vmem>> -> memref<128xf32, #tpu.memory_space<vmem>>
        %dma_wait3A_172 = tpu.memref_slice %arg10[%add3A_154] : memref<10000xf32, #tpu.memory_space<vmem_shared>> -> memref<128xf32, #tpu.memory_space<vmem_shared>>
        tpu.wait_dma2 semaphore(%run_scoped3A : memref<!tpu.dma_semaphore, #tpu.memory_space<semaphore_mem>>) src(%dma_wait3A_172 : memref<128xf32, #tpu.memory_space<vmem_shared>>) dst(%dma_wait3A_171 : memref<128xf32, #tpu.memory_space<vmem>>)
        tpu.yield
      }) : () -> ()
      "tpu.region"() ({
        %run_scoped3A = tpu.sem_alloc : memref<!tpu.dma_semaphore, #tpu.memory_space<semaphore_mem>>
        %dma_start3A = arith.constant 0 : i32
        %dma_start3A_162 = tpu.memref_slice %arg18[%dma_start3A] : memref<128xf32, #tpu.memory_space<vmem>> -> memref<128xf32, #tpu.memory_space<vmem>>
        %dma_start3A_163 = tpu.memref_slice %arg8[%add3A_154] : memref<10000xf32, #tpu.memory_space<hbm>> -> memref<128xf32, #tpu.memory_space<hbm>>
        %dma_start3A_164 = tpu.memref_slice %arg8[%add3A_154] : memref<10000xf32, #tpu.memory_space<hbm>> -> memref<128xf32, #tpu.memory_space<hbm>>
        %dma_start3A_165 = arith.constant 0 : i32
        %dma_start3A_166 = tpu.memref_slice %arg18[%dma_start3A_165] : memref<128xf32, #tpu.memory_space<vmem>> -> memref<128xf32, #tpu.memory_space<vmem>>
        tpu.enqueue_dma source(%dma_start3A_166 : memref<128xf32, #tpu.memory_space<vmem>>) target(%dma_start3A_164 : memref<128xf32, #tpu.memory_space<hbm>>) target_semaphore(%run_scoped3A : memref<!tpu.dma_semaphore, #tpu.memory_space<semaphore_mem>>)
        %dma_wait3A_167 = arith.constant 0 : i32
        %dma_wait3A_168 = tpu.memref_slice %arg18[%dma_wait3A_167] : memref<128xf32, #tpu.memory_space<vmem>> -> memref<128xf32, #tpu.memory_space<vmem>>
        %dma_wait3A_169 = tpu.memref_slice %arg8[%add3A_154] : memref<10000xf32, #tpu.memory_space<hbm>> -> memref<128xf32, #tpu.memory_space<hbm>>
        %dma_wait3A_170 = tpu.memref_slice %arg8[%add3A_154] : memref<10000xf32, #tpu.memory_space<hbm>> -> memref<128xf32, #tpu.memory_space<hbm>>
        %dma_wait3A_171 = arith.constant 0 : i32
        %dma_wait3A_172 = tpu.memref_slice %arg18[%dma_wait3A_171] : memref<128xf32, #tpu.memory_space<vmem>> -> memref<128xf32, #tpu.memory_space<vmem>>
        tpu.wait_dma2 semaphore(%run_scoped3A : memref<!tpu.dma_semaphore, #tpu.memory_space<semaphore_mem>>) src(%dma_wait3A_172 : memref<128xf32, #tpu.memory_space<vmem>>) dst(%dma_wait3A_170 : memref<128xf32, #tpu.memory_space<hbm>>)
        tpu.yield
      }) : () -> ()
      %add3A_155 = arith.constant 512 : i32
      %add3A_156 = arith.addi %mul3A_3, %add3A_155 : i32
      "tpu.region"() ({
        %run_scoped3A = tpu.sem_alloc : memref<!tpu.dma_semaphore, #tpu.memory_space<semaphore_mem>>
        %dma_start3A = arith.constant 0 : i32
        %dma_start3A_162 = tpu.memref_slice %arg18[%dma_start3A] : memref<128xf32, #tpu.memory_space<vmem>> -> memref<112xf32, #tpu.memory_space<vmem>>
        %dma_start3A_163 = tpu.memref_slice %arg10[%add3A_156] : memref<10000xf32, #tpu.memory_space<vmem_shared>> -> memref<112xf32, #tpu.memory_space<vmem_shared>>
        %dma_start3A_164 = arith.constant 0 : i32
        %dma_start3A_165 = tpu.memref_slice %arg18[%dma_start3A_164] : memref<128xf32, #tpu.memory_space<vmem>> -> memref<112xf32, #tpu.memory_space<vmem>>
        %dma_start3A_166 = tpu.memref_slice %arg10[%add3A_156] : memref<10000xf32, #tpu.memory_space<vmem_shared>> -> memref<112xf32, #tpu.memory_space<vmem_shared>>
        tpu.enqueue_dma source(%dma_start3A_166 : memref<112xf32, #tpu.memory_space<vmem_shared>>) target(%dma_start3A_165 : memref<112xf32, #tpu.memory_space<vmem>>) target_semaphore(%run_scoped3A : memref<!tpu.dma_semaphore, #tpu.memory_space<semaphore_mem>>)
        %dma_wait3A_167 = arith.constant 0 : i32
        %dma_wait3A_168 = tpu.memref_slice %arg18[%dma_wait3A_167] : memref<128xf32, #tpu.memory_space<vmem>> -> memref<112xf32, #tpu.memory_space<vmem>>
        %dma_wait3A_169 = tpu.memref_slice %arg10[%add3A_156] : memref<10000xf32, #tpu.memory_space<vmem_shared>> -> memref<112xf32, #tpu.memory_space<vmem_shared>>
        %dma_wait3A_170 = arith.constant 0 : i32
        %dma_wait3A_171 = tpu.memref_slice %arg18[%dma_wait3A_170] : memref<128xf32, #tpu.memory_space<vmem>> -> memref<112xf32, #tpu.memory_space<vmem>>
        %dma_wait3A_172 = tpu.memref_slice %arg10[%add3A_156] : memref<10000xf32, #tpu.memory_space<vmem_shared>> -> memref<112xf32, #tpu.memory_space<vmem_shared>>
        tpu.wait_dma2 semaphore(%run_scoped3A : memref<!tpu.dma_semaphore, #tpu.memory_space<semaphore_mem>>) src(%dma_wait3A_172 : memref<112xf32, #tpu.memory_space<vmem_shared>>) dst(%dma_wait3A_171 : memref<112xf32, #tpu.memory_space<vmem>>)
        tpu.yield
      }) : () -> ()
      "tpu.region"() ({
        %run_scoped3A = tpu.sem_alloc : memref<!tpu.dma_semaphore, #tpu.memory_space<semaphore_mem>>
        %dma_start3A = arith.constant 0 : i32
        %dma_start3A_162 = tpu.memref_slice %arg18[%dma_start3A] : memref<128xf32, #tpu.memory_space<vmem>> -> memref<112xf32, #tpu.memory_space<vmem>>
        %dma_start3A_163 = tpu.memref_slice %arg8[%add3A_156] : memref<10000xf32, #tpu.memory_space<hbm>> -> memref<112xf32, #tpu.memory_space<hbm>>
        %dma_start3A_164 = tpu.memref_slice %arg8[%add3A_156] : memref<10000xf32, #tpu.memory_space<hbm>> -> memref<112xf32, #tpu.memory_space<hbm>>
        %dma_start3A_165 = arith.constant 0 : i32
        %dma_start3A_166 = tpu.memref_slice %arg18[%dma_start3A_165] : memref<128xf32, #tpu.memory_space<vmem>> -> memref<112xf32, #tpu.memory_space<vmem>>
        tpu.enqueue_dma source(%dma_start3A_166 : memref<112xf32, #tpu.memory_space<vmem>>) target(%dma_start3A_164 : memref<112xf32, #tpu.memory_space<hbm>>) target_semaphore(%run_scoped3A : memref<!tpu.dma_semaphore, #tpu.memory_space<semaphore_mem>>)
        %dma_wait3A_167 = arith.constant 0 : i32
        %dma_wait3A_168 = tpu.memref_slice %arg18[%dma_wait3A_167] : memref<128xf32, #tpu.memory_space<vmem>> -> memref<112xf32, #tpu.memory_space<vmem>>
        %dma_wait3A_169 = tpu.memref_slice %arg8[%add3A_156] : memref<10000xf32, #tpu.memory_space<hbm>> -> memref<112xf32, #tpu.memory_space<hbm>>
        %dma_wait3A_170 = tpu.memref_slice %arg8[%add3A_156] : memref<10000xf32, #tpu.memory_space<hbm>> -> memref<112xf32, #tpu.memory_space<hbm>>
        %dma_wait3A_171 = arith.constant 0 : i32
        %dma_wait3A_172 = tpu.memref_slice %arg18[%dma_wait3A_171] : memref<128xf32, #tpu.memory_space<vmem>> -> memref<112xf32, #tpu.memory_space<vmem>>
        tpu.wait_dma2 semaphore(%run_scoped3A : memref<!tpu.dma_semaphore, #tpu.memory_space<semaphore_mem>>) src(%dma_wait3A_172 : memref<112xf32, #tpu.memory_space<vmem>>) dst(%dma_wait3A_170 : memref<112xf32, #tpu.memory_space<hbm>>)
        tpu.yield
      }) : () -> ()
      %eq3A_157 = arith.constant 15 : i32
      %eq3A_158 = arith.cmpi eq, %arg1, %eq3A_157 : i32
      %convert_element_type3A_159 = arith.extui %eq3A_158 : i1 to i32
      %cond3A_160 = arith.constant 0 : i32
      %cond3A_161 = arith.cmpi ne, %convert_element_type3A_159, %cond3A_160 : i32
      scf.if %cond3A_161 {
        "tpu.region"() ({
          %run_scoped3A = tpu.sem_alloc : memref<!tpu.dma_semaphore, #tpu.memory_space<semaphore_mem>>
          %dma_start3A = arith.constant 9984 : i32
          %dma_start3A_162 = arith.constant 0 : i32
          %dma_start3A_163 = tpu.memref_slice %arg7[%dma_start3A, %dma_start3A_162] : memref<10000x128xf32, #tpu.memory_space<hbm>> -> memref<16x128xf32, #tpu.memory_space<hbm>>
          %dma_start3A_164 = arith.constant 9984 : i32
          %dma_start3A_165 = arith.constant 0 : i32
          %dma_start3A_166 = tpu.memref_slice %arg9[%dma_start3A_164, %dma_start3A_165] : memref<10000x128xf32, #tpu.memory_space<vmem_shared>> -> memref<16x128xf32, #tpu.memory_space<vmem_shared>>
          tpu.enqueue_dma source(%dma_start3A_166 : memref<16x128xf32, #tpu.memory_space<vmem_shared>>) target(%dma_start3A_163 : memref<16x128xf32, #tpu.memory_space<hbm>>) target_semaphore(%run_scoped3A : memref<!tpu.dma_semaphore, #tpu.memory_space<semaphore_mem>>)
          %dma_wait3A_167 = arith.constant 9984 : i32
          %dma_wait3A_168 = arith.constant 0 : i32
          %dma_wait3A_169 = tpu.memref_slice %arg7[%dma_wait3A_167, %dma_wait3A_168] : memref<10000x128xf32, #tpu.memory_space<hbm>> -> memref<16x128xf32, #tpu.memory_space<hbm>>
          %dma_wait3A_170 = arith.constant 9984 : i32
          %dma_wait3A_171 = arith.constant 0 : i32
          %dma_wait3A_172 = tpu.memref_slice %arg9[%dma_wait3A_170, %dma_wait3A_171] : memref<10000x128xf32, #tpu.memory_space<vmem_shared>> -> memref<16x128xf32, #tpu.memory_space<vmem_shared>>
          tpu.wait_dma2 semaphore(%run_scoped3A : memref<!tpu.dma_semaphore, #tpu.memory_space<semaphore_mem>>) src(%dma_wait3A_172 : memref<16x128xf32, #tpu.memory_space<vmem_shared>>) dst(%dma_wait3A_169 : memref<16x128xf32, #tpu.memory_space<hbm>>)
          tpu.yield
        }) : () -> ()
        "tpu.region"() ({
          %run_scoped3A = tpu.sem_alloc : memref<!tpu.dma_semaphore, #tpu.memory_space<semaphore_mem>>
          %dma_start3A = arith.constant 0 : i32
          %dma_start3A_162 = tpu.memref_slice %arg18[%dma_start3A] : memref<128xf32, #tpu.memory_space<vmem>> -> memref<16xf32, #tpu.memory_space<vmem>>
          %dma_start3A_163 = arith.constant 9984 : i32
          %dma_start3A_164 = tpu.memref_slice %arg10[%dma_start3A_163] : memref<10000xf32, #tpu.memory_space<vmem_shared>> -> memref<16xf32, #tpu.memory_space<vmem_shared>>
          %dma_start3A_165 = arith.constant 0 : i32
          %dma_start3A_166 = tpu.memref_slice %arg18[%dma_start3A_165] : memref<128xf32, #tpu.memory_space<vmem>> -> memref<16xf32, #tpu.memory_space<vmem>>
          %dma_start3A_167 = arith.constant 9984 : i32
          %dma_start3A_168 = tpu.memref_slice %arg10[%dma_start3A_167] : memref<10000xf32, #tpu.memory_space<vmem_shared>> -> memref<16xf32, #tpu.memory_space<vmem_shared>>
          tpu.enqueue_dma source(%dma_start3A_168 : memref<16xf32, #tpu.memory_space<vmem_shared>>) target(%dma_start3A_166 : memref<16xf32, #tpu.memory_space<vmem>>) target_semaphore(%run_scoped3A : memref<!tpu.dma_semaphore, #tpu.memory_space<semaphore_mem>>)
          %dma_wait3A_169 = arith.constant 0 : i32
          %dma_wait3A_170 = tpu.memref_slice %arg18[%dma_wait3A_169] : memref<128xf32, #tpu.memory_space<vmem>> -> memref<16xf32, #tpu.memory_space<vmem>>
          %dma_wait3A_171 = arith.constant 9984 : i32
          %dma_wait3A_172 = tpu.memref_slice %arg10[%dma_wait3A_171] : memref<10000xf32, #tpu.memory_space<vmem_shared>> -> memref<16xf32, #tpu.memory_space<vmem_shared>>
          %dma_wait3A_173 = arith.constant 0 : i32
          %dma_wait3A_174 = tpu.memref_slice %arg18[%dma_wait3A_173] : memref<128xf32, #tpu.memory_space<vmem>> -> memref<16xf32, #tpu.memory_space<vmem>>
          %dma_wait3A_175 = arith.constant 9984 : i32
          %dma_wait3A_176 = tpu.memref_slice %arg10[%dma_wait3A_175] : memref<10000xf32, #tpu.memory_space<vmem_shared>> -> memref<16xf32, #tpu.memory_space<vmem_shared>>
          tpu.wait_dma2 semaphore(%run_scoped3A : memref<!tpu.dma_semaphore, #tpu.memory_space<semaphore_mem>>) src(%dma_wait3A_176 : memref<16xf32, #tpu.memory_space<vmem_shared>>) dst(%dma_wait3A_174 : memref<16xf32, #tpu.memory_space<vmem>>)
          tpu.yield
        }) : () -> ()
        "tpu.region"() ({
          %run_scoped3A = tpu.sem_alloc : memref<!tpu.dma_semaphore, #tpu.memory_space<semaphore_mem>>
          %dma_start3A = arith.constant 0 : i32
          %dma_start3A_162 = tpu.memref_slice %arg18[%dma_start3A] : memref<128xf32, #tpu.memory_space<vmem>> -> memref<16xf32, #tpu.memory_space<vmem>>
          %dma_start3A_163 = arith.constant 9984 : i32
          %dma_start3A_164 = tpu.memref_slice %arg8[%dma_start3A_163] : memref<10000xf32, #tpu.memory_space<hbm>> -> memref<16xf32, #tpu.memory_space<hbm>>
          %dma_start3A_165 = arith.constant 9984 : i32
          %dma_start3A_166 = tpu.memref_slice %arg8[%dma_start3A_165] : memref<10000xf32, #tpu.memory_space<hbm>> -> memref<16xf32, #tpu.memory_space<hbm>>
          %dma_start3A_167 = arith.constant 0 : i32
          %dma_start3A_168 = tpu.memref_slice %arg18[%dma_start3A_167] : memref<128xf32, #tpu.memory_space<vmem>> -> memref<16xf32, #tpu.memory_space<vmem>>
          tpu.enqueue_dma source(%dma_start3A_168 : memref<16xf32, #tpu.memory_space<vmem>>) target(%dma_start3A_166 : memref<16xf32, #tpu.memory_space<hbm>>) target_semaphore(%run_scoped3A : memref<!tpu.dma_semaphore, #tpu.memory_space<semaphore_mem>>)
          %dma_wait3A_169 = arith.constant 0 : i32
          %dma_wait3A_170 = tpu.memref_slice %arg18[%dma_wait3A_169] : memref<128xf32, #tpu.memory_space<vmem>> -> memref<16xf32, #tpu.memory_space<vmem>>
          %dma_wait3A_171 = arith.constant 9984 : i32
          %dma_wait3A_172 = tpu.memref_slice %arg8[%dma_wait3A_171] : memref<10000xf32, #tpu.memory_space<hbm>> -> memref<16xf32, #tpu.memory_space<hbm>>
          %dma_wait3A_173 = arith.constant 9984 : i32
          %dma_wait3A_174 = tpu.memref_slice %arg8[%dma_wait3A_173] : memref<10000xf32, #tpu.memory_space<hbm>> -> memref<16xf32, #tpu.memory_space<hbm>>
          %dma_wait3A_175 = arith.constant 0 : i32
          %dma_wait3A_176 = tpu.memref_slice %arg18[%dma_wait3A_175] : memref<128xf32, #tpu.memory_space<vmem>> -> memref<16xf32, #tpu.memory_space<vmem>>
          tpu.wait_dma2 semaphore(%run_scoped3A : memref<!tpu.dma_semaphore, #tpu.memory_space<semaphore_mem>>) src(%dma_wait3A_176 : memref<16xf32, #tpu.memory_space<vmem>>) dst(%dma_wait3A_174 : memref<16xf32, #tpu.memory_space<hbm>>)
          tpu.yield
        }) : () -> ()
      } else {
      }
    } else {
    }
    return
  }
}

module attributes {stable_mosaic.version = 14 : i64} {
  func.func @body(%arg0: i32, %arg1: memref<1000x128xf32, #tpu.memory_space<vmem>>, %arg2: memref<1000x128xf32, #tpu.memory_space<vmem>>, %arg3: memref<1000x1xf32, #tpu.memory_space<vmem>>, %arg4: memref<128x128xf32, #tpu.memory_space<vmem>>, %arg5: memref<128x128xf32, #tpu.memory_space<vmem>>, %arg6: memref<1x128xf32, #tpu.memory_space<vmem>>, %arg7: memref<1000x128xf32, #tpu.memory_space<vmem>>) attributes {dimension_semantics = [#tpu.dimension_semantics<arbitrary>], iteration_bounds = array<i64: 10>, scalar_prefetch = 0 : i64, scratch_operands = 0 : i64, tpu.core_type = #tpu.core_type<tc>, window_params = [{transform_indices = @transform_0, window_bounds = array<i64: 1000, 128>}, {transform_indices = @transform_1, window_bounds = array<i64: 1000, 128>}, {transform_indices = @transform_2, window_bounds = array<i64: 1000, 1>}, {pipeline_mode = #tpu.pipeline_mode<synchronous>, transform_indices = @transform_3, window_bounds = array<i64: 128, 128>}, {pipeline_mode = #tpu.pipeline_mode<synchronous>, transform_indices = @transform_4, window_bounds = array<i64: 128, 128>}, {pipeline_mode = #tpu.pipeline_mode<synchronous>, transform_indices = @transform_5, window_bounds = array<i64: 1, 128>}, {transform_indices = @transform_6, window_bounds = array<i64: 1000, 128>}]} {
    %get3A = arith.constant 0 : index
    %get3A_0 = arith.constant 0 : index
    %get3A_1 = vector.load %arg1[%get3A, %get3A_0] : memref<1000x128xf32, #tpu.memory_space<vmem>>, vector<1000x128xf32>
    %get3A_2 = arith.constant 0 : index
    %get3A_3 = arith.constant 0 : index
    %get3A_4 = vector.load %arg4[%get3A_2, %get3A_3] : memref<128x128xf32, #tpu.memory_space<vmem>>, vector<128x128xf32>
    %dot_general3A = arith.constant dense<0.000000e+00> : vector<1000x128xf32>
    %dot_general3A_5 = tpu.matmul %get3A_1, %get3A_4, %dot_general3A {dimension_numbers = #tpu.dot_dimension_numbers<[1], [0], [0], [1], [0, 0, 1, 1], [], []>, transpose_lhs_hint = false} : vector<1000x128xf32>, vector<128x128xf32>, vector<1000x128xf32> -> vector<1000x128xf32>
    %get3A_6 = arith.constant 0 : index
    %get3A_7 = arith.constant 0 : index
    %get3A_8 = vector.load %arg2[%get3A_6, %get3A_7] : memref<1000x128xf32, #tpu.memory_space<vmem>>, vector<1000x128xf32>
    %get3A_9 = arith.constant 0 : index
    %get3A_10 = arith.constant 0 : index
    %get3A_11 = vector.load %arg5[%get3A_9, %get3A_10] : memref<128x128xf32, #tpu.memory_space<vmem>>, vector<128x128xf32>
    %dot_general3A_12 = arith.constant dense<0.000000e+00> : vector<1000x128xf32>
    %dot_general3A_13 = tpu.matmul %get3A_8, %get3A_11, %dot_general3A_12 {dimension_numbers = #tpu.dot_dimension_numbers<[1], [0], [0], [1], [0, 0, 1, 1], [], []>, transpose_lhs_hint = false} : vector<1000x128xf32>, vector<128x128xf32>, vector<1000x128xf32> -> vector<1000x128xf32>
    %add3A = arith.addf %dot_general3A_5, %dot_general3A_13 : vector<1000x128xf32>
    %get3A_14 = arith.constant 0 : index
    %get3A_15 = arith.constant 0 : index
    %get3A_16 = vector.load %arg3[%get3A_14, %get3A_15] : memref<1000x1xf32, #tpu.memory_space<vmem>>, vector<1000x1xf32>
    %gt3A = arith.constant 0.000000e+00 : f32
    %gt3A_17 = vector.broadcast %gt3A : f32 to vector<1000x1xf32>
    %gt3A_18 = arith.cmpf ogt, %get3A_16, %gt3A_17 : vector<1000x1xf32>
    %rsqrt3A = math.rsqrt %get3A_16 : vector<1000x1xf32>
    %jit3A = arith.constant 0.000000e+00 : f32
    %broadcast_in_dim3A = vector.broadcast %jit3A : f32 to vector<1000x1xf32>
    %select_n3A = arith.select %gt3A_18, %rsqrt3A, %broadcast_in_dim3A : vector<1000x1xi1>, vector<1000x1xf32>
    %mul3A = vector.broadcast %select_n3A : vector<1000x1xf32> to vector<1000x128xf32>
    %mul3A_19 = arith.mulf %add3A, %mul3A : vector<1000x128xf32>
    %get3A_20 = arith.constant 0 : index
    %get3A_21 = arith.constant 0 : index
    %get3A_22 = vector.load %arg6[%get3A_20, %get3A_21] : memref<1x128xf32, #tpu.memory_space<vmem>>, vector<1x128xf32>
    %add3A_23 = vector.broadcast %get3A_22 : vector<1x128xf32> to vector<1000x128xf32>
    %add3A_24 = arith.addf %mul3A_19, %add3A_23 : vector<1000x128xf32>
    %swap3A = arith.constant 0 : index
    %swap3A_25 = arith.constant 0 : index
    %swap3A_26 = vector.load %arg7[%swap3A, %swap3A_25] : memref<1000x128xf32, #tpu.memory_space<vmem>>, vector<1000x128xf32>
    tpu.vector_store %arg7[%swap3A, %swap3A_25], %add3A_24 {strides = array<i32>} : memref<1000x128xf32, #tpu.memory_space<vmem>>, vector<1000x128xf32>,
    return
  }
  func.func @transform_0(%arg0: i32) -> (i32, i32) {
    %c0_i32 = arith.constant 0 : i32
    %c0_i32_0 = arith.constant 0 : i32
    return %arg0, %c0_i32 : i32, i32
  }
  func.func @transform_1(%arg0: i32) -> (i32, i32) {
    %c0_i32 = arith.constant 0 : i32
    %c0_i32_0 = arith.constant 0 : i32
    return %arg0, %c0_i32 : i32, i32
  }
  func.func @transform_2(%arg0: i32) -> (i32, i32) {
    %c0_i32 = arith.constant 0 : i32
    %c0_i32_0 = arith.constant 0 : i32
    return %arg0, %c0_i32 : i32, i32
  }
  func.func @transform_3(%arg0: i32) -> (i32, i32) {
    %c0_i32 = arith.constant 0 : i32
    %c0_i32_0 = arith.constant 0 : i32
    %c0_i32_1 = arith.constant 0 : i32
    return %c0_i32, %c0_i32_0 : i32, i32
  }
  func.func @transform_4(%arg0: i32) -> (i32, i32) {
    %c0_i32 = arith.constant 0 : i32
    %c0_i32_0 = arith.constant 0 : i32
    %c0_i32_1 = arith.constant 0 : i32
    return %c0_i32, %c0_i32_0 : i32, i32
  }
  func.func @transform_5(%arg0: i32) -> (i32, i32) {
    %c0_i32 = arith.constant 0 : i32
    %c0_i32_0 = arith.constant 0 : i32
    %c0_i32_1 = arith.constant 0 : i32
    return %c0_i32, %c0_i32_0 : i32, i32
  }
  func.func @transform_6(%arg0: i32) -> (i32, i32) {
    %c0_i32 = arith.constant 0 : i32
    %c0_i32_0 = arith.constant 0 : i32
    return %arg0, %c0_i32 : i32, i32
  }
}

</mosaic_0001>

<sc_bundles>
// kernel: kernel.4.cloned.1.call-start
scs
__scs_entry_jumppad:
0x0: {  	(pc) =	sbr.rel $0x88, $3  }
0x1: {  	(tag) =	ssettag $0x0;
	lr =	simm.s32 $0x1  }
0x2: {  	[smem:$0x3F9C] =	sst lr;
	_ =	strace $0xD0000000  }
0x3: {  	_ = 	snop  }
0x4: {  	_ = 	snop  }
0x5: {  	_ = 	snop  }
0x6: {  	_ = 	snop  }
0x7: {  	_ = 	snop  }
__scs_overlays_trampoline_lowered:
0x8: {  	[smem:$0x3FAB] =	sst s0  }
0x9: {  	[smem:$0x3FAC] =	sst s1  }
0xa: {  	[smem:$0x3FAD] =	sst s2  }
0xb: {  	[smem:$0x3FAE] =	sst s3  }
0xc: {  	[smem:$0x3FAF] =	sst s4  }
0xd: {  	[smem:$0x3FB0] =	sst s5  }
0xe: {  	[smem:$0x3FB1] =	sst s6  }
0xf: {  	[smem:$0x3FB2] =	sst s7  }
0x10: {  	[smem:$0x3FB3] =	sst s8  }
0x11: {  	[smem:$0x3FB4] =	sst s9;
	s0 =	simm.s32 @!p0 $0x0  }
0x12: {  	s1 =	sld [smem:$0x3F9A];
	s0 =	simm.s32 @p0 $0x1  }
0x13: {  	[smem:$0x3FB5] =	sst s0;
	s0 =	simm.s32 @!p1 $0x0  }
0x14: {  	s2 =	sld [smem:$0x3F99];
	s0 =	simm.s32 @p1 $0x1  }
0x15: {  	[smem:$0x3FB6] =	sst s0;
	s0 =	simm.s32 @!p2 $0x0  }
0x16: {  	s3 =	sld [smem:$0x3FDB];
	s0 =	simm.s32 @p2 $0x1  }
0x17: {  	s4 =	simm.s32 $0x1BF5;
	[smem:$0x3FB8] =	sst s0  }
0x18: {  	s0 =	sld [smem:$0x3F9B];
	_ =	swait.ge [sflag:s4], $0x0  }
0x19: {  	s7 =	sld [smem:$0x3F9C]  }
0x1a: {  	s8 =	sadd.s32 $0xFFFFE003, lr  }
0x1b: {  	s9 =	sadd.s32 $0xFFFFFEF7, lr;
	s5 =	simm.s32 $0xFFFFFFFF;
	p2 =	slt.u32 s8, $0xFFFFF086  }
0x1c: {  	p1 =	slt.u32 s9, $0xF7A;
	s5 =	simm.s32 @!p2 $0x0  }
0x1d: {  	s5 =	simm.s32 @p1 $0x1;
	p0 =	seq.s32 s7, s2  }
0x1e: {  	s7 =	smul.u32 @!p0 $0xF7A, s2;
	p2 =	seq.s32 @!p0 s5, $0x0  }
0x1f: {  	s9 =	smul.u32 $0xF7A, s1;
	s8 =	simm.s32 @!p0 $0x1BF5;
	p2 =	por !p2, p0  }
0x20: {  	[sflag:s8] =	ssyncset.s32 @!p0 $0xFFFFF086;
	s6 =	sadd.s32 @!p0 s3, s7;
	s7 =	simm.s32 @!p0 $0x108  }
0x21: {  	s3 =	sadd.s32 s3, s9;
	s6 =	sadd.s32 @!p0 $0x88, s6;
	s7 =	simm.s32 @p2 $0x1082  }
0x22: {  	[simem:s7], [sflag:s8] =	dma.local @!p0 [hbm:s6], $0xF7A  }
0x23: {  	s9 =	sor.u32 $0xD0000000, s2;
	s6 =	simm.s32 $0x108;
	_ =	swait.ge @!p0 [sflag:s8], $0x0  }
0x24: {  	s3 =	sadd.s32 $0x88, s3;
	s6 =	simm.s32 @!p1 $0x1082;
	[sflag:s4] =	ssyncset.s32 $0xFFFFF086  }
0x25: {  	[simem:s6], [sflag:s4] =	dma.local [hbm:s3], $0xF7A  }
0x26: {  	[smem:$0x3F9C] =	sst s1;
	(tag) =	ssettag s2;
	_ =	strace s9  }
0x27: {  	s1 =	sld [smem:$0x3FAC]  }
0x28: {  	s2 =	sld [smem:$0x3FAD]  }
0x29: {  	s4 =	sld [smem:$0x3FAF]  }
0x2a: {  	p0 =	seq.s32 s5, $0x0;
	s5 =	sld [smem:$0x3FB0]  }
0x2b: {  	s6 =	sld [smem:$0x3FB1]  }
0x2c: {  	s7 =	sld [smem:$0x3FB2]  }
0x2d: {  	s3 =	simm.s32 $0x108;
	s8 =	sld [smem:$0x3FB3]  }
0x2e: {  	s3 =	simm.s32 @!p0 $0x1082;
	s9 =	sld [smem:$0x3FB4]  }
0x2f: {  	lr =	sadd.s32 s0, s3;
	s0 =	sld [smem:$0x3FAB]  }
0x30: {  	s3 =	sld [smem:$0x3FAE]  }
0x31: {  	[smem:$0x3FB7] =	sst s10  }
0x32: {  	s10 =	sld [smem:$0x3FB5];
	_ =	sdelay $0x3  }
0x33: {  	p0 =	seq.s32 s10, $0x1;
	s10 =	sld [smem:$0x3FB7];
	_ =	sdelay $0x3  }
0x34: {  	[smem:$0x3FB7] =	sst s10  }
0x35: {  	s10 =	sld [smem:$0x3FB6];
	_ =	sdelay $0x3  }
0x36: {  	p1 =	seq.s32 s10, $0x1;
	s10 =	sld [smem:$0x3FB7];
	_ =	sdelay $0x3  }
0x37: {  	[smem:$0x3FB7] =	sst s10  }
0x38: {  	s10 =	sld [smem:$0x3FB8]  }
0x39: {  	_ = 	snop;
	(pc) =	sbr.ind lr, $3  }
0x3a: {  	_ = 	snop  }
0x3b: {  	_ = 	snop  }
0x3c: {  	p2 =	seq.s32 s10, $0x1;
	s10 =	sld [smem:$0x3FB7]  }
0x3d: {  	_ =	shalt  }
0x3e: {  	_ =	shalt  }
0x3f: {  	_ =	shalt  }
0x40: {  	_ =	shalt  }
0x41: {  	_ =	shalt  }
0x42: {  	_ =	shalt  }
0x43: {  	_ =	shalt  }
0x44: {  	_ =	shalt  }
0x45: {  	_ =	shalt  }
0x46: {  	_ =	shalt  }
0x47: {  	_ =	shalt  }
0x48: {  	_ =	shalt  }
0x49: {  	_ =	shalt  }
0x4a: {  	_ =	shalt  }
0x4b: {  	_ =	shalt  }
0x4c: {  	_ =	shalt  }
0x4d: {  	_ =	shalt  }
0x4e: {  	_ =	shalt  }
0x4f: {  	_ =	shalt  }
0x50: {  	_ =	shalt  }
0x51: {  	_ =	shalt  }
0x52: {  	_ =	shalt  }
0x53: {  	_ =	shalt  }
0x54: {  	_ =	shalt  }
0x55: {  	_ =	shalt  }
0x56: {  	_ =	shalt  }
0x57: {  	_ =	shalt  }
0x58: {  	_ =	shalt  }
0x59: {  	_ =	shalt  }
0x5a: {  	_ =	shalt  }
0x5b: {  	_ =	shalt  }
0x5c: {  	_ =	shalt  }
0x5d: {  	_ =	shalt  }
0x5e: {  	_ =	shalt  }
0x5f: {  	_ =	shalt  }
0x60: {  	_ =	shalt  }
0x61: {  	_ =	shalt  }
0x62: {  	_ =	shalt  }
0x63: {  	_ =	shalt  }
0x64: {  	_ =	shalt  }
0x65: {  	_ =	shalt  }
0x66: {  	_ =	shalt  }
0x67: {  	_ =	shalt  }
0x68: {  	_ =	shalt  }
0x69: {  	_ =	shalt  }
0x6a: {  	_ =	shalt  }
0x6b: {  	_ =	shalt  }
0x6c: {  	_ =	shalt  }
0x6d: {  	_ =	shalt  }
0x6e: {  	_ =	shalt  }
0x6f: {  	_ =	shalt  }
0x70: {  	_ =	shalt  }
0x71: {  	_ =	shalt  }
0x72: {  	_ =	shalt  }
0x73: {  	_ =	shalt  }
0x74: {  	_ =	shalt  }
0x75: {  	_ =	shalt  }
0x76: {  	_ =	shalt  }
0x77: {  	_ =	shalt  }
0x78: {  	_ =	shalt  }
0x79: {  	_ =	shalt  }
0x7a: {  	_ =	shalt  }
0x7b: {  	_ =	shalt  }
0x7c: {  	_ =	shalt  }
0x7d: {  	_ =	shalt  }
0x7e: {  	_ =	shalt  }
0x7f: {  	_ =	shalt  }
0x80: {  	_ =	shalt  }
0x81: {  	_ =	shalt  }
0x82: {  	_ =	shalt  }
0x83: {  	_ =	shalt  }
0x84: {  	_ =	shalt  }
0x85: {  	_ =	shalt  }
0x86: {  	_ =	shalt  }
0x87: {  	_ =	shalt  }
.Lfunc_end0:
.L_simem_size_0:
called_computation_lowered:
.L_overlay_start_0:
0x88: {  	s2 =	sld [smem:$0x3FD9]  }
0x89: {  	s3 =	sld [smem:$0x3FFE];
	_ =	sdelay $0x1  }
0x8a: {  	s1 =	srdreg.scid  }
0x8b: {  	s0 =	sand.u32 $0x1, s1  }
0x8c: {  	s17 =	sshll.u32 s0, $0xA;
	s2 =	sadd.s32 s3, s2  }
0x8d: {  	s2 =	sadd.s32 s2, s17  }
0x8e: {  	[smem:$0x3FC3] =	sst s2  }
0x8f: {  	_ = 	snop  }
0x90: {  	s2 =	sld [smem:$0x3FC9]  }
0x91: {  	s18 =	sld [smem:$0x3FC8]  }
0x92: {  	s4 =	sld [smem:$0x3FD0];
	(tm) =	ssettm $0x1  }
0x93: {  	s5 =	sld [smem:$0x3FFB];
	_ =	sdelay $0x3  }
0x94: {  	_ =	strace s5  }
0x95: {  	s5 =	sld [smem:$0x3FFC];
	_ =	sdelay $0x3  }
0x96: {  	_ =	strace s5  }
0x97: {  	s5 =	sld [smem:$0x3FFD];
	_ =	sdelay $0x3  }
0x98: {  	_ =	strace s5  }
0x99: {  	_ =	strace $0x8FFFFFFF  }
0x9a: {  	s19 =	sld [smem:$0x3FDB];
	_ =	sdelay $0x1  }
0x9b: {  	s6 =	simm.s32 $_scs_section_size  }
0x9c: {  	s7 =	simm.s32 $_size__tile_overlayer_lowered;
	s8 =	simm.s32 $_tile_overlayer_lowered  }
0x9d: {  	s22 =	simm.s32 $0x1BFF;
	s21 =	sshll.u32 s8, $0x1;
	s5 =	sadd.s32 s6, s19  }
0x9e: {  	s9 =	simm.s32 $0x0;
	s20 =	sshll.u32 s7, $0x1;
	s7 =	sadd.s32 s21, s5  }
0x9f: {  	[timem:s9], [sflag:s22] =	dma.local [hbm:s7], s20  }
0xa0: {  	_ =	swait.ge [sflag:s22], s20  }
0xa1: {  	s6 =	ssub.s32 $0x0, s20;
	[sflag:s22] =	ssyncset.done $0x0  }
0xa2: {  	[sflag:s22] =	ssyncadd.s32 s6;
	_ =	sdelay $0x1  }
0xa3: {  	s23 =	simm.s32 $0x1B8B  }
0xa4: {  	_ =	swait.ge [sflag:s23], $0x1  }
0xa5: {  	[sflag:s23] =	ssyncset.done $0x0  }
0xa6: {  	s25 =	simm.s32 $0x1B8E;
	s24 =	sld [smem:$0x3FFE];
	[sflag:s23] =	ssyncadd.s32 $0xFFFFFFFF  }
0xa7: {  	s26 =	simm.s32 $execute0_lowered;
	[smem:$0x3FD2] =	sst s25  }
0xa8: {  	s7 =	sshll.u32 s26, $0x1;
	_ =	strace $0x80000046;
	[dreg:$0x1] =	wrdreg $0xFFFFFFFF  }
0xa9: {  	s28 =	simm.s32 $_size_execute0_lowered;
	s5 =	sadd.s32 s5, s7;
	[dreg:$0x0] =	wrdreg $0x0  }
0xaa: {  	s7 =	sshll.u32 s28, $0x1;
	[dreg:$0x2] =	wrdreg s5  }
0xab: {  	[dreg:$0x3] =	wrdreg s7  }
0xac: {  	[dreg:$0x4] =	wrdreg $0xC0  }
0xad: {  	_ =	task [dreg:s9], $0x5FFFF  }
0xae: {  	[dreg:$0x1] =	wrdreg $0xFFFFFFFF  }
0xaf: {  	[dreg:$0x0] =	wrdreg $0x60  }
0xb0: {  	[dreg:$0x2] =	wrdreg s2  }
0xb1: {  	[dreg:$0x3] =	wrdreg s18  }
0xb2: {  	[dreg:$0x4] =	wrdreg s24  }
0xb3: {  	[dreg:$0x5] =	wrdreg s4  }
0xb4: {  	[dreg:$0x6] =	wrdreg $0x0  }
0xb5: {  	[dreg:$0x7] =	wrdreg $0x138800  }
0xb6: {  	[dreg:$0x8] =	wrdreg $0x9  }
0xb7: {  	_ =	task.clear_ibuf [dreg:s9], $0x9FFFF;
	_ =	strace $0x90000046  }
0xb8: {  	s29 =	simm.s32 $0x9;
	_ =	strace $0x80000048  }
0xb9: {  	_ =	swait.ge [sflag:s29], $0x1  }
0xba: {  	[sflag:s29] =	ssyncadd.s32 $0xFFFFFFFF  }
0xbb: {  	_ =	strace $0x90000048  }
0xbc: {  	_ =	sfence  }
0xbd: {  	s30 =	sld [smem:$0x0];
	_ =	sdelay $0x2  }
0xbe: {  	s31 =	sshll.u32 s1, $0xD;
	s1 =	sshrl.u32 s1, $0x2  }
0xbf: {  	s3 =	sand.u32 $0x4000, s31;
	s1 =	sadd.s32 s1, s30  }
0xc0: {  	s0 =	sor.u32 s3, s0;
	s1 =	sshll.u32 s1, $0x11  }
0xc1: {  	s0 =	sor.u32 s1, s0  }
0xc2: {  	s0 =	sadd.s32 $0x8F2B, s0  }
0xc3: {  	[sflag:s0] =	ssyncadd.remote.s32 $0x1  }
0xc4: {  	_ =	sfence.sel $0xFFFF  }
0xc5: {  	[dreg:$0x0] =	wrdreg $0xFFFFFFFF;
	(pc) =	sbr.abs _section_cstart, $3  }
0xc6: {  	[dreg:$0x1] =	wrdreg $0xFFFFFFFF  }
0xc7: {  	_ =	task.clear_ibuf [dreg:s9], $0x2FFFF;
	_ =	strace $0x9FFFFFFF  }
0xc8: {  	(tm) =	ssettm $0x7FFFFFFF  }
0xc9: {  	_ =	shalt  }
tec
execute0_lowered:
.L_overlay_start_1:
0x0: {  	(tag) =	ssettag $0x1  }
0x1: {  	s29 =	rddreg [dreg:$0x0]  }
0x2: {  	s4 =	rddreg [dreg:$0x1]  }
0x3: {  	s3 =	rddreg [dreg:$0x2]  }
0x4: {  	s2 =	rddreg [dreg:$0x3]  }
0x5: {  	s1 =	rddreg [dreg:$0x4]  }
0x6: {  	s5 =	simm.s32 $0x0;
	s25 =	srdreg.scid;
	s18 =	stileid.u32  }
0x7: {  	[smem:$0x7FF] =	sst s5;
	s6 =	sadd.s32 $0xA800, s3;
	s8 =	smul.u32 $0x270, s18  }
0x8: {  	s19 =	sand.u32 $0x1, s25;
	s5 =	sadd.s32 $0xA00, s3;
	s11 =	smul.u32 $0x4E20, s18  }
0x9: {  	s9 =	sadd.s32 $0x14600, s3;
	s15 =	smul.u32 $0x4E200, s18;
	s7 =	ssub.s32 $0x2, s19  }
0xa: {  	s21 =	smul.u32 $0x9C4, s18;
	s10 =	sshrl.u32 s7, $0x1;
	s14 =	sshrl.u32 s11, $0x3  }
0xb: {  	s16 =	sadd.s32 $0x200, s8;
	s11 =	sadd.s32 $0x4E00, s11;
	s15 =	sadd.s32 s4, s15  }
0xc: {  	s17 =	sadd.s32 s5, s14;
	[dreg:$0x9] =	wrdreg s15;
	s26 =	sshrl.u32 s11, $0x3  }
0xd: {  	s11 =	sshll.u32 s11, $0x4;
	s22 =	sadd.s32 s6, s14;
	[dreg:$0x8] =	wrdreg s17  }
0xe: {  	s28 =	sshrl.u32 s8, $0x3;
	s4 =	sadd.s32 s4, s11;
	[dreg:$0x10] =	wrdreg s22  }
0xf: {  	s7 =	ssub.s32 s7, s10;
	s24 =	sadd.s32 s5, s26;
	[dreg:$0xa] =	wrdreg s4  }
0x10: {  	s10 =	sadd.s32 $0x80, s8;
	s25 =	sadd.s32 s6, s26;
	[dreg:$0x11] =	wrdreg s24  }
0x11: {  	s30 =	sshrl.u32 s10, $0x3;
	s4 =	sadd.s32 s9, s28;
	[dreg:$0x12] =	wrdreg s25  }
0x12: {  	s17 =	sshrl.u32 s16, $0x3;
	s31 =	sadd.s32 s9, s30;
	[dreg:$0xb] =	wrdreg s4  }
0x13: {  	s12 =	sadd.s32 $0x100, s8;
	s20 =	sadd.s32 s9, s17;
	[dreg:$0xc] =	wrdreg s31  }
0x14: {  	s13 =	sadd.s32 $0x180, s8;
	s0 =	sshrl.u32 s12, $0x3;
	[dreg:$0xf] =	wrdreg s20  }
0x15: {  	s11 =	sshrl.u32 s13, $0x3;
	s4 =	sadd.s32 s9, s0;
	s0 =	rddreg [dreg:$0x5]  }
0x16: {  	s28 =	sshll.u32 s10, $0x7;
	[dreg:$0xd] =	wrdreg s4;
	s4 =	sadd.s32 s9, s11  }
0x17: {  	s8 =	sadd.s32 s8, s0;
	[dreg:$0xe] =	wrdreg s4;
	s4 =	sadd.s32 s21, s5  }
0x18: {  	s5 =	sadd.s32 s28, s1;
	_ =	strace $0x80000047;
	[dreg:$0x14] =	wrdreg s8  }
0x19: {  	s30 =	sadd.s32 s10, s0;
	[dreg:$0x15] =	wrdreg s5  }
0x1a: {  	s14 =	sshll.u32 s13, $0x7;
	s15 =	sadd.s32 s12, s0;
	[dreg:$0x16] =	wrdreg s30  }
0x1b: {  	s23 =	smul.u32 $0x4E000, s18;
	s17 =	sadd.s32 s14, s1;
	[dreg:$0x18] =	wrdreg s15  }
0x1c: {  	s22 =	sshll.u32 s16, $0x7;
	s20 =	sadd.s32 s13, s0;
	[dreg:$0x19] =	wrdreg s17  }
0x1d: {  	s26 =	sshrl.u32 s23, $0x2;
	s9 =	sadd.s32 s22, s1;
	[dreg:$0x1a] =	wrdreg s20  }
0x1e: {  	s31 =	smul.u32 $0x2700, s18;
	s23 =	sadd.s32 s16, s0;
	[dreg:$0x1b] =	wrdreg s9  }
0x1f: {  	s6 =	sadd.s32 s21, s6;
	s24 =	sadd.s32 $0x3BC00, s3;
	[dreg:$0x1c] =	wrdreg s23  }
0x20: {  	s21 =	sadd.s32 s31, s3;
	s3 =	sadd.s32 $0x14AE0, s3;
	[dreg:$0x1e] =	wrdreg s24  }
0x21: {  	s25 =	sadd.s32 s2, s31;
	[dreg:$0x1f] =	wrdreg s3  }
0x22: {  	s2 =	sadd.s32 $0x27000, s2;
	[smem:$0x7F7] =	sst s25  }
0x23: {  	s11 =	sadd.s32 s26, s1;
	s26 =	smax.u32 s7, $0x1;
	[smem:$0x7F8] =	sst s2  }
0x24: {  	s28 =	sadd.s32 $0x60, s6;
	[smem:$0x7F9] =	sst s26  }
0x25: {  	[smem:$0x7FA] =	sst s28  }
0x26: {  	s31 =	sadd.s32 $0x2700, s0;
	[dreg:$0x7] =	wrdreg s19  }
0x27: {  	s10 =	sshll.u32 s12, $0x7;
	[smem:$0x7FC] =	sst s31  }
.Ltmp0:
0x28: {  	s6 =	sadd.s32 $0x138000, s1;
	[dreg:$0x13] =	wrdreg s11;
	(pc) =	sbr.rel .LBB2_1-.Ltmp0, $4  }
0x29: {  	p0 =	sne.s32 s18, $0xF;
	s8 =	sadd.s32 s10, s1;
	[smem:$0x7FD] =	sst s6  }
0x2a: {  	p3 =	seq.s32 s18, $0xF;
	s30 =	sadd.s32 $0x60, s4;
	[dreg:$0x17] =	wrdreg s8  }
0x2b: {  	p1 =	sne.s32 s19, $0x0;
	s8 =	sadd.s32 $0x14C00, s21;
	[smem:$0x7FB] =	sst s30  }
0x2c: {  	v0 =	vimm.f32 $0.0e+00;
	v1 =	vimm.f32 $1.000000000e+00;
	p2 =	seq.s32 s19, $0x0;
	s3 =	simm.s32 $0x0;
	[dreg:$0x1d] =	wrdreg s8  }
.LBB2_8:
0x2d: {  	s2 =	simm.s32 $0x0  }
0x2e: {  	s3 =	rddreg [dreg:$0x11];
	s4 =	simm.s32 $0x1C478;
	s5 =	simm.s32 $0x7  }
0x2f: {  	[tilespmem:s4], [sflag:$0x7] =	stream.linear.gather [hbm4b:s3+s2], $0x20, $0x38;
	[tilespmem:$0x1C4F8] =	vst v63  }
0x30: {  	_ =	swait.ge [sflag:s5], $0x20  }
0x31: {  	[sflag:s5] =	ssyncset.done $0x0  }
0x32: {  	s7 =	simm.s32 $0x1C3F8;
	s24 =	rddreg [dreg:$0x12];
	[sflag:s5] =	ssyncadd.s32 $0xFFFFFFE0  }
0x33: {  	[tilespmem:s7], [sflag:$0x7] =	stream.linear.gather [hbm4b:s24+s2], $0x20, $0x38;
	[tilespmem:$0x1C4F8] =	vst v63  }
0x34: {  	_ =	swait.ge [sflag:s5], $0x20  }
0x35: {  	s25 =	simm.s32 $0x13CF8;
	[sflag:s5] =	ssyncset.done $0x0  }
0x36: {  	s8 =	simm.s32 $0x20;
	s26 =	simm.s32 $0x1;
	[sflag:s5] =	ssyncadd.s32 $0xFFFFFFE0  }
0x37: {  	[tilespmem:s25], [sflag:$0x1] =	stream.indirect.gather [hbm4b:s29+s8], $0x80, s7, s8, $0xb8;
	[tilespmem:$0x1C4F8] =	vst v63  }
0x38: {  	_ =	swait.ge [sflag:s26], $0x1000  }
0x39: {  	[sflag:s26] =	ssyncset.done $0x0  }
0x3a: {  	[sflag:s26] =	ssyncadd.s32 $0xFFFFF000  }
0x3b: {  	s0 =	rddreg [dreg:$0x4]  }
0x3c: {  	[spmem:s0] =	stream.indirect.scatter.add.f32 [tilespmem:s25], [sflag:$0x7], $0x80, s4, s8, $0xb8;
	[tilespmem:$0x1C4F8] =	vst v63  }
0x3d: {  	_ =	swait.ge [sflag:s5], $0x1000  }
0x3e: {  	[sflag:s5] =	ssyncset.done $0x0  }
0x3f: {  	[sflag:s5] =	ssyncadd.s32 $0xFFFFF000  }
0x40: {  	[bflag:$0x0] =	sbarrier.arrive $0xFFFF  }
0x41: {  	s28 =	stileid.u32;
	s31 =	sld [smem:$0x7F7]  }
0x42: {  	s2 =	sshll.u32 s28, $0x6  }
0x43: {  	s30 =	sshrl.u32 s11, $0x3;
	s2 =	sor.u32 $0x1C07, s2  }
0x44: {  	[hbm:s31], [sflag:s2] =	dma.local [spmem:s30], $0x2700  }
0x45: {  	_ =	swait.ge [sflag:s5], $0x2700  }
0x46: {  	s4 =	sld [smem:$0x7F8]  }
0x47: {  	[sflag:s5] =	ssyncset.done $0x0  }
0x48: {  	s3 =	sshrl.u32 @!p0 s6, $0x3;
	[sflag:s5] =	ssyncadd.s32 $0xFFFFD900  }
0x49: {  	[hbm:s4], [sflag:s2] =	dma.local @!p0 [spmem:s3], $0x100  }
0x4a: {  	s2 =	simm.s32 @!p0 $0x7  }
0x4b: {  	_ =	swait.ge @!p0 [sflag:s2], $0x100  }
0x4c: {  	[sflag:s2] =	ssyncset.done @!p0 $0x0  }
0x4d: {  	s3 =	sld [smem:$0x7F6];
	[sflag:s2] =	ssyncadd.s32 @!p0 $0xFFFFFF00  }
.LBB2_9:
0x4e: {  	s2 =	sld [smem:$0x7F9];
	_ =	sdelay $0x1  }
0x4f: {  	s3 =	sadd.s32 $0x1, s3  }
0x50: {  	p4 =	sne.s32 s3, s2  }
.Ltmp1:
0x51: {  	_ = 	snop;
	(pc) =	sbr.rel @!p4 .LBB2_10-.Ltmp1, $1  }
0x52: {  	_ =	sdelay $0x3  }
.LBB2_1:
0x53: {  	[smem:$0x7F6] =	sst s3;
	s2 =	simm.s32 $0x0;
	s3 =	simm.s32 $0x200  }
.LBB2_2:
0x54: {  	p4 =	sne.s32 s3, $0xFE00;
	[tilespmem:s2+$0x13D68] =	vst v0  }
0x55: {  	[tilespmem:s2+$0x13CF8] =	vst v0  }
0x56: {  	[tilespmem:s2+$0x13D08] =	vst v0  }
.Ltmp2:
0x57: {  	[tilespmem:s2+$0x13D18] =	vst v0;
	(pc) =	sbr.rel @p4 .LBB2_2-.Ltmp2, $4  }
0x58: {  	[tilespmem:s2+$0x13D28] =	vst v0  }
0x59: {  	[tilespmem:s2+$0x13D38] =	vst v0  }
0x5a: {  	[tilespmem:s2+$0x13D48] =	vst v0  }
0x5b: {  	[tilespmem:s2+$0x13D58] =	vst v0;
	s2 =	sshra.s32 s3, $0x2;
	s3 =	sadd.s32 $0x200, s3  }
0x5c: {  	[tilespmem:s2+$0x13D68] =	vst v0  }
0x5d: {  	[tilespmem:s2+$0x13CF8] =	vst v0  }
0x5e: {  	[tilespmem:s2+$0x13D08] =	vst v0  }
0x5f: {  	[tilespmem:s2+$0x13D18] =	vst v0  }
0x60: {  	[tilespmem:s2+$0x13D28] =	vst v0  }
0x61: {  	[tilespmem:s2+$0x13D38] =	vst v0  }
0x62: {  	[tilespmem:s2+$0x13D48] =	vst v0  }
0x63: {  	[tilespmem:s2+$0x13D58] =	vst v0  }
0x64: {  	[tilespmem:$0x1BCF8] =	vst v1  }
0x65: {  	[tilespmem:$0x1BD78] =	vst v0  }
0x66: {  	[tilespmem:$0x1BD08] =	vst v1  }
0x67: {  	[tilespmem:$0x1BD88] =	vst v0  }
0x68: {  	[tilespmem:$0x1BD18] =	vst v1  }
0x69: {  	[tilespmem:$0x1BD98] =	vst v0  }
0x6a: {  	[tilespmem:$0x1BD28] =	vst v1  }
0x6b: {  	[tilespmem:$0x1BDA8] =	vst v0  }
0x6c: {  	[tilespmem:$0x1BD38] =	vst v1  }
0x6d: {  	[tilespmem:$0x1BDB8] =	vst v0  }
0x6e: {  	[tilespmem:$0x1BD48] =	vst v1  }
0x6f: {  	[tilespmem:$0x1BDC8] =	vst v0  }
0x70: {  	[tilespmem:$0x1BD58] =	vst v1  }
0x71: {  	[tilespmem:$0x1BDD8] =	vst v0  }
0x72: {  	[tilespmem:$0x1BD68] =	vst v1  }
0x73: {  	s3 =	simm.s32 $0x13CF8;
	s5 =	simm.s32 $0x7;
	[tilespmem:$0x1BDE8] =	vst v0  }
0x74: {  	[spmem:s11] =	stream.linear.scatter [tilespmem:s3], [sflag:$0x7], $0x4000, $0x38;
	[tilespmem:$0x1C4F8] =	vst v63  }
0x75: {  	_ =	swait.ge [sflag:s5], $0x4000  }
0x76: {  	[sflag:s5] =	ssyncset.done $0x0  }
0x77: {  	s4 =	simm.s32 $0x1BD78;
	s17 =	rddreg [dreg:$0x14];
	[sflag:s5] =	ssyncadd.s32 $0xFFFFC000  }
0x78: {  	[spmem:s17] =	stream.linear.scatter [tilespmem:s4], [sflag:$0x7], $0x80, $0x38;
	[tilespmem:$0x1C4F8] =	vst v63  }
0x79: {  	_ =	swait.ge [sflag:s5], $0x80  }
0x7a: {  	[sflag:s5] =	ssyncset.done $0x0  }
0x7b: {  	s18 =	rddreg [dreg:$0x15];
	[sflag:s5] =	ssyncadd.s32 $0xFFFFFF80  }
0x7c: {  	[spmem:s18] =	stream.linear.scatter [tilespmem:s3], [sflag:$0x7], $0x4000, $0x38;
	[tilespmem:$0x1C4F8] =	vst v63  }
0x7d: {  	_ =	swait.ge [sflag:s5], $0x4000  }
0x7e: {  	[sflag:s5] =	ssyncset.done $0x0  }
0x7f: {  	s19 =	rddreg [dreg:$0x16];
	[sflag:s5] =	ssyncadd.s32 $0xFFFFC000  }
0x80: {  	[spmem:s19] =	stream.linear.scatter [tilespmem:s4], [sflag:$0x7], $0x80, $0x38;
	[tilespmem:$0x1C4F8] =	vst v63  }
0x81: {  	_ =	swait.ge [sflag:s5], $0x80  }
0x82: {  	[sflag:s5] =	ssyncset.done $0x0  }
0x83: {  	s20 =	rddreg [dreg:$0x17];
	[sflag:s5] =	ssyncadd.s32 $0xFFFFFF80  }
0x84: {  	[spmem:s20] =	stream.linear.scatter [tilespmem:s3], [sflag:$0x7], $0x4000, $0x38;
	[tilespmem:$0x1C4F8] =	vst v63  }
0x85: {  	_ =	swait.ge [sflag:s5], $0x4000  }
0x86: {  	[sflag:s5] =	ssyncset.done $0x0  }
0x87: {  	s21 =	rddreg [dreg:$0x18];
	[sflag:s5] =	ssyncadd.s32 $0xFFFFC000  }
0x88: {  	[spmem:s21] =	stream.linear.scatter [tilespmem:s4], [sflag:$0x7], $0x80, $0x38;
	[tilespmem:$0x1C4F8] =	vst v63  }
0x89: {  	_ =	swait.ge [sflag:s5], $0x80  }
0x8a: {  	[sflag:s5] =	ssyncset.done $0x0  }
0x8b: {  	s22 =	rddreg [dreg:$0x19];
	[sflag:s5] =	ssyncadd.s32 $0xFFFFFF80  }
0x8c: {  	[spmem:s22] =	stream.linear.scatter [tilespmem:s3], [sflag:$0x7], $0x4000, $0x38;
	[tilespmem:$0x1C4F8] =	vst v63  }
0x8d: {  	_ =	swait.ge [sflag:s5], $0x4000  }
0x8e: {  	[sflag:s5] =	ssyncset.done $0x0  }
0x8f: {  	s23 =	rddreg [dreg:$0x1a];
	[sflag:s5] =	ssyncadd.s32 $0xFFFFC000  }
0x90: {  	[spmem:s23] =	stream.linear.scatter [tilespmem:s4], [sflag:$0x7], $0x80, $0x38;
	[tilespmem:$0x1C4F8] =	vst v63  }
0x91: {  	_ =	swait.ge [sflag:s5], $0x80  }
0x92: {  	[sflag:s5] =	ssyncset.done $0x0  }
0x93: {  	s24 =	rddreg [dreg:$0x1b];
	[sflag:s5] =	ssyncadd.s32 $0xFFFFFF80  }
0x94: {  	[spmem:s24] =	stream.linear.scatter [tilespmem:s3], [sflag:$0x7], $0x3800, $0x38;
	[tilespmem:$0x1C4F8] =	vst v63  }
0x95: {  	_ =	swait.ge [sflag:s5], $0x3800  }
0x96: {  	[sflag:s5] =	ssyncset.done $0x0  }
0x97: {  	s25 =	rddreg [dreg:$0x1c];
	[sflag:s5] =	ssyncadd.s32 $0xFFFFC800  }
0x98: {  	[spmem:s25] =	stream.linear.scatter [tilespmem:s4], [sflag:$0x7], $0x70, $0x38;
	[tilespmem:$0x1C4F8] =	vst v63  }
0x99: {  	_ =	swait.ge [sflag:s5], $0x70  }
0x9a: {  	[sflag:s5] =	ssyncset.done $0x0  }
0x9b: {  	s2 =	simm.s32 @!p0 $0x13CF8;
	[sflag:s5] =	ssyncadd.s32 $0xFFFFFF90  }
0x9c: {  	[spmem:s6] =	stream.linear.scatter @!p0 [tilespmem:s2], [sflag:$0x7], $0x800, $0x38;
	[tilespmem:$0x1C4F8] =	vst v63  }
0x9d: {  	s2 =	simm.s32 @!p0 $0x7  }
0x9e: {  	_ =	swait.ge @!p0 [sflag:s2], $0x800  }
0x9f: {  	s4 =	sld [smem:$0x7FC]  }
0xa0: {  	[sflag:s2] =	ssyncset.done @!p0 $0x0  }
0xa1: {  	s3 =	simm.s32 @!p0 $0x1BD78;
	[sflag:s2] =	ssyncadd.s32 @!p0 $0xFFFFF800  }
0xa2: {  	[spmem:s4] =	stream.linear.scatter @!p0 [tilespmem:s3], [sflag:$0x7], $0x10, $0x38;
	[tilespmem:$0x1C4F8] =	vst v63  }
0xa3: {  	_ =	swait.ge @!p0 [sflag:s2], $0x10  }
0xa4: {  	[sflag:s2] =	ssyncset.done @!p0 $0x0  }
0xa5: {  	[sflag:s2] =	ssyncadd.s32 @!p0 $0xFFFFFFF0  }
0xa6: {  	[bflag:$0x0] =	sbarrier.arrive $0xFFFF  }
0xa7: {  	s26 =	simm.s32 $0x0;
	s30 =	simm.s32 $0x1C0F8;
	s28 =	rddreg [dreg:$0x8]  }
0xa8: {  	[tilespmem:s30], [sflag:$0x7] =	stream.linear.gather [hbm4b:s28+s26], $0x300, $0x38;
	[tilespmem:$0x1C4F8] =	vst v63  }
0xa9: {  	_ =	swait.ge [sflag:s5], $0x300  }
0xaa: {  	s3 =	simm.s32 @!p1 $0x1BDF8;
	[sflag:s5] =	ssyncset.done $0x0  }
0xab: {  	s2 =	simm.s32 @!p1 $0x0;
	s4 =	rddreg [dreg:$0x10];
	[sflag:s5] =	ssyncadd.s32 $0xFFFFFD00  }
0xac: {  	[tilespmem:s3], [sflag:$0x7] =	stream.linear.gather @!p1 [hbm4b:s4+s2], $0x300, $0x38;
	[tilespmem:$0x1C4F8] =	vst v63  }
0xad: {  	s2 =	simm.s32 @!p1 $0x7  }
0xae: {  	_ =	swait.ge @!p1 [sflag:s2], $0x300  }
0xaf: {  	[sflag:s2] =	ssyncset.done @!p1 $0x0  }
0xb0: {  	[sflag:s2] =	ssyncadd.s32 @!p1 $0xFFFFFD00  }
0xb1: {  	v2 =	vld [tilespmem:$0x1C0F8]  }
0xb2: {  	v3 =	vld [tilespmem:$0x1C108]  }
0xb3: {  	v4 =	vld [tilespmem:$0x1C118]  }
0xb4: {  	v5 =	vld [tilespmem:$0x1C128]  }
0xb5: {  	v6 =	vld [tilespmem:$0x1C138]  }
0xb6: {  	v63 =	vld [tilespmem:$0x1C168];
	[tilespmem:$0x13BF8] =	vst v2  }
0xb7: {  	v2 =	vld [tilespmem:$0x1C148];
	[tilespmem:$0x13C08] =	vst v3  }
0xb8: {  	v3 =	vld [tilespmem:$0x1C158];
	[tilespmem:$0x13C18] =	vst v4  }
0xb9: {  	[tilespmem:$0x13C28] =	vst v5  }
0xba: {  	[tilespmem:$0x13C38] =	vst v6  }
0xbb: {  	[tilespmem:$0x13C68] =	vst v63  }
0xbc: {  	[tilespmem:$0x13C48] =	vst v2  }
0xbd: {  	s1 =	simm.s32 @p1 $0x0;
	s0 =	simm.s32 @p1 $0x13CF8;
	s2 =	rddreg [dreg:$0x9];
	[tilespmem:$0x13C58] =	vst v3  }
0xbe: {  	[tilespmem:s0], [sflag:$0x1] =	stream.linear.gather @p1 [hbm4b:s2+s1], $0x4000, $0x38;
	[tilespmem:$0x1C4F8] =	vst v63  }
0xbf: {  	v2 =	vld @!p1 [tilespmem:$0x1BDF8]  }
0xc0: {  	v3 =	vld @!p1 [tilespmem:$0x1BE08]  }
0xc1: {  	v4 =	vld @!p1 [tilespmem:$0x1BE18]  }
0xc2: {  	v5 =	vld @!p1 [tilespmem:$0x1BE28]  }
0xc3: {  	v6 =	vld @!p1 [tilespmem:$0x1BE38]  }
0xc4: {  	[tilespmem:$0x13AF8] =	vst @!p1 v2;
	v2 =	vld @!p1 [tilespmem:$0x1BE48]  }
0xc5: {  	[tilespmem:$0x13B08] =	vst @!p1 v3;
	v3 =	vld @!p1 [tilespmem:$0x1BE58]  }
0xc6: {  	[tilespmem:$0x13B18] =	vst @!p1 v4;
	v4 =	vld @!p1 [tilespmem:$0x1BE68]  }
0xc7: {  	[tilespmem:$0x13B28] =	vst @!p1 v5  }
0xc8: {  	s31 =	sld [smem:$0x7FB];
	[tilespmem:$0x13B38] =	vst @!p1 v6  }
0xc9: {  	[tilespmem:$0x13B48] =	vst @!p1 v2  }
0xca: {  	s15 =	simm.s32 $0x0;
	s26 =	simm.s32 @!p1 $0x80;
	s13 =	sld [smem:$0x7FA];
	[tilespmem:$0x13B58] =	vst @!p1 v3  }
0xcb: {  	[smem:$0x7F5] =	sst s31;
	s0 =	simm.s32 @!p1 $0x13AF8;
	s2 =	simm.s32 @!p1 $0x13CF8;
	[tilespmem:$0x13B68] =	vst @!p1 v4  }
0xcc: {  	[tilespmem:s2], [sflag:$0x1] =	stream.indirect.gather @!p1 [hbm4b:s29+s26], $0x80, s0, s26, $0xb8;
	[tilespmem:$0x1C4F8] =	vst v63  }
.LBB2_4:
0xcd: {  	s2 =	simm.s32 $0x1  }
0xce: {  	_ =	swait.ge [sflag:s2], $0x4000  }
0xcf: {  	s31 =	simm.s32 $0x13CF8;
	[sflag:s2] =	ssyncset.done $0x0  }
0xd0: {  	s3 =	simm.s32 $0x80;
	s4 =	simm.s32 $0x13BF8;
	[sflag:s2] =	ssyncadd.s32 $0xFFFFC000  }
0xd1: {  	p4 =	seq.s32 s15, $0x0;
	s2 =	simm.s32 @!p2 $0x80;
	s10 =	rddreg [dreg:$0x4]  }
0xd2: {  	[spmem:s10] =	stream.indirect.scatter.add.f32 [tilespmem:s31], [sflag:$0x3], $0x80, s4, s3, $0xb8;
	[tilespmem:$0x1C4F8] =	vst v63  }
0xd3: {  	s24 =	rddreg [dreg:$0x5];
	s3 =	simm.s32 @!p2 $0x13BF8;
	s4 =	simm.s32 @!p2 $0x1BCF8  }
0xd4: {  	[spmem:s24] =	stream.indirect.scatter.add.f32 @!p2 [tilespmem:s4], [sflag:$0x5], $0x1, s3, s2, $0xb8;
	[tilespmem:$0x1C4F8] =	vst v63  }
0xd5: {  	s2 =	simm.s32 @!p4 $0x4;
	s3 =	rddreg [dreg:$0x7]  }
0xd6: {  	p5 =	seq.s32 @!p4 s3, $0x0;
	_ =	swait.ge @!p4 [sflag:s2], $0x4000  }
0xd7: {  	[sflag:s2] =	ssyncset.done @!p4 $0x0;
	p5 =	por p5, p4  }
0xd8: {  	[sflag:s2] =	ssyncadd.s32 @!p4 $0xFFFFC000;
	s2 =	simm.s32 @!p5 $0x6  }
0xd9: {  	_ =	swait.ge @!p5 [sflag:s2], $0x80  }
0xda: {  	[sflag:s2] =	ssyncset.done @!p5 $0x0  }
0xdb: {  	[sflag:s2] =	ssyncadd.s32 @!p5 $0xFFFFFF80  }
0xdc: {  	v2 =	vld [tilespmem:$0x1C178]  }
0xdd: {  	v3 =	vld [tilespmem:$0x1C188]  }
0xde: {  	v4 =	vld [tilespmem:$0x1C198]  }
0xdf: {  	v5 =	vld [tilespmem:$0x1C1A8]  }
0xe0: {  	v6 =	vld [tilespmem:$0x1C1B8]  }
0xe1: {  	v47 =	vld [tilespmem:$0x1C1E8];
	[tilespmem:$0x13C78] =	vst v2  }
0xe2: {  	v2 =	vld [tilespmem:$0x1C1C8];
	[tilespmem:$0x13C88] =	vst v3  }
0xe3: {  	v3 =	vld [tilespmem:$0x1C1D8];
	[tilespmem:$0x13C98] =	vst v4  }
0xe4: {  	[tilespmem:$0x13CA8] =	vst v5  }
0xe5: {  	[tilespmem:$0x13CB8] =	vst v6  }
0xe6: {  	s2 =	rddreg [dreg:$0x9];
	[tilespmem:$0x13CE8] =	vst v47  }
0xe7: {  	s21 =	simm.s32 @p1 $0x17CF8;
	s19 =	sadd.s32 @p1 s15, s2;
	[tilespmem:$0x13CC8] =	vst v2  }
0xe8: {  	s1 =	simm.s32 @p1 $0x0;
	s23 =	simm.s32 @p1 $0x2;
	s2 =	sadd.s32 @p1 $0x800, s19;
	[tilespmem:$0x13CD8] =	vst v3  }
0xe9: {  	[tilespmem:s21], [sflag:$0x2] =	stream.linear.gather @p1 [hbm4b:s2+s1], $0x4000, $0x38;
	[tilespmem:$0x1C4F8] =	vst v63  }
0xea: {  	_ =	swait.ge @p1 [sflag:s23], $0x4000  }
0xeb: {  	[sflag:s23] =	ssyncset.done @p1 $0x0  }
0xec: {  	s25 =	simm.s32 @p1 $0x80;
	s28 =	simm.s32 @p1 $0x13C78;
	[sflag:s23] =	ssyncadd.s32 @p1 $0xFFFFC000  }
0xed: {  	[spmem:s10] =	stream.indirect.scatter.add.f32 @p1 [tilespmem:s21], [sflag:$0x4], $0x80, s28, s25, $0xb8;
	[tilespmem:$0x1C4F8] =	vst v63  }
0xee: {  	s5 =	simm.s32 @p1 $0x1BCF8;
	s12 =	simm.s32 @p1 $0x3  }
0xef: {  	[spmem:s24] =	stream.indirect.scatter.add.f32 @p1 [tilespmem:s5], [sflag:$0x6], $0x1, s28, s25, $0xb8;
	[tilespmem:$0x1C4F8] =	vst v63  }
0xf0: {  	_ =	swait.ge @p1 [sflag:s12], $0x4000  }
0xf1: {  	[sflag:s12] =	ssyncset.done @p1 $0x0  }
0xf2: {  	s18 =	simm.s32 @p1 $0x5;
	[sflag:s12] =	ssyncadd.s32 @p1 $0xFFFFC000  }
0xf3: {  	_ =	swait.ge @p1 [sflag:s18], $0x80  }
0xf4: {  	[sflag:s18] =	ssyncset.done @p1 $0x0  }
0xf5: {  	[sflag:s18] =	ssyncadd.s32 @p1 $0xFFFFFF80  }
0xf6: {  	v2 =	vld @!p1 [tilespmem:$0x1BE78]  }
0xf7: {  	v3 =	vld @!p1 [tilespmem:$0x1BE88]  }
0xf8: {  	v4 =	vld @!p1 [tilespmem:$0x1BE98]  }
0xf9: {  	v5 =	vld @!p1 [tilespmem:$0x1BEA8]  }
0xfa: {  	v6 =	vld @!p1 [tilespmem:$0x1BEB8]  }
0xfb: {  	[tilespmem:$0x13B78] =	vst @!p1 v2;
	v2 =	vld @!p1 [tilespmem:$0x1BEC8]  }
0xfc: {  	[tilespmem:$0x13B88] =	vst @!p1 v3;
	v3 =	vld @!p1 [tilespmem:$0x1BED8]  }
0xfd: {  	[tilespmem:$0x13B98] =	vst @!p1 v4;
	v4 =	vld @!p1 [tilespmem:$0x1BEE8]  }
0xfe: {  	[tilespmem:$0x13BA8] =	vst @!p1 v5  }
0xff: {  	[tilespmem:$0x13BB8] =	vst @!p1 v6  }
0x100: {  	[tilespmem:$0x13BC8] =	vst @!p1 v2  }
0x101: {  	[tilespmem:$0x13BD8] =	vst @!p1 v3  }
0x102: {  	s30 =	simm.s32 @!p1 $0x13B78;
	s11 =	simm.s32 @!p1 $0x17CF8;
	s20 =	simm.s32 @!p1 $0x2;
	[tilespmem:$0x13BE8] =	vst @!p1 v4  }
0x103: {  	[tilespmem:s11], [sflag:$0x2] =	stream.indirect.gather @!p1 [hbm4b:s29+s26], $0x80, s30, s26, $0xb8;
	[tilespmem:$0x1C4F8] =	vst v63  }
0x104: {  	_ =	swait.ge @!p1 [sflag:s20], $0x4000  }
0x105: {  	[sflag:s20] =	ssyncset.done @!p1 $0x0  }
0x106: {  	s7 =	simm.s32 @!p1 $0x13C78;
	s31 =	simm.s32 @!p1 $0x3;
	[sflag:s20] =	ssyncadd.s32 @!p1 $0xFFFFC000  }
0x107: {  	[spmem:s10] =	stream.indirect.scatter.add.f32 @!p1 [tilespmem:s11], [sflag:$0x4], $0x80, s7, s26, $0xb8;
	[tilespmem:$0x1C4F8] =	vst v63  }
0x108: {  	_ =	swait.ge @!p1 [sflag:s31], $0x4000  }
0x109: {  	[sflag:s31] =	ssyncset.done @!p1 $0x0  }
0x10a: {  	[sflag:s31] =	ssyncadd.s32 @!p1 $0xFFFFC000  }
0x10b: {  	v2 =	vld [tilespmem:$0x1C1F8]  }
0x10c: {  	v3 =	vld [tilespmem:$0x1C208]  }
0x10d: {  	v48 =	vld [tilespmem:$0x1C218]  }
0x10e: {  	v49 =	vld [tilespmem:$0x1C228]  }
0x10f: {  	v50 =	vld [tilespmem:$0x1C238]  }
0x110: {  	v51 =	vld [tilespmem:$0x1C268];
	[tilespmem:$0x13BF8] =	vst v2  }
0x111: {  	v2 =	vld [tilespmem:$0x1C248];
	[tilespmem:$0x13C08] =	vst v3  }
0x112: {  	v3 =	vld [tilespmem:$0x1C258];
	[tilespmem:$0x13C18] =	vst v48  }
0x113: {  	[tilespmem:$0x13C28] =	vst v49  }
0x114: {  	[tilespmem:$0x13C38] =	vst v50  }
0x115: {  	[tilespmem:$0x13C68] =	vst v51  }
0x116: {  	[tilespmem:$0x13C48] =	vst v2  }
0x117: {  	s9 =	simm.s32 @p1 $0x13CF8;
	s2 =	sadd.s32 @p1 $0x1000, s19;
	[tilespmem:$0x13C58] =	vst v3  }
0x118: {  	[tilespmem:s9], [sflag:$0x1] =	stream.linear.gather @p1 [hbm4b:s2+s1], $0x4000, $0x38;
	[tilespmem:$0x1C4F8] =	vst v63  }
0x119: {  	s2 =	simm.s32 @p1 $0x1  }
0x11a: {  	_ =	swait.ge @p1 [sflag:s2], $0x4000  }
0x11b: {  	[sflag:s2] =	ssyncset.done @p1 $0x0  }
0x11c: {  	s3 =	simm.s32 @p1 $0x13BF8;
	[sflag:s2] =	ssyncadd.s32 @p1 $0xFFFFC000  }
0x11d: {  	[spmem:s10] =	stream.indirect.scatter.add.f32 @p1 [tilespmem:s9], [sflag:$0x3], $0x80, s3, s25, $0xb8;
	[tilespmem:$0x1C4F8] =	vst v63  }
0x11e: {  	s16 =	simm.s32 @p1 $0x4  }
0x11f: {  	[spmem:s24] =	stream.indirect.scatter.add.f32 @p1 [tilespmem:s5], [sflag:$0x5], $0x1, s3, s25, $0xb8;
	[tilespmem:$0x1C4F8] =	vst v63  }
0x120: {  	_ =	swait.ge @p1 [sflag:s16], $0x4000  }
0x121: {  	[sflag:s16] =	ssyncset.done @p1 $0x0  }
0x122: {  	s4 =	simm.s32 @p1 $0x6;
	[sflag:s16] =	ssyncadd.s32 @p1 $0xFFFFC000  }
0x123: {  	_ =	swait.ge @p1 [sflag:s4], $0x80  }
0x124: {  	[sflag:s4] =	ssyncset.done @p1 $0x0  }
0x125: {  	[sflag:s4] =	ssyncadd.s32 @p1 $0xFFFFFF80  }
0x126: {  	v2 =	vld @!p1 [tilespmem:$0x1BEF8]  }
0x127: {  	v3 =	vld @!p1 [tilespmem:$0x1BF08]  }
0x128: {  	v4 =	vld @!p1 [tilespmem:$0x1BF18]  }
0x129: {  	v5 =	vld @!p1 [tilespmem:$0x1BF28]  }
0x12a: {  	v6 =	vld @!p1 [tilespmem:$0x1BF38]  }
0x12b: {  	[tilespmem:$0x13AF8] =	vst @!p1 v2;
	v2 =	vld @!p1 [tilespmem:$0x1BF48]  }
0x12c: {  	[tilespmem:$0x13B08] =	vst @!p1 v3;
	v3 =	vld @!p1 [tilespmem:$0x1BF58]  }
0x12d: {  	[tilespmem:$0x13B18] =	vst @!p1 v4;
	v4 =	vld @!p1 [tilespmem:$0x1BF68]  }
0x12e: {  	[tilespmem:$0x13B28] =	vst @!p1 v5  }
0x12f: {  	[tilespmem:$0x13B38] =	vst @!p1 v6  }
0x130: {  	[tilespmem:$0x13B48] =	vst @!p1 v2  }
0x131: {  	[tilespmem:$0x13B58] =	vst @!p1 v3  }
0x132: {  	s0 =	simm.s32 @!p1 $0x13AF8;
	s22 =	simm.s32 @!p1 $0x13CF8;
	s6 =	simm.s32 @!p1 $0x1;
	[tilespmem:$0x13B68] =	vst @!p1 v4  }
0x133: {  	[tilespmem:s22], [sflag:$0x1] =	stream.indirect.gather @!p1 [hbm4b:s29+s26], $0x80, s0, s26, $0xb8;
	[tilespmem:$0x1C4F8] =	vst v63  }
0x134: {  	_ =	swait.ge @!p1 [sflag:s6], $0x4000  }
0x135: {  	[sflag:s6] =	ssyncset.done @!p1 $0x0  }
0x136: {  	s8 =	simm.s32 @!p1 $0x13BF8;
	s14 =	simm.s32 @!p1 $0x4;
	[sflag:s6] =	ssyncadd.s32 @!p1 $0xFFFFC000  }
0x137: {  	[spmem:s10] =	stream.indirect.scatter.add.f32 @!p1 [tilespmem:s22], [sflag:$0x3], $0x80, s8, s26, $0xb8;
	[tilespmem:$0x1C4F8] =	vst v63  }
0x138: {  	_ =	swait.ge @!p1 [sflag:s14], $0x4000  }
0x139: {  	[sflag:s14] =	ssyncset.done @!p1 $0x0  }
0x13a: {  	[sflag:s14] =	ssyncadd.s32 @!p1 $0xFFFFC000  }
0x13b: {  	v2 =	vld [tilespmem:$0x1C278]  }
0x13c: {  	v3 =	vld [tilespmem:$0x1C288]  }
0x13d: {  	v52 =	vld [tilespmem:$0x1C298]  }
0x13e: {  	v53 =	vld [tilespmem:$0x1C2A8]  }
0x13f: {  	v54 =	vld [tilespmem:$0x1C2B8]  }
0x140: {  	v55 =	vld [tilespmem:$0x1C2E8];
	[tilespmem:$0x13C78] =	vst v2  }
0x141: {  	v2 =	vld [tilespmem:$0x1C2C8];
	[tilespmem:$0x13C88] =	vst v3  }
0x142: {  	v3 =	vld [tilespmem:$0x1C2D8];
	[tilespmem:$0x13C98] =	vst v52  }
0x143: {  	[tilespmem:$0x13CA8] =	vst v53  }
0x144: {  	[tilespmem:$0x13CB8] =	vst v54  }
0x145: {  	[tilespmem:$0x13CE8] =	vst v55  }
0x146: {  	[tilespmem:$0x13CC8] =	vst v2  }
0x147: {  	s17 =	smov.u32 s29;
	s29 =	sadd.s32 @p1 $0x1800, s19;
	[tilespmem:$0x13CD8] =	vst v3  }
0x148: {  	[tilespmem:s21], [sflag:$0x2] =	stream.linear.gather @p1 [hbm4b:s29+s1], $0x4000, $0x38;
	[tilespmem:$0x1C4F8] =	vst v63  }
0x149: {  	_ =	swait.ge @p1 [sflag:s23], $0x4000  }
0x14a: {  	[sflag:s23] =	ssyncset.done @p1 $0x0  }
0x14b: {  	[sflag:s23] =	ssyncadd.s32 @p1 $0xFFFFC000  }
0x14c: {  	[spmem:s10] =	stream.indirect.scatter.add.f32 @p1 [tilespmem:s21], [sflag:$0x4], $0x80, s28, s25, $0xb8;
	[tilespmem:$0x1C4F8] =	vst v63  }
0x14d: {  	_ = 	snop  }
0x14e: {  	[spmem:s24] =	stream.indirect.scatter.add.f32 @p1 [tilespmem:s5], [sflag:$0x6], $0x1, s28, s25, $0xb8;
	[tilespmem:$0x1C4F8] =	vst v63  }
0x14f: {  	_ =	swait.ge @p1 [sflag:s12], $0x4000  }
0x150: {  	[sflag:s12] =	ssyncset.done @p1 $0x0  }
0x151: {  	[sflag:s12] =	ssyncadd.s32 @p1 $0xFFFFC000  }
0x152: {  	_ =	swait.ge @p1 [sflag:s18], $0x80  }
0x153: {  	[sflag:s18] =	ssyncset.done @p1 $0x0  }
0x154: {  	[sflag:s18] =	ssyncadd.s32 @p1 $0xFFFFFF80  }
0x155: {  	v2 =	vld @!p1 [tilespmem:$0x1BF78]  }
0x156: {  	v3 =	vld @!p1 [tilespmem:$0x1BF88]  }
0x157: {  	v4 =	vld @!p1 [tilespmem:$0x1BF98]  }
0x158: {  	v5 =	vld @!p1 [tilespmem:$0x1BFA8]  }
0x159: {  	v6 =	vld @!p1 [tilespmem:$0x1BFB8]  }
0x15a: {  	[tilespmem:$0x13B78] =	vst @!p1 v2;
	v2 =	vld @!p1 [tilespmem:$0x1BFC8]  }
0x15b: {  	[tilespmem:$0x13B88] =	vst @!p1 v3;
	v3 =	vld @!p1 [tilespmem:$0x1BFD8]  }
0x15c: {  	[tilespmem:$0x13B98] =	vst @!p1 v4;
	v4 =	vld @!p1 [tilespmem:$0x1BFE8]  }
0x15d: {  	[tilespmem:$0x13BA8] =	vst @!p1 v5  }
0x15e: {  	[tilespmem:$0x13BB8] =	vst @!p1 v6  }
0x15f: {  	[tilespmem:$0x13BC8] =	vst @!p1 v2  }
0x160: {  	[tilespmem:$0x13BD8] =	vst @!p1 v3  }
0x161: {  	[tilespmem:$0x13BE8] =	vst @!p1 v4  }
0x162: {  	[tilespmem:s11], [sflag:$0x2] =	stream.indirect.gather @!p1 [hbm4b:s17+s26], $0x80, s30, s26, $0xb8;
	[tilespmem:$0x1C4F8] =	vst v63  }
0x163: {  	_ =	swait.ge @!p1 [sflag:s20], $0x4000  }
0x164: {  	[sflag:s20] =	ssyncset.done @!p1 $0x0  }
0x165: {  	[sflag:s20] =	ssyncadd.s32 @!p1 $0xFFFFC000  }
0x166: {  	[spmem:s10] =	stream.indirect.scatter.add.f32 @!p1 [tilespmem:s11], [sflag:$0x4], $0x80, s7, s26, $0xb8;
	[tilespmem:$0x1C4F8] =	vst v63  }
0x167: {  	_ =	swait.ge @!p1 [sflag:s31], $0x4000  }
0x168: {  	[sflag:s31] =	ssyncset.done @!p1 $0x0  }
0x169: {  	[sflag:s31] =	ssyncadd.s32 @!p1 $0xFFFFC000  }
0x16a: {  	v2 =	vld [tilespmem:$0x1C2F8]  }
0x16b: {  	v3 =	vld [tilespmem:$0x1C308]  }
0x16c: {  	v56 =	vld [tilespmem:$0x1C318]  }
0x16d: {  	v57 =	vld [tilespmem:$0x1C328]  }
0x16e: {  	v58 =	vld [tilespmem:$0x1C338]  }
0x16f: {  	v59 =	vld [tilespmem:$0x1C368];
	[tilespmem:$0x13BF8] =	vst v2  }
0x170: {  	v2 =	vld [tilespmem:$0x1C348];
	[tilespmem:$0x13C08] =	vst v3  }
0x171: {  	v3 =	vld [tilespmem:$0x1C358];
	[tilespmem:$0x13C18] =	vst v56  }
0x172: {  	[tilespmem:$0x13C28] =	vst v57  }
0x173: {  	[tilespmem:$0x13C38] =	vst v58  }
0x174: {  	[tilespmem:$0x13C68] =	vst v59  }
0x175: {  	[tilespmem:$0x13C48] =	vst v2  }
0x176: {  	s29 =	sadd.s32 @p1 $0x2000, s19;
	[tilespmem:$0x13C58] =	vst v3  }
0x177: {  	[tilespmem:s9], [sflag:$0x1] =	stream.linear.gather @p1 [hbm4b:s29+s1], $0x4000, $0x38;
	[tilespmem:$0x1C4F8] =	vst v63  }
0x178: {  	_ =	swait.ge @p1 [sflag:s2], $0x4000  }
0x179: {  	[sflag:s2] =	ssyncset.done @p1 $0x0  }
0x17a: {  	[sflag:s2] =	ssyncadd.s32 @p1 $0xFFFFC000  }
0x17b: {  	[spmem:s10] =	stream.indirect.scatter.add.f32 @p1 [tilespmem:s9], [sflag:$0x3], $0x80, s3, s25, $0xb8;
	[tilespmem:$0x1C4F8] =	vst v63  }
0x17c: {  	_ = 	snop  }
0x17d: {  	[spmem:s24] =	stream.indirect.scatter.add.f32 @p1 [tilespmem:s5], [sflag:$0x5], $0x1, s3, s25, $0xb8;
	[tilespmem:$0x1C4F8] =	vst v63  }
0x17e: {  	_ =	swait.ge @p1 [sflag:s16], $0x4000  }
0x17f: {  	[sflag:s16] =	ssyncset.done @p1 $0x0  }
0x180: {  	[sflag:s16] =	ssyncadd.s32 @p1 $0xFFFFC000  }
0x181: {  	_ =	swait.ge @p1 [sflag:s4], $0x80  }
0x182: {  	[sflag:s4] =	ssyncset.done @p1 $0x0  }
0x183: {  	[sflag:s4] =	ssyncadd.s32 @p1 $0xFFFFFF80  }
0x184: {  	v2 =	vld @!p1 [tilespmem:$0x1BFF8]  }
0x185: {  	v3 =	vld @!p1 [tilespmem:$0x1C008]  }
0x186: {  	v4 =	vld @!p1 [tilespmem:$0x1C018]  }
0x187: {  	v5 =	vld @!p1 [tilespmem:$0x1C028]  }
0x188: {  	v6 =	vld @!p1 [tilespmem:$0x1C038]  }
0x189: {  	[tilespmem:$0x13AF8] =	vst @!p1 v2;
	v2 =	vld @!p1 [tilespmem:$0x1C048]  }
0x18a: {  	[tilespmem:$0x13B08] =	vst @!p1 v3;
	v3 =	vld @!p1 [tilespmem:$0x1C058]  }
0x18b: {  	[tilespmem:$0x13B18] =	vst @!p1 v4;
	v4 =	vld @!p1 [tilespmem:$0x1C068]  }
0x18c: {  	[tilespmem:$0x13B28] =	vst @!p1 v5  }
0x18d: {  	[tilespmem:$0x13B38] =	vst @!p1 v6  }
0x18e: {  	[tilespmem:$0x13B48] =	vst @!p1 v2  }
0x18f: {  	[tilespmem:$0x13B58] =	vst @!p1 v3  }
0x190: {  	[tilespmem:$0x13B68] =	vst @!p1 v4  }
0x191: {  	[tilespmem:s22], [sflag:$0x1] =	stream.indirect.gather @!p1 [hbm4b:s17+s26], $0x80, s0, s26, $0xb8;
	[tilespmem:$0x1C4F8] =	vst v63  }
0x192: {  	_ =	swait.ge @!p1 [sflag:s6], $0x4000  }
0x193: {  	[sflag:s6] =	ssyncset.done @!p1 $0x0  }
0x194: {  	[sflag:s6] =	ssyncadd.s32 @!p1 $0xFFFFC000  }
0x195: {  	[spmem:s10] =	stream.indirect.scatter.add.f32 @!p1 [tilespmem:s22], [sflag:$0x3], $0x80, s8, s26, $0xb8;
	[tilespmem:$0x1C4F8] =	vst v63  }
0x196: {  	_ =	swait.ge @!p1 [sflag:s14], $0x4000  }
0x197: {  	[sflag:s14] =	ssyncset.done @!p1 $0x0  }
0x198: {  	[sflag:s14] =	ssyncadd.s32 @!p1 $0xFFFFC000  }
0x199: {  	v2 =	vld [tilespmem:$0x1C378]  }
0x19a: {  	v3 =	vld [tilespmem:$0x1C388]  }
0x19b: {  	v60 =	vld [tilespmem:$0x1C398]  }
0x19c: {  	v61 =	vld [tilespmem:$0x1C3A8]  }
0x19d: {  	v62 =	vld [tilespmem:$0x1C3B8]  }
0x19e: {  	v63 =	vld [tilespmem:$0x1C3E8];
	[tilespmem:$0x13C78] =	vst v2  }
0x19f: {  	v2 =	vld [tilespmem:$0x1C3C8];
	[tilespmem:$0x13C88] =	vst v3  }
0x1a0: {  	v3 =	vld [tilespmem:$0x1C3D8];
	[tilespmem:$0x13C98] =	vst v60  }
0x1a1: {  	[tilespmem:$0x13CA8] =	vst v61  }
0x1a2: {  	[tilespmem:$0x13CB8] =	vst v62  }
0x1a3: {  	[tilespmem:$0x13CE8] =	vst v63  }
0x1a4: {  	[tilespmem:$0x13CC8] =	vst v2  }
0x1a5: {  	s2 =	sadd.s32 @p1 $0x2800, s19;
	[tilespmem:$0x13CD8] =	vst v3  }
0x1a6: {  	[tilespmem:s21], [sflag:$0x2] =	stream.linear.gather @p1 [hbm4b:s2+s1], $0x4000, $0x38;
	[tilespmem:$0x1C4F8] =	vst v63  }
0x1a7: {  	_ =	swait.ge @p1 [sflag:s23], $0x4000  }
0x1a8: {  	[sflag:s23] =	ssyncset.done @p1 $0x0  }
0x1a9: {  	[sflag:s23] =	ssyncadd.s32 @p1 $0xFFFFC000  }
0x1aa: {  	[spmem:s10] =	stream.indirect.scatter.add.f32 @p1 [tilespmem:s21], [sflag:$0x4], $0x80, s28, s25, $0xb8;
	[tilespmem:$0x1C4F8] =	vst v63  }
0x1ab: {  	_ = 	snop  }
0x1ac: {  	[spmem:s24] =	stream.indirect.scatter.add.f32 @p1 [tilespmem:s5], [sflag:$0x6], $0x1, s28, s25, $0xb8;
	[tilespmem:$0x1C4F8] =	vst v63  }
0x1ad: {  	_ =	swait.ge @p1 [sflag:s12], $0x4000  }
0x1ae: {  	[sflag:s12] =	ssyncset.done @p1 $0x0  }
0x1af: {  	[sflag:s12] =	ssyncadd.s32 @p1 $0xFFFFC000  }
0x1b0: {  	_ =	swait.ge @p1 [sflag:s18], $0x80  }
0x1b1: {  	[sflag:s18] =	ssyncset.done @p1 $0x0  }
0x1b2: {  	[sflag:s18] =	ssyncadd.s32 @p1 $0xFFFFFF80  }
0x1b3: {  	v2 =	vld @!p1 [tilespmem:$0x1C078]  }
0x1b4: {  	v3 =	vld @!p1 [tilespmem:$0x1C088]  }
0x1b5: {  	v4 =	vld @!p1 [tilespmem:$0x1C098]  }
0x1b6: {  	v5 =	vld @!p1 [tilespmem:$0x1C0A8]  }
0x1b7: {  	v6 =	vld @!p1 [tilespmem:$0x1C0B8]  }
0x1b8: {  	[tilespmem:$0x13B78] =	vst @!p1 v2;
	v2 =	vld @!p1 [tilespmem:$0x1C0C8]  }
0x1b9: {  	[tilespmem:$0x13B88] =	vst @!p1 v3;
	v3 =	vld @!p1 [tilespmem:$0x1C0D8]  }
0x1ba: {  	[tilespmem:$0x13B98] =	vst @!p1 v4;
	v4 =	vld @!p1 [tilespmem:$0x1C0E8]  }
0x1bb: {  	[tilespmem:$0x13BA8] =	vst @!p1 v5  }
0x1bc: {  	[tilespmem:$0x13BB8] =	vst @!p1 v6  }
0x1bd: {  	[tilespmem:$0x13BC8] =	vst @!p1 v2  }
0x1be: {  	[tilespmem:$0x13BD8] =	vst @!p1 v3  }
0x1bf: {  	[tilespmem:$0x13BE8] =	vst @!p1 v4  }
0x1c0: {  	[tilespmem:s11], [sflag:$0x2] =	stream.indirect.gather @!p1 [hbm4b:s17+s26], $0x80, s30, s26, $0xb8;
	[tilespmem:$0x1C4F8] =	vst v63  }
0x1c1: {  	_ =	swait.ge @!p1 [sflag:s20], $0x4000  }
0x1c2: {  	p4 =	seq.s32 s15, $0x4B000;
	[sflag:s20] =	ssyncset.done @!p1 $0x0  }
.Ltmp3:
0x1c3: {  	[sflag:s20] =	ssyncadd.s32 @!p1 $0xFFFFC000;
	(pc) =	sbr.rel @p4 .LBB2_6-.Ltmp3, $4  }
0x1c4: {  	[spmem:s10] =	stream.indirect.scatter.add.f32 @!p1 [tilespmem:s11], [sflag:$0x4], $0x80, s7, s26, $0xb8;
	[tilespmem:$0x1C4F8] =	vst v63  }
0x1c5: {  	_ =	swait.ge @!p1 [sflag:s31], $0x4000  }
0x1c6: {  	[sflag:s31] =	ssyncset.done @!p1 $0x0  }
0x1c7: {  	s29 =	smov.u32 s17;
	[sflag:s31] =	ssyncadd.s32 @!p1 $0xFFFFC000  }
0x1c8: {  	s0 =	sld [smem:$0x7F5];
	_ =	sdelay $0x1  }
0x1c9: {  	s2 =	simm.s32 $0x0;
	s3 =	simm.s32 $0x1C0F8;
	s31 =	simm.s32 $0x7  }
0x1ca: {  	[tilespmem:s3], [sflag:$0x7] =	stream.linear.gather [hbm4b:s0+s2], $0x300, $0x38;
	[tilespmem:$0x1C4F8] =	vst v63  }
0x1cb: {  	_ =	swait.ge [sflag:s31], $0x300  }
0x1cc: {  	[sflag:s31] =	ssyncset.done $0x0  }
0x1cd: {  	s2 =	simm.s32 @!p1 $0x0;
	s3 =	simm.s32 @!p1 $0x1BDF8;
	[sflag:s31] =	ssyncadd.s32 $0xFFFFFD00  }
0x1ce: {  	[tilespmem:s3], [sflag:$0x7] =	stream.linear.gather @!p1 [hbm4b:s13+s2], $0x300, $0x38;
	[tilespmem:$0x1C4F8] =	vst v63  }
0x1cf: {  	s2 =	simm.s32 @!p1 $0x7  }
0x1d0: {  	_ =	swait.ge @!p1 [sflag:s2], $0x300  }
0x1d1: {  	[sflag:s2] =	ssyncset.done @!p1 $0x0  }
0x1d2: {  	[sflag:s2] =	ssyncadd.s32 @!p1 $0xFFFFFD00  }
0x1d3: {  	v2 =	vld [tilespmem:$0x1C0F8]  }
0x1d4: {  	v3 =	vld [tilespmem:$0x1C108]  }
0x1d5: {  	v4 =	vld [tilespmem:$0x1C118]  }
0x1d6: {  	v5 =	vld [tilespmem:$0x1C128]  }
0x1d7: {  	v6 =	vld [tilespmem:$0x1C138]  }
0x1d8: {  	v63 =	vld [tilespmem:$0x1C168];
	[tilespmem:$0x13BF8] =	vst v2  }
0x1d9: {  	v2 =	vld [tilespmem:$0x1C148];
	[tilespmem:$0x13C08] =	vst v3  }
0x1da: {  	v3 =	vld [tilespmem:$0x1C158];
	[tilespmem:$0x13C18] =	vst v4  }
0x1db: {  	[tilespmem:$0x13C28] =	vst v5  }
0x1dc: {  	[tilespmem:$0x13C38] =	vst v6  }
0x1dd: {  	[tilespmem:$0x13C68] =	vst v63  }
0x1de: {  	[tilespmem:$0x13C48] =	vst v2  }
0x1df: {  	s4 =	simm.s32 @p1 $0x13CF8;
	s3 =	simm.s32 @p1 $0x0;
	s2 =	sadd.s32 @p1 $0x3000, s19;
	[tilespmem:$0x13C58] =	vst v3  }
0x1e0: {  	[tilespmem:s4], [sflag:$0x1] =	stream.linear.gather @p1 [hbm4b:s2+s3], $0x4000, $0x38;
	[tilespmem:$0x1C4F8] =	vst v63  }
0x1e1: {  	v2 =	vld @!p1 [tilespmem:$0x1BDF8]  }
0x1e2: {  	v3 =	vld @!p1 [tilespmem:$0x1BE08]  }
0x1e3: {  	v4 =	vld @!p1 [tilespmem:$0x1BE18]  }
0x1e4: {  	v5 =	vld @!p1 [tilespmem:$0x1BE28]  }
0x1e5: {  	v6 =	vld @!p1 [tilespmem:$0x1BE38]  }
0x1e6: {  	[tilespmem:$0x13AF8] =	vst @!p1 v2;
	v2 =	vld @!p1 [tilespmem:$0x1BE48]  }
0x1e7: {  	[tilespmem:$0x13B08] =	vst @!p1 v3;
	v3 =	vld @!p1 [tilespmem:$0x1BE58]  }
0x1e8: {  	[tilespmem:$0x13B18] =	vst @!p1 v4;
	v4 =	vld @!p1 [tilespmem:$0x1BE68]  }
0x1e9: {  	[tilespmem:$0x13B28] =	vst @!p1 v5  }
.Ltmp4:
0x1ea: {  	[tilespmem:$0x13B38] =	vst @!p1 v6;
	(pc) =	sbr.rel .LBB2_4-.Ltmp4, $4  }
0x1eb: {  	s0 =	sadd.s32 $0x60, s0;
	[tilespmem:$0x13B48] =	vst @!p1 v2  }
0x1ec: {  	s15 =	sadd.s32 $0x3000, s15;
	s13 =	sadd.s32 $0x60, s13;
	[smem:$0x7F5] =	sst s0;
	[tilespmem:$0x13B58] =	vst @!p1 v3  }
0x1ed: {  	s2 =	simm.s32 @!p1 $0x80;
	s3 =	simm.s32 @!p1 $0x13AF8;
	s4 =	simm.s32 @!p1 $0x13CF8;
	[tilespmem:$0x13B68] =	vst @!p1 v4  }
0x1ee: {  	[tilespmem:s4], [sflag:$0x1] =	stream.indirect.gather @!p1 [hbm4b:s29+s2], $0x80, s3, s2, $0xb8;
	[tilespmem:$0x1C4F8] =	vst v63  }
.LBB2_6:
.Ltmp5:
0x1ef: {  	(pc) =	sbr.rel @p2 .LBB2_8-.Ltmp5, $4  }
0x1f0: {  	s2 =	simm.s32 $0x4  }
0x1f1: {  	_ =	swait.ge [sflag:s2], $0x4000  }
0x1f2: {  	[sflag:s2] =	ssyncset.done $0x0;
	s11 =	rddreg [dreg:$0x13]  }
0x1f3: {  	s6 =	sld [smem:$0x7FD];
	[sflag:s2] =	ssyncadd.s32 $0xFFFFC000  }
0x1f4: {  	s2 =	simm.s32 $0x6  }
0x1f5: {  	_ =	swait.ge [sflag:s2], $0x80  }
0x1f6: {  	s4 =	simm.s32 $0x0;
	s5 =	simm.s32 $0x1C478;
	[sflag:s2] =	ssyncset.done $0x0  }
0x1f7: {  	s7 =	simm.s32 $0x7;
	s10 =	rddreg [dreg:$0x11];
	[sflag:s2] =	ssyncadd.s32 $0xFFFFFF80  }
0x1f8: {  	[tilespmem:s5], [sflag:$0x7] =	stream.linear.gather [hbm4b:s10+s4], $0x20, $0x38;
	[tilespmem:$0x1C4F8] =	vst v63  }
0x1f9: {  	_ =	swait.ge [sflag:s7], $0x20  }
0x1fa: {  	[sflag:s7] =	ssyncset.done $0x0  }
0x1fb: {  	s3 =	simm.s32 $0x13CF8;
	s12 =	rddreg [dreg:$0xa];
	[sflag:s7] =	ssyncadd.s32 $0xFFFFFFE0  }
0x1fc: {  	[tilespmem:s3], [sflag:$0x7] =	stream.linear.gather [hbm4b:s12+s4], $0x1000, $0x38;
	[tilespmem:$0x1C4F8] =	vst v63  }
0x1fd: {  	_ =	swait.ge [sflag:s7], $0x1000  }
0x1fe: {  	[sflag:s7] =	ssyncset.done $0x0  }
0x1ff: {  	[sflag:s7] =	ssyncadd.s32 $0xFFFFF000  }
0x200: {  	s13 =	simm.s32 $0x20;
	s0 =	rddreg [dreg:$0x4]  }
0x201: {  	[spmem:s0] =	stream.indirect.scatter.add.f32 [tilespmem:s3], [sflag:$0x7], $0x80, s5, s13, $0xb8;
	[tilespmem:$0x1C4F8] =	vst v63  }
0x202: {  	_ =	swait.ge [sflag:s7], $0x1000  }
0x203: {  	[sflag:s7] =	ssyncset.done $0x0  }
0x204: {  	[sflag:s7] =	ssyncadd.s32 $0xFFFFF000  }
0x205: {  	s14 =	simm.s32 $0x1BCF8;
	s15 =	rddreg [dreg:$0x5]  }
0x206: {  	[spmem:s15] =	stream.indirect.scatter.add.f32 [tilespmem:s14], [sflag:$0x7], $0x1, s5, s13, $0xb8;
	[tilespmem:$0x1C4F8] =	vst v63  }
0x207: {  	_ =	swait.ge [sflag:s7], $0x20  }
0x208: {  	[sflag:s7] =	ssyncset.done $0x0  }
0x209: {  	s16 =	stileid.u32;
	[sflag:s7] =	ssyncadd.s32 $0xFFFFFFE0  }
0x20a: {  	s2 =	sshll.u32 s16, $0x6;
	[bflag:$0x0] =	sbarrier.arrive $0xFFFF  }
0x20b: {  	s17 =	sshrl.u32 s11, $0x3;
	s2 =	sor.u32 $0x1C07, s2;
	s18 =	rddreg [dreg:$0x1d]  }
0x20c: {  	[hbm:s18], [sflag:s2] =	dma.local [spmem:s17], $0x2700  }
0x20d: {  	_ =	swait.ge [sflag:s7], $0x2700  }
0x20e: {  	[sflag:s7] =	ssyncset.done $0x0  }
0x20f: {  	s20 =	simm.s32 $0x1BD78;
	s19 =	rddreg [dreg:$0x14];
	[sflag:s7] =	ssyncadd.s32 $0xFFFFD900  }
0x210: {  	[tilespmem:s20], [sflag:$0x7] =	stream.linear.gather [spmem:s19], $0x80, $0x38;
	[tilespmem:$0x1C4F8] =	vst v63  }
0x211: {  	_ =	swait.ge [sflag:s7], $0x80  }
0x212: {  	[sflag:s7] =	ssyncset.done $0x0  }
0x213: {  	s21 =	rddreg [dreg:$0xb];
	[sflag:s7] =	ssyncadd.s32 $0xFFFFFF80  }
0x214: {  	[hbm4b:s21+s4] =	stream.linear.scatter [tilespmem:s20], [sflag:$0x7], $0x80, $0x38;
	[tilespmem:$0x1C4F8] =	vst v63  }
0x215: {  	_ =	swait.ge [sflag:s7], $0x80  }
0x216: {  	[sflag:s7] =	ssyncset.done $0x0  }
0x217: {  	s22 =	rddreg [dreg:$0x16];
	[sflag:s7] =	ssyncadd.s32 $0xFFFFFF80  }
0x218: {  	[tilespmem:s20], [sflag:$0x7] =	stream.linear.gather [spmem:s22], $0x80, $0x38;
	[tilespmem:$0x1C4F8] =	vst v63  }
0x219: {  	_ =	swait.ge [sflag:s7], $0x80  }
0x21a: {  	[sflag:s7] =	ssyncset.done $0x0  }
0x21b: {  	s23 =	rddreg [dreg:$0xc];
	[sflag:s7] =	ssyncadd.s32 $0xFFFFFF80  }
0x21c: {  	[hbm4b:s23+s4] =	stream.linear.scatter [tilespmem:s20], [sflag:$0x7], $0x80, $0x38;
	[tilespmem:$0x1C4F8] =	vst v63  }
0x21d: {  	_ =	swait.ge [sflag:s7], $0x80  }
0x21e: {  	[sflag:s7] =	ssyncset.done $0x0  }
0x21f: {  	s24 =	rddreg [dreg:$0x18];
	[sflag:s7] =	ssyncadd.s32 $0xFFFFFF80  }
0x220: {  	[tilespmem:s20], [sflag:$0x7] =	stream.linear.gather [spmem:s24], $0x80, $0x38;
	[tilespmem:$0x1C4F8] =	vst v63  }
0x221: {  	_ =	swait.ge [sflag:s7], $0x80  }
0x222: {  	[sflag:s7] =	ssyncset.done $0x0  }
0x223: {  	s25 =	rddreg [dreg:$0xd];
	[sflag:s7] =	ssyncadd.s32 $0xFFFFFF80  }
0x224: {  	[hbm4b:s25+s4] =	stream.linear.scatter [tilespmem:s20], [sflag:$0x7], $0x80, $0x38;
	[tilespmem:$0x1C4F8] =	vst v63  }
0x225: {  	_ =	swait.ge [sflag:s7], $0x80  }
0x226: {  	[sflag:s7] =	ssyncset.done $0x0  }
0x227: {  	s26 =	rddreg [dreg:$0x1a];
	[sflag:s7] =	ssyncadd.s32 $0xFFFFFF80  }
0x228: {  	[tilespmem:s20], [sflag:$0x7] =	stream.linear.gather [spmem:s26], $0x80, $0x38;
	[tilespmem:$0x1C4F8] =	vst v63  }
0x229: {  	_ =	swait.ge [sflag:s7], $0x80  }
0x22a: {  	[sflag:s7] =	ssyncset.done $0x0  }
0x22b: {  	s28 =	rddreg [dreg:$0xe];
	[sflag:s7] =	ssyncadd.s32 $0xFFFFFF80  }
0x22c: {  	[hbm4b:s28+s4] =	stream.linear.scatter [tilespmem:s20], [sflag:$0x7], $0x80, $0x38;
	[tilespmem:$0x1C4F8] =	vst v63  }
0x22d: {  	_ =	swait.ge [sflag:s7], $0x80  }
0x22e: {  	[sflag:s7] =	ssyncset.done $0x0  }
0x22f: {  	s30 =	rddreg [dreg:$0x1c];
	[sflag:s7] =	ssyncadd.s32 $0xFFFFFF80  }
0x230: {  	[tilespmem:s20], [sflag:$0x7] =	stream.linear.gather [spmem:s30], $0x70, $0x38;
	[tilespmem:$0x1C4F8] =	vst v63  }
0x231: {  	_ =	swait.ge [sflag:s7], $0x70  }
0x232: {  	[sflag:s7] =	ssyncset.done $0x0  }
0x233: {  	s31 =	rddreg [dreg:$0xf];
	[sflag:s7] =	ssyncadd.s32 $0xFFFFFF90  }
0x234: {  	[hbm4b:s31+s4] =	stream.linear.scatter [tilespmem:s20], [sflag:$0x7], $0x70, $0x38;
	[tilespmem:$0x1C4F8] =	vst v63  }
0x235: {  	_ =	swait.ge [sflag:s7], $0x70  }
0x236: {  	[sflag:s7] =	ssyncset.done $0x0  }
0x237: {  	s3 =	sshrl.u32 @p3 s6, $0x3;
	s4 =	rddreg [dreg:$0x1e];
	[sflag:s7] =	ssyncadd.s32 $0xFFFFFF90  }
0x238: {  	[hbm:s4], [sflag:s2] =	dma.local @p3 [spmem:s3], $0x100  }
0x239: {  	s2 =	simm.s32 @p3 $0x7  }
0x23a: {  	_ =	swait.ge @p3 [sflag:s2], $0x100  }
0x23b: {  	s4 =	sld [smem:$0x7FC]  }
0x23c: {  	[sflag:s2] =	ssyncset.done @p3 $0x0  }
0x23d: {  	s3 =	simm.s32 @p3 $0x1BD78;
	[sflag:s2] =	ssyncadd.s32 @p3 $0xFFFFFF00  }
0x23e: {  	[tilespmem:s3], [sflag:$0x7] =	stream.linear.gather @p3 [spmem:s4], $0x10, $0x38;
	[tilespmem:$0x1C4F8] =	vst v63  }
0x23f: {  	_ =	swait.ge @p3 [sflag:s2], $0x10  }
0x240: {  	s4 =	simm.s32 @p3 $0x0;
	[sflag:s2] =	ssyncset.done @p3 $0x0  }
.Ltmp6:
0x241: {  	s5 =	rddreg [dreg:$0x1f];
	[sflag:s2] =	ssyncadd.s32 @p3 $0xFFFFFFF0;
	(pc) =	sbr.rel .LBB2_9-.Ltmp6, $4  }
0x242: {  	[hbm4b:s5+s4] =	stream.linear.scatter @p3 [tilespmem:s3], [sflag:$0x7], $0x10, $0x38;
	[tilespmem:$0x1C4F8] =	vst v63  }
0x243: {  	_ =	swait.ge @p3 [sflag:s2], $0x10  }
0x244: {  	[sflag:s2] =	ssyncset.done @p3 $0x0  }
0x245: {  	s3 =	sld [smem:$0x7F6];
	[sflag:s2] =	ssyncadd.s32 @p3 $0xFFFFFFF0  }
.LBB2_10:
0x246: {  	_ =	sfence.sel $0x180000  }
0x247: {  	[bflag:$0x0] =	sbarrier.arrive $0xFFFF  }
0x248: {  	_ =	strace $0x90000047  }
0x249: {  	s0 =	stileid.u32;
	[bflag:$0x2] =	sbarrier.arrive $0xFFFF  }
0x24a: {  	p0 =	sne.s32 s0, $0x0;
	s0 =	rddreg [dreg:$0x6]  }
0x24b: {  	s0 =	sadd.s32 @!p0 $0x100000, s0  }
0x24c: {  	[sflag:s0] =	ssyncadd.tile.s32 @!p0 $0x1;
	_ =	shalt  }
.Lfunc_end2:
_tile_overlayer_lowered:
.L_overlay_start_2:
0x24d: {  	(tag) =	ssettag $0x2  }
0x24e: {  	s0 =	rddreg [dreg:$0x0];
	s2 =	stileid.u32  }
0x24f: {  	s1 =	rddreg [dreg:$0x1];
	p0 =	sne.s32 s2, $0x0  }
0x250: {  	s3 =	rddreg [dreg:$0x2];
	[bflag:$0x3] =	sbarrier.arrive $0xFFFF;
	s2 =	simm.s32 @!p0 $0x1C07  }
0x251: {  	[timem:s3], [sflag:s2] =	dma.local @!p0 [hbm:s0], s1  }
0x252: {  	s0 =	simm.s32 @!p0 $0x7  }
0x253: {  	_ =	swait.ge @!p0 [sflag:s0], s1  }
0x254: {  	s1 =	ssub.s32 @!p0 $0x0, s1;
	[sflag:s0] =	ssyncset.done @!p0 $0x0  }
0x255: {  	[sflag:s0] =	ssyncadd.s32 @!p0 s1  }
0x256: {  	[bflag:$0x3] =	sbarrier.arrive $0xFFFF  }
0x257: {  	_ =	shalt  }

</sc_bundles>
